<compile_context>
chip_gen: v7x
topology: tpu7x:2x2x1
jax: 0.10.2.dev20260603
libtpu: 0.0.44.dev20260713+nightly
codegen_flags: <defaults>
</compile_context>

<pallas_src>
import jax
import jax.numpy as jnp
from jax import lax
from jax.experimental import pallas as pl
from jax.experimental.pallas import tpu as pltpu
from jax.experimental.pallas import tpu_sc as plsc

N = 10000
E = 320000
IN_DIM = 128
H = 8
D = 16
NEG_SLOPE = 0.2

NC = 2
NS = 16
NW = NC * NS
CHUNK = 80
NCHUNKS = E // CHUNK
OUTER = NCHUNKS // NW
RPT = N // NS
ZR = 125

_mesh = plsc.VectorSubcoreMesh(core_axis_name="c", subcore_axis_name="s")
_sc_params = pltpu.CompilerParams(use_tc_tiling_on_sc=False)


def _feat_body(h_ref, w_ref, al_ref, ar_ref, feat_ref, el_ref, er_ref):
    feat = jnp.dot(h_ref[...], w_ref[...], preferred_element_type=jnp.float32)
    r = lax.broadcasted_iota(jnp.int32, (IN_DIM, 16), 0) // D
    c = lax.broadcasted_iota(jnp.int32, (IN_DIM, 16), 1)
    sel = (r == c).astype(jnp.float32)
    el_ref[...] = jnp.dot(feat * al_ref[...], sel, preferred_element_type=jnp.float32)
    er_ref[...] = jnp.dot(feat * ar_ref[...], sel, preferred_element_type=jnp.float32)
    feat_ref[...] = feat


_BN = 400
_feat_call = pl.pallas_call(
    _feat_body,
    grid=(N // _BN,),
    in_specs=[
        pl.BlockSpec((_BN, IN_DIM), lambda i: (i, 0)),
        pl.BlockSpec((IN_DIM, IN_DIM), lambda i: (0, 0)),
        pl.BlockSpec((1, IN_DIM), lambda i: (0, 0)),
        pl.BlockSpec((1, IN_DIM), lambda i: (0, 0)),
    ],
    out_specs=[
        pl.BlockSpec((_BN, IN_DIM), lambda i: (i, 0)),
        pl.BlockSpec((_BN, 16), lambda i: (i, 0)),
        pl.BlockSpec((_BN, 16), lambda i: (i, 0)),
    ],
    out_shape=[
        jax.ShapeDtypeStruct((N, IN_DIM), jnp.float32),
        jax.ShapeDtypeStruct((N, 16), jnp.float32),
        jax.ShapeDtypeStruct((N, 16), jnp.float32),
    ],
)


def _edge_body(feat_hbm, el_hbm, er_hbm, src_hbm, dst_hbm,
               part_hbm, partw_hbm,
               acc, accw,
               srcv0, dstv0, dstsc0, frows0, elrows0, errows0,
               srcv1, dstv1, dstsc1, frows1, elrows1, errows1,
               zbuf, zbufw,
               isem0, gsemf0, gseme0, gsemr0, ssemf0, ssemw0,
               isem1, gsemf1, gseme1, gsemr1, ssemf1, ssemw1,
               zsem):
    c = lax.axis_index("c")
    s = lax.axis_index("s")
    wid = c * NS + s

    slots = (
        (srcv0, dstv0, dstsc0, frows0, elrows0, errows0,
         isem0, gsemf0, gseme0, gsemr0, ssemf0, ssemw0),
        (srcv1, dstv1, dstsc1, frows1, elrows1, errows1,
         isem1, gsemf1, gseme1, gsemr1, ssemf1, ssemw1),
    )

    def idx_issue(i, b):
        srcv, dstv = slots[b][0], slots[b][1]
        isem = slots[b][6]
        base = (i * NW + wid) * CHUNK
        pltpu.async_copy(src_hbm.at[pl.ds(base, CHUNK)], srcv, isem)
        pltpu.async_copy(dst_hbm.at[pl.ds(base, CHUNK)], dstv, isem)

    def idx_wait(b):
        srcv, dstv = slots[b][0], slots[b][1]
        isem = slots[b][6]
        pltpu.make_async_copy(src_hbm.at[pl.ds(0, CHUNK)], srcv, isem).wait()
        pltpu.make_async_copy(dst_hbm.at[pl.ds(0, CHUNK)], dstv, isem).wait()

    def scatter_issue(b):
        dstsc, frows, _, errows = slots[b][2], slots[b][3], slots[b][4], slots[b][5]
        ssemf, ssemw = slots[b][10], slots[b][11]
        pltpu.async_copy(frows, acc.at[dstsc], ssemf, add=True)
        pltpu.async_copy(errows, accw.at[dstsc], ssemw, add=True)

    def scatter_wait(b):
        dstsc, frows, _, errows = slots[b][2], slots[b][3], slots[b][4], slots[b][5]
        ssemf, ssemw = slots[b][10], slots[b][11]
        pltpu.make_async_copy(frows, acc.at[dstsc], ssemf).wait()
        pltpu.make_async_copy(errows, accw.at[dstsc], ssemw).wait()

    def dst_copy(b):
        dstv, dstsc = slots[b][1], slots[b][2]
        for j in range(CHUNK // 16):
            dstsc[pl.ds(j * 16, 16)] = dstv[pl.ds(j * 16, 16)]

    zero = jnp.zeros((16,), jnp.float32)

    def zrow(r, carry):
        for j in range(IN_DIM // 16):
            zbuf[r, pl.ds(j * 16, 16)] = zero
        zbufw[r, :] = zero
        return carry

    lax.fori_loop(0, ZR, zrow, 0)
    row0 = s * RPT
    for k in range(RPT // 25):
        pltpu.async_copy(zbuf.at[pl.ds(0, 25)], acc.at[pl.ds(row0 + k * 25, 25)], zsem)
    for k in range(RPT // ZR):
        pltpu.async_copy(zbufw, accw.at[pl.ds(row0 + k * ZR, ZR)], zsem)
    for k in range(RPT // 25):
        pltpu.make_async_copy(zbuf.at[pl.ds(0, 25)], acc.at[pl.ds(row0 + k * 25, 25)], zsem).wait()
    for k in range(RPT // ZR):
        pltpu.make_async_copy(zbufw, accw.at[pl.ds(row0 + k * ZR, ZR)], zsem).wait()
    plsc.subcore_barrier()

    def fetch_issue(i, b):
        srcv, dstv, _, frows, elrows, errows = slots[b][:6]
        gsemf, gseme, gsemr = slots[b][7:10]
        idx_issue(i, b)
        idx_wait(b)
        pltpu.async_copy(feat_hbm.at[srcv], frows, gsemf)
        pltpu.async_copy(el_hbm.at[srcv], elrows, gseme)
        pltpu.async_copy(er_hbm.at[dstv], errows, gsemr)

    def wloop(b):
        srcv, dstv, _, frows, elrows, errows = slots[b][:6]
        gsemf, gseme, gsemr = slots[b][7:10]
        pltpu.make_async_copy(el_hbm.at[srcv], elrows, gseme).wait()
        pltpu.make_async_copy(er_hbm.at[dstv], errows, gsemr).wait()
        dst_copy(b)

        def wbody(j, wcarry):
            x = elrows[j, :] + errows[j, :]
            errows[j, :] = jnp.exp(jnp.where(x > 0, x, x * NEG_SLOPE))
            return wcarry

        lax.fori_loop(0, CHUNK, wbody, 0, unroll=4)
        pltpu.make_async_copy(feat_hbm.at[srcv], frows, gsemf).wait()

    def scale(b):
        frows, errows = slots[b][3], slots[b][5]

        def sbody(e, scarry):
            wv = errows[e, :]
            for hh in range(H):
                fh = frows[e, pl.ds(hh * D, D)]
                frows[e, pl.ds(hh * D, D)] = fh * wv[hh]
            return scarry

        lax.fori_loop(0, CHUNK, sbody, 0, unroll=2)

    def chunk_body(i, carry):
        fetch_issue(i, 0)
        wloop(0)
        scale(0)
        scatter_issue(0)
        scatter_wait(0)
        return carry

    lax.fori_loop(0, OUTER, chunk_body, 0)
    plsc.subcore_barrier()

    for k in range(RPT // ZR):
        r0 = row0 + k * ZR
        pltpu.async_copy(acc.at[pl.ds(r0, ZR)], part_hbm.at[c, pl.ds(r0, ZR)], zsem)
        pltpu.async_copy(accw.at[pl.ds(r0, ZR)], partw_hbm.at[c, pl.ds(r0, ZR)], zsem)
    for k in range(RPT // ZR):
        r0 = row0 + k * ZR
        pltpu.make_async_copy(acc.at[pl.ds(r0, ZR)], part_hbm.at[c, pl.ds(r0, ZR)], zsem).wait()
        pltpu.make_async_copy(accw.at[pl.ds(r0, ZR)], partw_hbm.at[c, pl.ds(r0, ZR)], zsem).wait()


_edge_call = pl.kernel(
    _edge_body,
    out_type=[
        jax.ShapeDtypeStruct((NC, N, IN_DIM), jnp.float32),
        jax.ShapeDtypeStruct((NC, N, 16), jnp.float32),
    ],
    mesh=_mesh,
    scratch_types=[
        pltpu.VMEM_SHARED((N, IN_DIM), jnp.float32),
        pltpu.VMEM_SHARED((N, 16), jnp.float32),
    ] + 2 * [
        pltpu.VMEM((CHUNK,), jnp.int32),
        pltpu.VMEM((CHUNK,), jnp.int32),
        pltpu.VMEM((CHUNK,), jnp.int32),
        pltpu.VMEM((CHUNK, IN_DIM), jnp.float32),
        pltpu.VMEM((CHUNK, 16), jnp.float32),
        pltpu.VMEM((CHUNK, 16), jnp.float32),
    ] + [
        pltpu.VMEM((25, IN_DIM), jnp.float32),
        pltpu.VMEM((ZR, 16), jnp.float32),
    ] + 13 * [pltpu.SemaphoreType.DMA],
    compiler_params=_sc_params,
)


def _fin_body(p_ref, w_ref, h_ref, b_ref, o_ref):
    acc = p_ref[0] + p_ref[1]
    sw = w_ref[0] + w_ref[1]
    r = lax.broadcasted_iota(jnp.int32, (16, IN_DIM), 0)
    c = lax.broadcasted_iota(jnp.int32, (16, IN_DIM), 1) // D
    sel_t = (r == c).astype(jnp.float32)
    sexp = jnp.dot(sw, sel_t, preferred_element_type=jnp.float32)
    rst = jnp.where(sexp > 0, acc / jnp.where(sexp > 0, sexp, 1.0), 0.0)
    z = rst + b_ref[...]
    o_ref[...] = h_ref[...] + jnp.where(z > 0, z, jnp.exp(z) - 1.0)


_finish_call = pl.pallas_call(
    _fin_body,
    grid=(N // _BN,),
    in_specs=[
        pl.BlockSpec((NC, _BN, IN_DIM), lambda i: (0, i, 0)),
        pl.BlockSpec((NC, _BN, 16), lambda i: (0, i, 0)),
        pl.BlockSpec((_BN, IN_DIM), lambda i: (i, 0)),
        pl.BlockSpec((1, IN_DIM), lambda i: (0, 0)),
    ],
    out_specs=pl.BlockSpec((_BN, IN_DIM), lambda i: (i, 0)),
    out_shape=jax.ShapeDtypeStruct((N, IN_DIM), jnp.float32),
)


def kernel(h, edge_index, W, attn_l, attn_r, bias):
    feat, el16, er16 = _feat_call(
        h, W, attn_l.reshape(1, IN_DIM), attn_r.reshape(1, IN_DIM)
    )
    src = edge_index[0]
    dst = edge_index[1]
    part, partw = _edge_call(feat, el16, er16, src, dst)
    return _finish_call(part, partw, h, bias.reshape(1, IN_DIM))

# --- scband reference (transcript-rebuilt; emitter-appended) ---
"""Pipeline reference for scband-gattop-layer-65609920414392 (READ-ONLY COPY).

The authoritative reference and input builder live on the scoring server;
editing this copy changes nothing except your own understanding.
"""

import jax, jax.numpy as jnp
import numpy as np

N = 10000
E = 320000
IN_DIM = 128
H = 8
D = 16  # per-head out dim; H*D == IN_DIM so residual applies
NEG_SLOPE = 0.2


def setup_inputs(seed: int = 0) -> dict:
    key = jax.random.key(seed)
    k1, k2, k3, k4, k5, k6 = jax.random.split(key, 6)
    x = jax.random.normal(k1, (N, IN_DIM), dtype=jnp.float32)
    # graph: first row = src, second row = dst (dst is the aggregation target)
    edge_index = jax.random.randint(k2, (2, E), 0, N, dtype=jnp.int32)
    # GATConv params (DGL): fc weight, attn_l, attn_r, bias
    W = jax.random.normal(k3, (IN_DIM, H * D), dtype=jnp.float32) * (1.0 / np.sqrt(IN_DIM))
    attn_l = jax.random.normal(k4, (H, D), dtype=jnp.float32) * 0.1
    attn_r = jax.random.normal(k5, (H, D), dtype=jnp.float32) * 0.1
    bias = jax.random.normal(k6, (H * D,), dtype=jnp.float32) * 0.01
    return {"h": x, "edge_index": edge_index, "W": W, "attn_l": attn_l, "attn_r": attn_r, "bias": bias}


def reference(h, edge_index, W, attn_l, attn_r, bias):
    # GATConv forward (dropout=0, allow_zero_in_degree=True), top_features=False path
    feat = (h @ W).reshape(N, H, D)                       # [N,H,D]
    el = (feat * attn_l[None]).sum(-1)                    # [N,H]
    er = (feat * attn_r[None]).sum(-1)                    # [N,H]
    src = edge_index[0]
    dst = edge_index[1]
    e = jax.nn.leaky_relu(el[src] + er[dst], NEG_SLOPE)   # [E,H]
    # edge softmax over incoming edges of each dst node
    m = jax.ops.segment_max(e, dst, num_segments=N)       # [N,H]
    m = jnp.where(jnp.isfinite(m), m, 0.0)
    ee = jnp.exp(e - m[dst])
    s = jax.ops.segment_sum(ee, dst, num_segments=N)      # [N,H]
    alpha = ee / s[dst]                                   # [E,H]
    msg = feat[src] * alpha[..., None]                    # [E,H,D]
    rst = jax.ops.segment_sum(msg, dst, num_segments=N)   # [N,H,D]
    rst = rst + bias.reshape(1, H, D)
    out = rst.reshape(N, H * D)                           # flatten(1)
    out = jax.nn.elu(out)                                 # activation=F.elu (batch_norm=False)
    out = h + out                                         # residual (in_dim == out_dim*num_heads)
    return out

if __name__ == "__main__":
    import jax
    _d = setup_inputs()
    print(jax.jit(kernel)(*tuple(_d.values())))

</pallas_src>

<mosaic_0001>
#map = affine_map<(d0, d1) -> (0, 0)>
#map1 = affine_map<(d0, d1) -> (0)>
#map2 = affine_map<(d0, d1) -> (0, 0, 0)>
module attributes {stable_mosaic.version = 14 : i64} {
  func.func @_edge_body(%arg0: i32, %arg1: i32, %arg2: memref<10000x128xf32, #tpu.memory_space<hbm>>, %arg3: memref<10000x16xf32, #tpu.memory_space<hbm>>, %arg4: memref<10000x16xf32, #tpu.memory_space<hbm>>, %arg5: memref<320000xi32, #tpu.memory_space<hbm>>, %arg6: memref<320000xi32, #tpu.memory_space<hbm>>, %arg7: memref<2x10000x128xf32, #tpu.memory_space<hbm>>, %arg8: memref<2x10000x16xf32, #tpu.memory_space<hbm>>, %arg9: memref<10000x128xf32, #tpu.memory_space<vmem_shared>>, %arg10: memref<10000x16xf32, #tpu.memory_space<vmem_shared>>, %arg11: memref<80xi32, #tpu.memory_space<vmem>>, %arg12: memref<80xi32, #tpu.memory_space<vmem>>, %arg13: memref<80xi32, #tpu.memory_space<vmem>>, %arg14: memref<80x128xf32, #tpu.memory_space<vmem>>, %arg15: memref<80x16xf32, #tpu.memory_space<vmem>>, %arg16: memref<80x16xf32, #tpu.memory_space<vmem>>, %arg17: memref<80xi32, #tpu.memory_space<vmem>>, %arg18: memref<80xi32, #tpu.memory_space<vmem>>, %arg19: memref<80xi32, #tpu.memory_space<vmem>>, %arg20: memref<80x128xf32, #tpu.memory_space<vmem>>, %arg21: memref<80x16xf32, #tpu.memory_space<vmem>>, %arg22: memref<80x16xf32, #tpu.memory_space<vmem>>, %arg23: memref<25x128xf32, #tpu.memory_space<vmem>>, %arg24: memref<125x16xf32, #tpu.memory_space<vmem>>, %arg25: memref<!tpu.dma_semaphore, #tpu.memory_space<semaphore_mem>>, %arg26: memref<!tpu.dma_semaphore, #tpu.memory_space<semaphore_mem>>, %arg27: memref<!tpu.dma_semaphore, #tpu.memory_space<semaphore_mem>>, %arg28: memref<!tpu.dma_semaphore, #tpu.memory_space<semaphore_mem>>, %arg29: memref<!tpu.dma_semaphore, #tpu.memory_space<semaphore_mem>>, %arg30: memref<!tpu.dma_semaphore, #tpu.memory_space<semaphore_mem>>, %arg31: memref<!tpu.dma_semaphore, #tpu.memory_space<semaphore_mem>>, %arg32: memref<!tpu.dma_semaphore, #tpu.memory_space<semaphore_mem>>, %arg33: memref<!tpu.dma_semaphore, #tpu.memory_space<semaphore_mem>>, %arg34: memref<!tpu.dma_semaphore, #tpu.memory_space<semaphore_mem>>, %arg35: memref<!tpu.dma_semaphore, #tpu.memory_space<semaphore_mem>>, %arg36: memref<!tpu.dma_semaphore, #tpu.memory_space<semaphore_mem>>, %arg37: memref<!tpu.dma_semaphore, #tpu.memory_space<semaphore_mem>>) attributes {dimension_semantics = [#tpu.dimension_semantics<core_parallel>, #tpu.dimension_semantics<subcore_parallel>], iteration_bounds = array<i64: 2, 16>, scalar_prefetch = 0 : i64, scratch_operands = 29 : i64, tpu.core_type = #tpu.core_type<sc_vector_subcore>, window_params = [{transform_indices = #map}, {transform_indices = #map}, {transform_indices = #map}, {transform_indices = #map1}, {transform_indices = #map1}, {transform_indices = #map2}, {transform_indices = #map2}]} {
    %mul3A = arith.constant 16 : i32
    %mul3A_0 = arith.muli %arg0, %mul3A : i32
    %add3A = arith.addi %mul3A_0, %arg1 : i32
    %broadcast_in_dim3A = arith.constant 0.000000e+00 : f32
    %broadcast_in_dim3A_1 = vector.broadcast %broadcast_in_dim3A : f32 to vector<16xf32>
    %scan3A = arith.constant 0 : i32
    %scan3A_2 = arith.constant 0 : i32
    %scan3A_3 = arith.constant 125 : i32
    %scan3A_4 = arith.addi %scan3A_2, %scan3A_3 : i32
    %scan3A_5 = arith.constant 1 : i32
    scf.for %scan3A_794 = %scan3A_2 to %scan3A_4 step %scan3A_5  : i32 {
      %swap3A = arith.index_cast %scan3A_794 : i32 to index
      %swap3A_795 = arith.constant 0 : index
      %swap3A_796 = tpu.vector_load %arg23[%swap3A, %swap3A_795] {strides = array<i32>} : memref<25x128xf32, #tpu.memory_space<vmem>>, vector<1x16xf32>,
      %swap3A_797 = vector.shape_cast %swap3A_796 : vector<1x16xf32> to vector<16xf32>
      %swap3A_798 = vector.shape_cast %broadcast_in_dim3A_1 : vector<16xf32> to vector<1x16xf32>
      tpu.vector_store %arg23[%swap3A, %swap3A_795], %swap3A_798 {strides = array<i32>} : memref<25x128xf32, #tpu.memory_space<vmem>>, vector<1x16xf32>,
      %swap3A_799 = arith.index_cast %scan3A_794 : i32 to index
      %swap3A_800 = arith.constant 16 : index
      %swap3A_801 = tpu.vector_load %arg23[%swap3A_799, %swap3A_800] {strides = array<i32>} : memref<25x128xf32, #tpu.memory_space<vmem>>, vector<1x16xf32>,
      %swap3A_802 = vector.shape_cast %swap3A_801 : vector<1x16xf32> to vector<16xf32>
      %swap3A_803 = vector.shape_cast %broadcast_in_dim3A_1 : vector<16xf32> to vector<1x16xf32>
      tpu.vector_store %arg23[%swap3A_799, %swap3A_800], %swap3A_803 {strides = array<i32>} : memref<25x128xf32, #tpu.memory_space<vmem>>, vector<1x16xf32>,
      %swap3A_804 = arith.index_cast %scan3A_794 : i32 to index
      %swap3A_805 = arith.constant 32 : index
      %swap3A_806 = tpu.vector_load %arg23[%swap3A_804, %swap3A_805] {strides = array<i32>} : memref<25x128xf32, #tpu.memory_space<vmem>>, vector<1x16xf32>,
      %swap3A_807 = vector.shape_cast %swap3A_806 : vector<1x16xf32> to vector<16xf32>
      %swap3A_808 = vector.shape_cast %broadcast_in_dim3A_1 : vector<16xf32> to vector<1x16xf32>
      tpu.vector_store %arg23[%swap3A_804, %swap3A_805], %swap3A_808 {strides = array<i32>} : memref<25x128xf32, #tpu.memory_space<vmem>>, vector<1x16xf32>,
      %swap3A_809 = arith.index_cast %scan3A_794 : i32 to index
      %swap3A_810 = arith.constant 48 : index
      %swap3A_811 = tpu.vector_load %arg23[%swap3A_809, %swap3A_810] {strides = array<i32>} : memref<25x128xf32, #tpu.memory_space<vmem>>, vector<1x16xf32>,
      %swap3A_812 = vector.shape_cast %swap3A_811 : vector<1x16xf32> to vector<16xf32>
      %swap3A_813 = vector.shape_cast %broadcast_in_dim3A_1 : vector<16xf32> to vector<1x16xf32>
      tpu.vector_store %arg23[%swap3A_809, %swap3A_810], %swap3A_813 {strides = array<i32>} : memref<25x128xf32, #tpu.memory_space<vmem>>, vector<1x16xf32>,
      %swap3A_814 = arith.index_cast %scan3A_794 : i32 to index
      %swap3A_815 = arith.constant 64 : index
      %swap3A_816 = tpu.vector_load %arg23[%swap3A_814, %swap3A_815] {strides = array<i32>} : memref<25x128xf32, #tpu.memory_space<vmem>>, vector<1x16xf32>,
      %swap3A_817 = vector.shape_cast %swap3A_816 : vector<1x16xf32> to vector<16xf32>
      %swap3A_818 = vector.shape_cast %broadcast_in_dim3A_1 : vector<16xf32> to vector<1x16xf32>
      tpu.vector_store %arg23[%swap3A_814, %swap3A_815], %swap3A_818 {strides = array<i32>} : memref<25x128xf32, #tpu.memory_space<vmem>>, vector<1x16xf32>,
      %swap3A_819 = arith.index_cast %scan3A_794 : i32 to index
      %swap3A_820 = arith.constant 80 : index
      %swap3A_821 = tpu.vector_load %arg23[%swap3A_819, %swap3A_820] {strides = array<i32>} : memref<25x128xf32, #tpu.memory_space<vmem>>, vector<1x16xf32>,
      %swap3A_822 = vector.shape_cast %swap3A_821 : vector<1x16xf32> to vector<16xf32>
      %swap3A_823 = vector.shape_cast %broadcast_in_dim3A_1 : vector<16xf32> to vector<1x16xf32>
      tpu.vector_store %arg23[%swap3A_819, %swap3A_820], %swap3A_823 {strides = array<i32>} : memref<25x128xf32, #tpu.memory_space<vmem>>, vector<1x16xf32>,
      %swap3A_824 = arith.index_cast %scan3A_794 : i32 to index
      %swap3A_825 = arith.constant 96 : index
      %swap3A_826 = tpu.vector_load %arg23[%swap3A_824, %swap3A_825] {strides = array<i32>} : memref<25x128xf32, #tpu.memory_space<vmem>>, vector<1x16xf32>,
      %swap3A_827 = vector.shape_cast %swap3A_826 : vector<1x16xf32> to vector<16xf32>
      %swap3A_828 = vector.shape_cast %broadcast_in_dim3A_1 : vector<16xf32> to vector<1x16xf32>
      tpu.vector_store %arg23[%swap3A_824, %swap3A_825], %swap3A_828 {strides = array<i32>} : memref<25x128xf32, #tpu.memory_space<vmem>>, vector<1x16xf32>,
      %swap3A_829 = arith.index_cast %scan3A_794 : i32 to index
      %swap3A_830 = arith.constant 112 : index
      %swap3A_831 = tpu.vector_load %arg23[%swap3A_829, %swap3A_830] {strides = array<i32>} : memref<25x128xf32, #tpu.memory_space<vmem>>, vector<1x16xf32>,
      %swap3A_832 = vector.shape_cast %swap3A_831 : vector<1x16xf32> to vector<16xf32>
      %swap3A_833 = vector.shape_cast %broadcast_in_dim3A_1 : vector<16xf32> to vector<1x16xf32>
      tpu.vector_store %arg23[%swap3A_829, %swap3A_830], %swap3A_833 {strides = array<i32>} : memref<25x128xf32, #tpu.memory_space<vmem>>, vector<1x16xf32>,
      %swap3A_834 = arith.index_cast %scan3A_794 : i32 to index
      %swap3A_835 = arith.constant 0 : index
      %swap3A_836 = tpu.vector_load %arg24[%swap3A_834, %swap3A_835] {strides = array<i32>} : memref<125x16xf32, #tpu.memory_space<vmem>>, vector<1x16xf32>,
      %swap3A_837 = vector.shape_cast %swap3A_836 : vector<1x16xf32> to vector<16xf32>
      %swap3A_838 = vector.shape_cast %broadcast_in_dim3A_1 : vector<16xf32> to vector<1x16xf32>
      tpu.vector_store %arg24[%swap3A_834, %swap3A_835], %swap3A_838 {strides = array<i32>} : memref<125x16xf32, #tpu.memory_space<vmem>>, vector<1x16xf32>,
    }
    %scan3A_6 = arith.constant 125 : i32
    %mul3A_7 = arith.constant 625 : i32
    %mul3A_8 = arith.muli %arg1, %mul3A_7 : i32
    %add3A_9 = arith.constant 0 : i32
    %add3A_10 = arith.addi %mul3A_8, %add3A_9 : i32
    %dma_start3A = arith.constant 0 : i32
    %dma_start3A_11 = arith.constant 0 : i32
    %dma_start3A_12 = tpu.memref_slice %arg23[%dma_start3A, %dma_start3A_11] : memref<25x128xf32, #tpu.memory_space<vmem>> -> memref<25x128xf32, #tpu.memory_space<vmem>>
    %dma_start3A_13 = arith.constant 0 : i32
    %dma_start3A_14 = tpu.memref_slice %arg9[%add3A_10, %dma_start3A_13] : memref<10000x128xf32, #tpu.memory_space<vmem_shared>> -> memref<25x128xf32, #tpu.memory_space<vmem_shared>>
    %dma_start3A_15 = arith.constant 0 : i32
    %dma_start3A_16 = tpu.memref_slice %arg9[%add3A_10, %dma_start3A_15] : memref<10000x128xf32, #tpu.memory_space<vmem_shared>> -> memref<25x128xf32, #tpu.memory_space<vmem_shared>>
    %dma_start3A_17 = arith.constant 0 : i32
    %dma_start3A_18 = arith.constant 0 : i32
    %dma_start3A_19 = tpu.memref_slice %arg23[%dma_start3A_17, %dma_start3A_18] : memref<25x128xf32, #tpu.memory_space<vmem>> -> memref<25x128xf32, #tpu.memory_space<vmem>>
    tpu.enqueue_dma source(%dma_start3A_19 : memref<25x128xf32, #tpu.memory_space<vmem>>) target(%dma_start3A_16 : memref<25x128xf32, #tpu.memory_space<vmem_shared>>) target_semaphore(%arg37 : memref<!tpu.dma_semaphore, #tpu.memory_space<semaphore_mem>>)
    %add3A_20 = arith.constant 25 : i32
    %add3A_21 = arith.addi %mul3A_8, %add3A_20 : i32
    %dma_start3A_22 = arith.constant 0 : i32
    %dma_start3A_23 = arith.constant 0 : i32
    %dma_start3A_24 = tpu.memref_slice %arg23[%dma_start3A_22, %dma_start3A_23] : memref<25x128xf32, #tpu.memory_space<vmem>> -> memref<25x128xf32, #tpu.memory_space<vmem>>
    %dma_start3A_25 = arith.constant 0 : i32
    %dma_start3A_26 = tpu.memref_slice %arg9[%add3A_21, %dma_start3A_25] : memref<10000x128xf32, #tpu.memory_space<vmem_shared>> -> memref<25x128xf32, #tpu.memory_space<vmem_shared>>
    %dma_start3A_27 = arith.constant 0 : i32
    %dma_start3A_28 = tpu.memref_slice %arg9[%add3A_21, %dma_start3A_27] : memref<10000x128xf32, #tpu.memory_space<vmem_shared>> -> memref<25x128xf32, #tpu.memory_space<vmem_shared>>
    %dma_start3A_29 = arith.constant 0 : i32
    %dma_start3A_30 = arith.constant 0 : i32
    %dma_start3A_31 = tpu.memref_slice %arg23[%dma_start3A_29, %dma_start3A_30] : memref<25x128xf32, #tpu.memory_space<vmem>> -> memref<25x128xf32, #tpu.memory_space<vmem>>
    tpu.enqueue_dma source(%dma_start3A_31 : memref<25x128xf32, #tpu.memory_space<vmem>>) target(%dma_start3A_28 : memref<25x128xf32, #tpu.memory_space<vmem_shared>>) target_semaphore(%arg37 : memref<!tpu.dma_semaphore, #tpu.memory_space<semaphore_mem>>)
    %add3A_32 = arith.constant 50 : i32
    %add3A_33 = arith.addi %mul3A_8, %add3A_32 : i32
    %dma_start3A_34 = arith.constant 0 : i32
    %dma_start3A_35 = arith.constant 0 : i32
    %dma_start3A_36 = tpu.memref_slice %arg23[%dma_start3A_34, %dma_start3A_35] : memref<25x128xf32, #tpu.memory_space<vmem>> -> memref<25x128xf32, #tpu.memory_space<vmem>>
    %dma_start3A_37 = arith.constant 0 : i32
    %dma_start3A_38 = tpu.memref_slice %arg9[%add3A_33, %dma_start3A_37] : memref<10000x128xf32, #tpu.memory_space<vmem_shared>> -> memref<25x128xf32, #tpu.memory_space<vmem_shared>>
    %dma_start3A_39 = arith.constant 0 : i32
    %dma_start3A_40 = tpu.memref_slice %arg9[%add3A_33, %dma_start3A_39] : memref<10000x128xf32, #tpu.memory_space<vmem_shared>> -> memref<25x128xf32, #tpu.memory_space<vmem_shared>>
    %dma_start3A_41 = arith.constant 0 : i32
    %dma_start3A_42 = arith.constant 0 : i32
    %dma_start3A_43 = tpu.memref_slice %arg23[%dma_start3A_41, %dma_start3A_42] : memref<25x128xf32, #tpu.memory_space<vmem>> -> memref<25x128xf32, #tpu.memory_space<vmem>>
    tpu.enqueue_dma source(%dma_start3A_43 : memref<25x128xf32, #tpu.memory_space<vmem>>) target(%dma_start3A_40 : memref<25x128xf32, #tpu.memory_space<vmem_shared>>) target_semaphore(%arg37 : memref<!tpu.dma_semaphore, #tpu.memory_space<semaphore_mem>>)
    %add3A_44 = arith.constant 75 : i32
    %add3A_45 = arith.addi %mul3A_8, %add3A_44 : i32
    %dma_start3A_46 = arith.constant 0 : i32
    %dma_start3A_47 = arith.constant 0 : i32
    %dma_start3A_48 = tpu.memref_slice %arg23[%dma_start3A_46, %dma_start3A_47] : memref<25x128xf32, #tpu.memory_space<vmem>> -> memref<25x128xf32, #tpu.memory_space<vmem>>
    %dma_start3A_49 = arith.constant 0 : i32
    %dma_start3A_50 = tpu.memref_slice %arg9[%add3A_45, %dma_start3A_49] : memref<10000x128xf32, #tpu.memory_space<vmem_shared>> -> memref<25x128xf32, #tpu.memory_space<vmem_shared>>
    %dma_start3A_51 = arith.constant 0 : i32
    %dma_start3A_52 = tpu.memref_slice %arg9[%add3A_45, %dma_start3A_51] : memref<10000x128xf32, #tpu.memory_space<vmem_shared>> -> memref<25x128xf32, #tpu.memory_space<vmem_shared>>
    %dma_start3A_53 = arith.constant 0 : i32
    %dma_start3A_54 = arith.constant 0 : i32
    %dma_start3A_55 = tpu.memref_slice %arg23[%dma_start3A_53, %dma_start3A_54] : memref<25x128xf32, #tpu.memory_space<vmem>> -> memref<25x128xf32, #tpu.memory_space<vmem>>
    tpu.enqueue_dma source(%dma_start3A_55 : memref<25x128xf32, #tpu.memory_space<vmem>>) target(%dma_start3A_52 : memref<25x128xf32, #tpu.memory_space<vmem_shared>>) target_semaphore(%arg37 : memref<!tpu.dma_semaphore, #tpu.memory_space<semaphore_mem>>)
    %add3A_56 = arith.constant 100 : i32
    %add3A_57 = arith.addi %mul3A_8, %add3A_56 : i32
    %dma_start3A_58 = arith.constant 0 : i32
    %dma_start3A_59 = arith.constant 0 : i32
    %dma_start3A_60 = tpu.memref_slice %arg23[%dma_start3A_58, %dma_start3A_59] : memref<25x128xf32, #tpu.memory_space<vmem>> -> memref<25x128xf32, #tpu.memory_space<vmem>>
    %dma_start3A_61 = arith.constant 0 : i32
    %dma_start3A_62 = tpu.memref_slice %arg9[%add3A_57, %dma_start3A_61] : memref<10000x128xf32, #tpu.memory_space<vmem_shared>> -> memref<25x128xf32, #tpu.memory_space<vmem_shared>>
    %dma_start3A_63 = arith.constant 0 : i32
    %dma_start3A_64 = tpu.memref_slice %arg9[%add3A_57, %dma_start3A_63] : memref<10000x128xf32, #tpu.memory_space<vmem_shared>> -> memref<25x128xf32, #tpu.memory_space<vmem_shared>>
    %dma_start3A_65 = arith.constant 0 : i32
    %dma_start3A_66 = arith.constant 0 : i32
    %dma_start3A_67 = tpu.memref_slice %arg23[%dma_start3A_65, %dma_start3A_66] : memref<25x128xf32, #tpu.memory_space<vmem>> -> memref<25x128xf32, #tpu.memory_space<vmem>>
    tpu.enqueue_dma source(%dma_start3A_67 : memref<25x128xf32, #tpu.memory_space<vmem>>) target(%dma_start3A_64 : memref<25x128xf32, #tpu.memory_space<vmem_shared>>) target_semaphore(%arg37 : memref<!tpu.dma_semaphore, #tpu.memory_space<semaphore_mem>>)
    %add3A_68 = arith.constant 125 : i32
    %add3A_69 = arith.addi %mul3A_8, %add3A_68 : i32
    %dma_start3A_70 = arith.constant 0 : i32
    %dma_start3A_71 = arith.constant 0 : i32
    %dma_start3A_72 = tpu.memref_slice %arg23[%dma_start3A_70, %dma_start3A_71] : memref<25x128xf32, #tpu.memory_space<vmem>> -> memref<25x128xf32, #tpu.memory_space<vmem>>
    %dma_start3A_73 = arith.constant 0 : i32
    %dma_start3A_74 = tpu.memref_slice %arg9[%add3A_69, %dma_start3A_73] : memref<10000x128xf32, #tpu.memory_space<vmem_shared>> -> memref<25x128xf32, #tpu.memory_space<vmem_shared>>
    %dma_start3A_75 = arith.constant 0 : i32
    %dma_start3A_76 = tpu.memref_slice %arg9[%add3A_69, %dma_start3A_75] : memref<10000x128xf32, #tpu.memory_space<vmem_shared>> -> memref<25x128xf32, #tpu.memory_space<vmem_shared>>
    %dma_start3A_77 = arith.constant 0 : i32
    %dma_start3A_78 = arith.constant 0 : i32
    %dma_start3A_79 = tpu.memref_slice %arg23[%dma_start3A_77, %dma_start3A_78] : memref<25x128xf32, #tpu.memory_space<vmem>> -> memref<25x128xf32, #tpu.memory_space<vmem>>
    tpu.enqueue_dma source(%dma_start3A_79 : memref<25x128xf32, #tpu.memory_space<vmem>>) target(%dma_start3A_76 : memref<25x128xf32, #tpu.memory_space<vmem_shared>>) target_semaphore(%arg37 : memref<!tpu.dma_semaphore, #tpu.memory_space<semaphore_mem>>)
    %add3A_80 = arith.constant 150 : i32
    %add3A_81 = arith.addi %mul3A_8, %add3A_80 : i32
    %dma_start3A_82 = arith.constant 0 : i32
    %dma_start3A_83 = arith.constant 0 : i32
    %dma_start3A_84 = tpu.memref_slice %arg23[%dma_start3A_82, %dma_start3A_83] : memref<25x128xf32, #tpu.memory_space<vmem>> -> memref<25x128xf32, #tpu.memory_space<vmem>>
    %dma_start3A_85 = arith.constant 0 : i32
    %dma_start3A_86 = tpu.memref_slice %arg9[%add3A_81, %dma_start3A_85] : memref<10000x128xf32, #tpu.memory_space<vmem_shared>> -> memref<25x128xf32, #tpu.memory_space<vmem_shared>>
    %dma_start3A_87 = arith.constant 0 : i32
    %dma_start3A_88 = tpu.memref_slice %arg9[%add3A_81, %dma_start3A_87] : memref<10000x128xf32, #tpu.memory_space<vmem_shared>> -> memref<25x128xf32, #tpu.memory_space<vmem_shared>>
    %dma_start3A_89 = arith.constant 0 : i32
    %dma_start3A_90 = arith.constant 0 : i32
    %dma_start3A_91 = tpu.memref_slice %arg23[%dma_start3A_89, %dma_start3A_90] : memref<25x128xf32, #tpu.memory_space<vmem>> -> memref<25x128xf32, #tpu.memory_space<vmem>>
    tpu.enqueue_dma source(%dma_start3A_91 : memref<25x128xf32, #tpu.memory_space<vmem>>) target(%dma_start3A_88 : memref<25x128xf32, #tpu.memory_space<vmem_shared>>) target_semaphore(%arg37 : memref<!tpu.dma_semaphore, #tpu.memory_space<semaphore_mem>>)
    %add3A_92 = arith.constant 175 : i32
    %add3A_93 = arith.addi %mul3A_8, %add3A_92 : i32
    %dma_start3A_94 = arith.constant 0 : i32
    %dma_start3A_95 = arith.constant 0 : i32
    %dma_start3A_96 = tpu.memref_slice %arg23[%dma_start3A_94, %dma_start3A_95] : memref<25x128xf32, #tpu.memory_space<vmem>> -> memref<25x128xf32, #tpu.memory_space<vmem>>
    %dma_start3A_97 = arith.constant 0 : i32
    %dma_start3A_98 = tpu.memref_slice %arg9[%add3A_93, %dma_start3A_97] : memref<10000x128xf32, #tpu.memory_space<vmem_shared>> -> memref<25x128xf32, #tpu.memory_space<vmem_shared>>
    %dma_start3A_99 = arith.constant 0 : i32
    %dma_start3A_100 = tpu.memref_slice %arg9[%add3A_93, %dma_start3A_99] : memref<10000x128xf32, #tpu.memory_space<vmem_shared>> -> memref<25x128xf32, #tpu.memory_space<vmem_shared>>
    %dma_start3A_101 = arith.constant 0 : i32
    %dma_start3A_102 = arith.constant 0 : i32
    %dma_start3A_103 = tpu.memref_slice %arg23[%dma_start3A_101, %dma_start3A_102] : memref<25x128xf32, #tpu.memory_space<vmem>> -> memref<25x128xf32, #tpu.memory_space<vmem>>
    tpu.enqueue_dma source(%dma_start3A_103 : memref<25x128xf32, #tpu.memory_space<vmem>>) target(%dma_start3A_100 : memref<25x128xf32, #tpu.memory_space<vmem_shared>>) target_semaphore(%arg37 : memref<!tpu.dma_semaphore, #tpu.memory_space<semaphore_mem>>)
    %add3A_104 = arith.constant 200 : i32
    %add3A_105 = arith.addi %mul3A_8, %add3A_104 : i32
    %dma_start3A_106 = arith.constant 0 : i32
    %dma_start3A_107 = arith.constant 0 : i32
    %dma_start3A_108 = tpu.memref_slice %arg23[%dma_start3A_106, %dma_start3A_107] : memref<25x128xf32, #tpu.memory_space<vmem>> -> memref<25x128xf32, #tpu.memory_space<vmem>>
    %dma_start3A_109 = arith.constant 0 : i32
    %dma_start3A_110 = tpu.memref_slice %arg9[%add3A_105, %dma_start3A_109] : memref<10000x128xf32, #tpu.memory_space<vmem_shared>> -> memref<25x128xf32, #tpu.memory_space<vmem_shared>>
    %dma_start3A_111 = arith.constant 0 : i32
    %dma_start3A_112 = tpu.memref_slice %arg9[%add3A_105, %dma_start3A_111] : memref<10000x128xf32, #tpu.memory_space<vmem_shared>> -> memref<25x128xf32, #tpu.memory_space<vmem_shared>>
    %dma_start3A_113 = arith.constant 0 : i32
    %dma_start3A_114 = arith.constant 0 : i32
    %dma_start3A_115 = tpu.memref_slice %arg23[%dma_start3A_113, %dma_start3A_114] : memref<25x128xf32, #tpu.memory_space<vmem>> -> memref<25x128xf32, #tpu.memory_space<vmem>>
    tpu.enqueue_dma source(%dma_start3A_115 : memref<25x128xf32, #tpu.memory_space<vmem>>) target(%dma_start3A_112 : memref<25x128xf32, #tpu.memory_space<vmem_shared>>) target_semaphore(%arg37 : memref<!tpu.dma_semaphore, #tpu.memory_space<semaphore_mem>>)
    %add3A_116 = arith.constant 225 : i32
    %add3A_117 = arith.addi %mul3A_8, %add3A_116 : i32
    %dma_start3A_118 = arith.constant 0 : i32
    %dma_start3A_119 = arith.constant 0 : i32
    %dma_start3A_120 = tpu.memref_slice %arg23[%dma_start3A_118, %dma_start3A_119] : memref<25x128xf32, #tpu.memory_space<vmem>> -> memref<25x128xf32, #tpu.memory_space<vmem>>
    %dma_start3A_121 = arith.constant 0 : i32
    %dma_start3A_122 = tpu.memref_slice %arg9[%add3A_117, %dma_start3A_121] : memref<10000x128xf32, #tpu.memory_space<vmem_shared>> -> memref<25x128xf32, #tpu.memory_space<vmem_shared>>
    %dma_start3A_123 = arith.constant 0 : i32
    %dma_start3A_124 = tpu.memref_slice %arg9[%add3A_117, %dma_start3A_123] : memref<10000x128xf32, #tpu.memory_space<vmem_shared>> -> memref<25x128xf32, #tpu.memory_space<vmem_shared>>
    %dma_start3A_125 = arith.constant 0 : i32
    %dma_start3A_126 = arith.constant 0 : i32
    %dma_start3A_127 = tpu.memref_slice %arg23[%dma_start3A_125, %dma_start3A_126] : memref<25x128xf32, #tpu.memory_space<vmem>> -> memref<25x128xf32, #tpu.memory_space<vmem>>
    tpu.enqueue_dma source(%dma_start3A_127 : memref<25x128xf32, #tpu.memory_space<vmem>>) target(%dma_start3A_124 : memref<25x128xf32, #tpu.memory_space<vmem_shared>>) target_semaphore(%arg37 : memref<!tpu.dma_semaphore, #tpu.memory_space<semaphore_mem>>)
    %add3A_128 = arith.constant 250 : i32
    %add3A_129 = arith.addi %mul3A_8, %add3A_128 : i32
    %dma_start3A_130 = arith.constant 0 : i32
    %dma_start3A_131 = arith.constant 0 : i32
    %dma_start3A_132 = tpu.memref_slice %arg23[%dma_start3A_130, %dma_start3A_131] : memref<25x128xf32, #tpu.memory_space<vmem>> -> memref<25x128xf32, #tpu.memory_space<vmem>>
    %dma_start3A_133 = arith.constant 0 : i32
    %dma_start3A_134 = tpu.memref_slice %arg9[%add3A_129, %dma_start3A_133] : memref<10000x128xf32, #tpu.memory_space<vmem_shared>> -> memref<25x128xf32, #tpu.memory_space<vmem_shared>>
    %dma_start3A_135 = arith.constant 0 : i32
    %dma_start3A_136 = tpu.memref_slice %arg9[%add3A_129, %dma_start3A_135] : memref<10000x128xf32, #tpu.memory_space<vmem_shared>> -> memref<25x128xf32, #tpu.memory_space<vmem_shared>>
    %dma_start3A_137 = arith.constant 0 : i32
    %dma_start3A_138 = arith.constant 0 : i32
    %dma_start3A_139 = tpu.memref_slice %arg23[%dma_start3A_137, %dma_start3A_138] : memref<25x128xf32, #tpu.memory_space<vmem>> -> memref<25x128xf32, #tpu.memory_space<vmem>>
    tpu.enqueue_dma source(%dma_start3A_139 : memref<25x128xf32, #tpu.memory_space<vmem>>) target(%dma_start3A_136 : memref<25x128xf32, #tpu.memory_space<vmem_shared>>) target_semaphore(%arg37 : memref<!tpu.dma_semaphore, #tpu.memory_space<semaphore_mem>>)
    %add3A_140 = arith.constant 275 : i32
    %add3A_141 = arith.addi %mul3A_8, %add3A_140 : i32
    %dma_start3A_142 = arith.constant 0 : i32
    %dma_start3A_143 = arith.constant 0 : i32
    %dma_start3A_144 = tpu.memref_slice %arg23[%dma_start3A_142, %dma_start3A_143] : memref<25x128xf32, #tpu.memory_space<vmem>> -> memref<25x128xf32, #tpu.memory_space<vmem>>
    %dma_start3A_145 = arith.constant 0 : i32
    %dma_start3A_146 = tpu.memref_slice %arg9[%add3A_141, %dma_start3A_145] : memref<10000x128xf32, #tpu.memory_space<vmem_shared>> -> memref<25x128xf32, #tpu.memory_space<vmem_shared>>
    %dma_start3A_147 = arith.constant 0 : i32
    %dma_start3A_148 = tpu.memref_slice %arg9[%add3A_141, %dma_start3A_147] : memref<10000x128xf32, #tpu.memory_space<vmem_shared>> -> memref<25x128xf32, #tpu.memory_space<vmem_shared>>
    %dma_start3A_149 = arith.constant 0 : i32
    %dma_start3A_150 = arith.constant 0 : i32
    %dma_start3A_151 = tpu.memref_slice %arg23[%dma_start3A_149, %dma_start3A_150] : memref<25x128xf32, #tpu.memory_space<vmem>> -> memref<25x128xf32, #tpu.memory_space<vmem>>
    tpu.enqueue_dma source(%dma_start3A_151 : memref<25x128xf32, #tpu.memory_space<vmem>>) target(%dma_start3A_148 : memref<25x128xf32, #tpu.memory_space<vmem_shared>>) target_semaphore(%arg37 : memref<!tpu.dma_semaphore, #tpu.memory_space<semaphore_mem>>)
    %add3A_152 = arith.constant 300 : i32
    %add3A_153 = arith.addi %mul3A_8, %add3A_152 : i32
    %dma_start3A_154 = arith.constant 0 : i32
    %dma_start3A_155 = arith.constant 0 : i32
    %dma_start3A_156 = tpu.memref_slice %arg23[%dma_start3A_154, %dma_start3A_155] : memref<25x128xf32, #tpu.memory_space<vmem>> -> memref<25x128xf32, #tpu.memory_space<vmem>>
    %dma_start3A_157 = arith.constant 0 : i32
    %dma_start3A_158 = tpu.memref_slice %arg9[%add3A_153, %dma_start3A_157] : memref<10000x128xf32, #tpu.memory_space<vmem_shared>> -> memref<25x128xf32, #tpu.memory_space<vmem_shared>>
    %dma_start3A_159 = arith.constant 0 : i32
    %dma_start3A_160 = tpu.memref_slice %arg9[%add3A_153, %dma_start3A_159] : memref<10000x128xf32, #tpu.memory_space<vmem_shared>> -> memref<25x128xf32, #tpu.memory_space<vmem_shared>>
    %dma_start3A_161 = arith.constant 0 : i32
    %dma_start3A_162 = arith.constant 0 : i32
    %dma_start3A_163 = tpu.memref_slice %arg23[%dma_start3A_161, %dma_start3A_162] : memref<25x128xf32, #tpu.memory_space<vmem>> -> memref<25x128xf32, #tpu.memory_space<vmem>>
    tpu.enqueue_dma source(%dma_start3A_163 : memref<25x128xf32, #tpu.memory_space<vmem>>) target(%dma_start3A_160 : memref<25x128xf32, #tpu.memory_space<vmem_shared>>) target_semaphore(%arg37 : memref<!tpu.dma_semaphore, #tpu.memory_space<semaphore_mem>>)
    %add3A_164 = arith.constant 325 : i32
    %add3A_165 = arith.addi %mul3A_8, %add3A_164 : i32
    %dma_start3A_166 = arith.constant 0 : i32
    %dma_start3A_167 = arith.constant 0 : i32
    %dma_start3A_168 = tpu.memref_slice %arg23[%dma_start3A_166, %dma_start3A_167] : memref<25x128xf32, #tpu.memory_space<vmem>> -> memref<25x128xf32, #tpu.memory_space<vmem>>
    %dma_start3A_169 = arith.constant 0 : i32
    %dma_start3A_170 = tpu.memref_slice %arg9[%add3A_165, %dma_start3A_169] : memref<10000x128xf32, #tpu.memory_space<vmem_shared>> -> memref<25x128xf32, #tpu.memory_space<vmem_shared>>
    %dma_start3A_171 = arith.constant 0 : i32
    %dma_start3A_172 = tpu.memref_slice %arg9[%add3A_165, %dma_start3A_171] : memref<10000x128xf32, #tpu.memory_space<vmem_shared>> -> memref<25x128xf32, #tpu.memory_space<vmem_shared>>
    %dma_start3A_173 = arith.constant 0 : i32
    %dma_start3A_174 = arith.constant 0 : i32
    %dma_start3A_175 = tpu.memref_slice %arg23[%dma_start3A_173, %dma_start3A_174] : memref<25x128xf32, #tpu.memory_space<vmem>> -> memref<25x128xf32, #tpu.memory_space<vmem>>
    tpu.enqueue_dma source(%dma_start3A_175 : memref<25x128xf32, #tpu.memory_space<vmem>>) target(%dma_start3A_172 : memref<25x128xf32, #tpu.memory_space<vmem_shared>>) target_semaphore(%arg37 : memref<!tpu.dma_semaphore, #tpu.memory_space<semaphore_mem>>)
    %add3A_176 = arith.constant 350 : i32
    %add3A_177 = arith.addi %mul3A_8, %add3A_176 : i32
    %dma_start3A_178 = arith.constant 0 : i32
    %dma_start3A_179 = arith.constant 0 : i32
    %dma_start3A_180 = tpu.memref_slice %arg23[%dma_start3A_178, %dma_start3A_179] : memref<25x128xf32, #tpu.memory_space<vmem>> -> memref<25x128xf32, #tpu.memory_space<vmem>>
    %dma_start3A_181 = arith.constant 0 : i32
    %dma_start3A_182 = tpu.memref_slice %arg9[%add3A_177, %dma_start3A_181] : memref<10000x128xf32, #tpu.memory_space<vmem_shared>> -> memref<25x128xf32, #tpu.memory_space<vmem_shared>>
    %dma_start3A_183 = arith.constant 0 : i32
    %dma_start3A_184 = tpu.memref_slice %arg9[%add3A_177, %dma_start3A_183] : memref<10000x128xf32, #tpu.memory_space<vmem_shared>> -> memref<25x128xf32, #tpu.memory_space<vmem_shared>>
    %dma_start3A_185 = arith.constant 0 : i32
    %dma_start3A_186 = arith.constant 0 : i32
    %dma_start3A_187 = tpu.memref_slice %arg23[%dma_start3A_185, %dma_start3A_186] : memref<25x128xf32, #tpu.memory_space<vmem>> -> memref<25x128xf32, #tpu.memory_space<vmem>>
    tpu.enqueue_dma source(%dma_start3A_187 : memref<25x128xf32, #tpu.memory_space<vmem>>) target(%dma_start3A_184 : memref<25x128xf32, #tpu.memory_space<vmem_shared>>) target_semaphore(%arg37 : memref<!tpu.dma_semaphore, #tpu.memory_space<semaphore_mem>>)
    %add3A_188 = arith.constant 375 : i32
    %add3A_189 = arith.addi %mul3A_8, %add3A_188 : i32
    %dma_start3A_190 = arith.constant 0 : i32
    %dma_start3A_191 = arith.constant 0 : i32
    %dma_start3A_192 = tpu.memref_slice %arg23[%dma_start3A_190, %dma_start3A_191] : memref<25x128xf32, #tpu.memory_space<vmem>> -> memref<25x128xf32, #tpu.memory_space<vmem>>
    %dma_start3A_193 = arith.constant 0 : i32
    %dma_start3A_194 = tpu.memref_slice %arg9[%add3A_189, %dma_start3A_193] : memref<10000x128xf32, #tpu.memory_space<vmem_shared>> -> memref<25x128xf32, #tpu.memory_space<vmem_shared>>
    %dma_start3A_195 = arith.constant 0 : i32
    %dma_start3A_196 = tpu.memref_slice %arg9[%add3A_189, %dma_start3A_195] : memref<10000x128xf32, #tpu.memory_space<vmem_shared>> -> memref<25x128xf32, #tpu.memory_space<vmem_shared>>
    %dma_start3A_197 = arith.constant 0 : i32
    %dma_start3A_198 = arith.constant 0 : i32
    %dma_start3A_199 = tpu.memref_slice %arg23[%dma_start3A_197, %dma_start3A_198] : memref<25x128xf32, #tpu.memory_space<vmem>> -> memref<25x128xf32, #tpu.memory_space<vmem>>
    tpu.enqueue_dma source(%dma_start3A_199 : memref<25x128xf32, #tpu.memory_space<vmem>>) target(%dma_start3A_196 : memref<25x128xf32, #tpu.memory_space<vmem_shared>>) target_semaphore(%arg37 : memref<!tpu.dma_semaphore, #tpu.memory_space<semaphore_mem>>)
    %add3A_200 = arith.constant 400 : i32
    %add3A_201 = arith.addi %mul3A_8, %add3A_200 : i32
    %dma_start3A_202 = arith.constant 0 : i32
    %dma_start3A_203 = arith.constant 0 : i32
    %dma_start3A_204 = tpu.memref_slice %arg23[%dma_start3A_202, %dma_start3A_203] : memref<25x128xf32, #tpu.memory_space<vmem>> -> memref<25x128xf32, #tpu.memory_space<vmem>>
    %dma_start3A_205 = arith.constant 0 : i32
    %dma_start3A_206 = tpu.memref_slice %arg9[%add3A_201, %dma_start3A_205] : memref<10000x128xf32, #tpu.memory_space<vmem_shared>> -> memref<25x128xf32, #tpu.memory_space<vmem_shared>>
    %dma_start3A_207 = arith.constant 0 : i32
    %dma_start3A_208 = tpu.memref_slice %arg9[%add3A_201, %dma_start3A_207] : memref<10000x128xf32, #tpu.memory_space<vmem_shared>> -> memref<25x128xf32, #tpu.memory_space<vmem_shared>>
    %dma_start3A_209 = arith.constant 0 : i32
    %dma_start3A_210 = arith.constant 0 : i32
    %dma_start3A_211 = tpu.memref_slice %arg23[%dma_start3A_209, %dma_start3A_210] : memref<25x128xf32, #tpu.memory_space<vmem>> -> memref<25x128xf32, #tpu.memory_space<vmem>>
    tpu.enqueue_dma source(%dma_start3A_211 : memref<25x128xf32, #tpu.memory_space<vmem>>) target(%dma_start3A_208 : memref<25x128xf32, #tpu.memory_space<vmem_shared>>) target_semaphore(%arg37 : memref<!tpu.dma_semaphore, #tpu.memory_space<semaphore_mem>>)
    %add3A_212 = arith.constant 425 : i32
    %add3A_213 = arith.addi %mul3A_8, %add3A_212 : i32
    %dma_start3A_214 = arith.constant 0 : i32
    %dma_start3A_215 = arith.constant 0 : i32
    %dma_start3A_216 = tpu.memref_slice %arg23[%dma_start3A_214, %dma_start3A_215] : memref<25x128xf32, #tpu.memory_space<vmem>> -> memref<25x128xf32, #tpu.memory_space<vmem>>
    %dma_start3A_217 = arith.constant 0 : i32
    %dma_start3A_218 = tpu.memref_slice %arg9[%add3A_213, %dma_start3A_217] : memref<10000x128xf32, #tpu.memory_space<vmem_shared>> -> memref<25x128xf32, #tpu.memory_space<vmem_shared>>
    %dma_start3A_219 = arith.constant 0 : i32
    %dma_start3A_220 = tpu.memref_slice %arg9[%add3A_213, %dma_start3A_219] : memref<10000x128xf32, #tpu.memory_space<vmem_shared>> -> memref<25x128xf32, #tpu.memory_space<vmem_shared>>
    %dma_start3A_221 = arith.constant 0 : i32
    %dma_start3A_222 = arith.constant 0 : i32
    %dma_start3A_223 = tpu.memref_slice %arg23[%dma_start3A_221, %dma_start3A_222] : memref<25x128xf32, #tpu.memory_space<vmem>> -> memref<25x128xf32, #tpu.memory_space<vmem>>
    tpu.enqueue_dma source(%dma_start3A_223 : memref<25x128xf32, #tpu.memory_space<vmem>>) target(%dma_start3A_220 : memref<25x128xf32, #tpu.memory_space<vmem_shared>>) target_semaphore(%arg37 : memref<!tpu.dma_semaphore, #tpu.memory_space<semaphore_mem>>)
    %add3A_224 = arith.constant 450 : i32
    %add3A_225 = arith.addi %mul3A_8, %add3A_224 : i32
    %dma_start3A_226 = arith.constant 0 : i32
    %dma_start3A_227 = arith.constant 0 : i32
    %dma_start3A_228 = tpu.memref_slice %arg23[%dma_start3A_226, %dma_start3A_227] : memref<25x128xf32, #tpu.memory_space<vmem>> -> memref<25x128xf32, #tpu.memory_space<vmem>>
    %dma_start3A_229 = arith.constant 0 : i32
    %dma_start3A_230 = tpu.memref_slice %arg9[%add3A_225, %dma_start3A_229] : memref<10000x128xf32, #tpu.memory_space<vmem_shared>> -> memref<25x128xf32, #tpu.memory_space<vmem_shared>>
    %dma_start3A_231 = arith.constant 0 : i32
    %dma_start3A_232 = tpu.memref_slice %arg9[%add3A_225, %dma_start3A_231] : memref<10000x128xf32, #tpu.memory_space<vmem_shared>> -> memref<25x128xf32, #tpu.memory_space<vmem_shared>>
    %dma_start3A_233 = arith.constant 0 : i32
    %dma_start3A_234 = arith.constant 0 : i32
    %dma_start3A_235 = tpu.memref_slice %arg23[%dma_start3A_233, %dma_start3A_234] : memref<25x128xf32, #tpu.memory_space<vmem>> -> memref<25x128xf32, #tpu.memory_space<vmem>>
    tpu.enqueue_dma source(%dma_start3A_235 : memref<25x128xf32, #tpu.memory_space<vmem>>) target(%dma_start3A_232 : memref<25x128xf32, #tpu.memory_space<vmem_shared>>) target_semaphore(%arg37 : memref<!tpu.dma_semaphore, #tpu.memory_space<semaphore_mem>>)
    %add3A_236 = arith.constant 475 : i32
    %add3A_237 = arith.addi %mul3A_8, %add3A_236 : i32
    %dma_start3A_238 = arith.constant 0 : i32
    %dma_start3A_239 = arith.constant 0 : i32
    %dma_start3A_240 = tpu.memref_slice %arg23[%dma_start3A_238, %dma_start3A_239] : memref<25x128xf32, #tpu.memory_space<vmem>> -> memref<25x128xf32, #tpu.memory_space<vmem>>
    %dma_start3A_241 = arith.constant 0 : i32
    %dma_start3A_242 = tpu.memref_slice %arg9[%add3A_237, %dma_start3A_241] : memref<10000x128xf32, #tpu.memory_space<vmem_shared>> -> memref<25x128xf32, #tpu.memory_space<vmem_shared>>
    %dma_start3A_243 = arith.constant 0 : i32
    %dma_start3A_244 = tpu.memref_slice %arg9[%add3A_237, %dma_start3A_243] : memref<10000x128xf32, #tpu.memory_space<vmem_shared>> -> memref<25x128xf32, #tpu.memory_space<vmem_shared>>
    %dma_start3A_245 = arith.constant 0 : i32
    %dma_start3A_246 = arith.constant 0 : i32
    %dma_start3A_247 = tpu.memref_slice %arg23[%dma_start3A_245, %dma_start3A_246] : memref<25x128xf32, #tpu.memory_space<vmem>> -> memref<25x128xf32, #tpu.memory_space<vmem>>
    tpu.enqueue_dma source(%dma_start3A_247 : memref<25x128xf32, #tpu.memory_space<vmem>>) target(%dma_start3A_244 : memref<25x128xf32, #tpu.memory_space<vmem_shared>>) target_semaphore(%arg37 : memref<!tpu.dma_semaphore, #tpu.memory_space<semaphore_mem>>)
    %add3A_248 = arith.constant 500 : i32
    %add3A_249 = arith.addi %mul3A_8, %add3A_248 : i32
    %dma_start3A_250 = arith.constant 0 : i32
    %dma_start3A_251 = arith.constant 0 : i32
    %dma_start3A_252 = tpu.memref_slice %arg23[%dma_start3A_250, %dma_start3A_251] : memref<25x128xf32, #tpu.memory_space<vmem>> -> memref<25x128xf32, #tpu.memory_space<vmem>>
    %dma_start3A_253 = arith.constant 0 : i32
    %dma_start3A_254 = tpu.memref_slice %arg9[%add3A_249, %dma_start3A_253] : memref<10000x128xf32, #tpu.memory_space<vmem_shared>> -> memref<25x128xf32, #tpu.memory_space<vmem_shared>>
    %dma_start3A_255 = arith.constant 0 : i32
    %dma_start3A_256 = tpu.memref_slice %arg9[%add3A_249, %dma_start3A_255] : memref<10000x128xf32, #tpu.memory_space<vmem_shared>> -> memref<25x128xf32, #tpu.memory_space<vmem_shared>>
    %dma_start3A_257 = arith.constant 0 : i32
    %dma_start3A_258 = arith.constant 0 : i32
    %dma_start3A_259 = tpu.memref_slice %arg23[%dma_start3A_257, %dma_start3A_258] : memref<25x128xf32, #tpu.memory_space<vmem>> -> memref<25x128xf32, #tpu.memory_space<vmem>>
    tpu.enqueue_dma source(%dma_start3A_259 : memref<25x128xf32, #tpu.memory_space<vmem>>) target(%dma_start3A_256 : memref<25x128xf32, #tpu.memory_space<vmem_shared>>) target_semaphore(%arg37 : memref<!tpu.dma_semaphore, #tpu.memory_space<semaphore_mem>>)
    %add3A_260 = arith.constant 525 : i32
    %add3A_261 = arith.addi %mul3A_8, %add3A_260 : i32
    %dma_start3A_262 = arith.constant 0 : i32
    %dma_start3A_263 = arith.constant 0 : i32
    %dma_start3A_264 = tpu.memref_slice %arg23[%dma_start3A_262, %dma_start3A_263] : memref<25x128xf32, #tpu.memory_space<vmem>> -> memref<25x128xf32, #tpu.memory_space<vmem>>
    %dma_start3A_265 = arith.constant 0 : i32
    %dma_start3A_266 = tpu.memref_slice %arg9[%add3A_261, %dma_start3A_265] : memref<10000x128xf32, #tpu.memory_space<vmem_shared>> -> memref<25x128xf32, #tpu.memory_space<vmem_shared>>
    %dma_start3A_267 = arith.constant 0 : i32
    %dma_start3A_268 = tpu.memref_slice %arg9[%add3A_261, %dma_start3A_267] : memref<10000x128xf32, #tpu.memory_space<vmem_shared>> -> memref<25x128xf32, #tpu.memory_space<vmem_shared>>
    %dma_start3A_269 = arith.constant 0 : i32
    %dma_start3A_270 = arith.constant 0 : i32
    %dma_start3A_271 = tpu.memref_slice %arg23[%dma_start3A_269, %dma_start3A_270] : memref<25x128xf32, #tpu.memory_space<vmem>> -> memref<25x128xf32, #tpu.memory_space<vmem>>
    tpu.enqueue_dma source(%dma_start3A_271 : memref<25x128xf32, #tpu.memory_space<vmem>>) target(%dma_start3A_268 : memref<25x128xf32, #tpu.memory_space<vmem_shared>>) target_semaphore(%arg37 : memref<!tpu.dma_semaphore, #tpu.memory_space<semaphore_mem>>)
    %add3A_272 = arith.constant 550 : i32
    %add3A_273 = arith.addi %mul3A_8, %add3A_272 : i32
    %dma_start3A_274 = arith.constant 0 : i32
    %dma_start3A_275 = arith.constant 0 : i32
    %dma_start3A_276 = tpu.memref_slice %arg23[%dma_start3A_274, %dma_start3A_275] : memref<25x128xf32, #tpu.memory_space<vmem>> -> memref<25x128xf32, #tpu.memory_space<vmem>>
    %dma_start3A_277 = arith.constant 0 : i32
    %dma_start3A_278 = tpu.memref_slice %arg9[%add3A_273, %dma_start3A_277] : memref<10000x128xf32, #tpu.memory_space<vmem_shared>> -> memref<25x128xf32, #tpu.memory_space<vmem_shared>>
    %dma_start3A_279 = arith.constant 0 : i32
    %dma_start3A_280 = tpu.memref_slice %arg9[%add3A_273, %dma_start3A_279] : memref<10000x128xf32, #tpu.memory_space<vmem_shared>> -> memref<25x128xf32, #tpu.memory_space<vmem_shared>>
    %dma_start3A_281 = arith.constant 0 : i32
    %dma_start3A_282 = arith.constant 0 : i32
    %dma_start3A_283 = tpu.memref_slice %arg23[%dma_start3A_281, %dma_start3A_282] : memref<25x128xf32, #tpu.memory_space<vmem>> -> memref<25x128xf32, #tpu.memory_space<vmem>>
    tpu.enqueue_dma source(%dma_start3A_283 : memref<25x128xf32, #tpu.memory_space<vmem>>) target(%dma_start3A_280 : memref<25x128xf32, #tpu.memory_space<vmem_shared>>) target_semaphore(%arg37 : memref<!tpu.dma_semaphore, #tpu.memory_space<semaphore_mem>>)
    %add3A_284 = arith.constant 575 : i32
    %add3A_285 = arith.addi %mul3A_8, %add3A_284 : i32
    %dma_start3A_286 = arith.constant 0 : i32
    %dma_start3A_287 = arith.constant 0 : i32
    %dma_start3A_288 = tpu.memref_slice %arg23[%dma_start3A_286, %dma_start3A_287] : memref<25x128xf32, #tpu.memory_space<vmem>> -> memref<25x128xf32, #tpu.memory_space<vmem>>
    %dma_start3A_289 = arith.constant 0 : i32
    %dma_start3A_290 = tpu.memref_slice %arg9[%add3A_285, %dma_start3A_289] : memref<10000x128xf32, #tpu.memory_space<vmem_shared>> -> memref<25x128xf32, #tpu.memory_space<vmem_shared>>
    %dma_start3A_291 = arith.constant 0 : i32
    %dma_start3A_292 = tpu.memref_slice %arg9[%add3A_285, %dma_start3A_291] : memref<10000x128xf32, #tpu.memory_space<vmem_shared>> -> memref<25x128xf32, #tpu.memory_space<vmem_shared>>
    %dma_start3A_293 = arith.constant 0 : i32
    %dma_start3A_294 = arith.constant 0 : i32
    %dma_start3A_295 = tpu.memref_slice %arg23[%dma_start3A_293, %dma_start3A_294] : memref<25x128xf32, #tpu.memory_space<vmem>> -> memref<25x128xf32, #tpu.memory_space<vmem>>
    tpu.enqueue_dma source(%dma_start3A_295 : memref<25x128xf32, #tpu.memory_space<vmem>>) target(%dma_start3A_292 : memref<25x128xf32, #tpu.memory_space<vmem_shared>>) target_semaphore(%arg37 : memref<!tpu.dma_semaphore, #tpu.memory_space<semaphore_mem>>)
    %add3A_296 = arith.constant 600 : i32
    %add3A_297 = arith.addi %mul3A_8, %add3A_296 : i32
    %dma_start3A_298 = arith.constant 0 : i32
    %dma_start3A_299 = arith.constant 0 : i32
    %dma_start3A_300 = tpu.memref_slice %arg23[%dma_start3A_298, %dma_start3A_299] : memref<25x128xf32, #tpu.memory_space<vmem>> -> memref<25x128xf32, #tpu.memory_space<vmem>>
    %dma_start3A_301 = arith.constant 0 : i32
    %dma_start3A_302 = tpu.memref_slice %arg9[%add3A_297, %dma_start3A_301] : memref<10000x128xf32, #tpu.memory_space<vmem_shared>> -> memref<25x128xf32, #tpu.memory_space<vmem_shared>>
    %dma_start3A_303 = arith.constant 0 : i32
    %dma_start3A_304 = tpu.memref_slice %arg9[%add3A_297, %dma_start3A_303] : memref<10000x128xf32, #tpu.memory_space<vmem_shared>> -> memref<25x128xf32, #tpu.memory_space<vmem_shared>>
    %dma_start3A_305 = arith.constant 0 : i32
    %dma_start3A_306 = arith.constant 0 : i32
    %dma_start3A_307 = tpu.memref_slice %arg23[%dma_start3A_305, %dma_start3A_306] : memref<25x128xf32, #tpu.memory_space<vmem>> -> memref<25x128xf32, #tpu.memory_space<vmem>>
    tpu.enqueue_dma source(%dma_start3A_307 : memref<25x128xf32, #tpu.memory_space<vmem>>) target(%dma_start3A_304 : memref<25x128xf32, #tpu.memory_space<vmem_shared>>) target_semaphore(%arg37 : memref<!tpu.dma_semaphore, #tpu.memory_space<semaphore_mem>>)
    %add3A_308 = arith.constant 0 : i32
    %add3A_309 = arith.addi %mul3A_8, %add3A_308 : i32
    %dma_start3A_310 = arith.constant 0 : i32
    %dma_start3A_311 = tpu.memref_slice %arg10[%add3A_309, %dma_start3A_310] : memref<10000x16xf32, #tpu.memory_space<vmem_shared>> -> memref<125x16xf32, #tpu.memory_space<vmem_shared>>
    %dma_start3A_312 = arith.constant 0 : i32
    %dma_start3A_313 = tpu.memref_slice %arg10[%add3A_309, %dma_start3A_312] : memref<10000x16xf32, #tpu.memory_space<vmem_shared>> -> memref<125x16xf32, #tpu.memory_space<vmem_shared>>
    tpu.enqueue_dma source(%arg24 : memref<125x16xf32, #tpu.memory_space<vmem>>) target(%dma_start3A_313 : memref<125x16xf32, #tpu.memory_space<vmem_shared>>) target_semaphore(%arg37 : memref<!tpu.dma_semaphore, #tpu.memory_space<semaphore_mem>>)
    %add3A_314 = arith.constant 125 : i32
    %add3A_315 = arith.addi %mul3A_8, %add3A_314 : i32
    %dma_start3A_316 = arith.constant 0 : i32
    %dma_start3A_317 = tpu.memref_slice %arg10[%add3A_315, %dma_start3A_316] : memref<10000x16xf32, #tpu.memory_space<vmem_shared>> -> memref<125x16xf32, #tpu.memory_space<vmem_shared>>
    %dma_start3A_318 = arith.constant 0 : i32
    %dma_start3A_319 = tpu.memref_slice %arg10[%add3A_315, %dma_start3A_318] : memref<10000x16xf32, #tpu.memory_space<vmem_shared>> -> memref<125x16xf32, #tpu.memory_space<vmem_shared>>
    tpu.enqueue_dma source(%arg24 : memref<125x16xf32, #tpu.memory_space<vmem>>) target(%dma_start3A_319 : memref<125x16xf32, #tpu.memory_space<vmem_shared>>) target_semaphore(%arg37 : memref<!tpu.dma_semaphore, #tpu.memory_space<semaphore_mem>>)
    %add3A_320 = arith.constant 250 : i32
    %add3A_321 = arith.addi %mul3A_8, %add3A_320 : i32
    %dma_start3A_322 = arith.constant 0 : i32
    %dma_start3A_323 = tpu.memref_slice %arg10[%add3A_321, %dma_start3A_322] : memref<10000x16xf32, #tpu.memory_space<vmem_shared>> -> memref<125x16xf32, #tpu.memory_space<vmem_shared>>
    %dma_start3A_324 = arith.constant 0 : i32
    %dma_start3A_325 = tpu.memref_slice %arg10[%add3A_321, %dma_start3A_324] : memref<10000x16xf32, #tpu.memory_space<vmem_shared>> -> memref<125x16xf32, #tpu.memory_space<vmem_shared>>
    tpu.enqueue_dma source(%arg24 : memref<125x16xf32, #tpu.memory_space<vmem>>) target(%dma_start3A_325 : memref<125x16xf32, #tpu.memory_space<vmem_shared>>) target_semaphore(%arg37 : memref<!tpu.dma_semaphore, #tpu.memory_space<semaphore_mem>>)
    %add3A_326 = arith.constant 375 : i32
    %add3A_327 = arith.addi %mul3A_8, %add3A_326 : i32
    %dma_start3A_328 = arith.constant 0 : i32
    %dma_start3A_329 = tpu.memref_slice %arg10[%add3A_327, %dma_start3A_328] : memref<10000x16xf32, #tpu.memory_space<vmem_shared>> -> memref<125x16xf32, #tpu.memory_space<vmem_shared>>
    %dma_start3A_330 = arith.constant 0 : i32
    %dma_start3A_331 = tpu.memref_slice %arg10[%add3A_327, %dma_start3A_330] : memref<10000x16xf32, #tpu.memory_space<vmem_shared>> -> memref<125x16xf32, #tpu.memory_space<vmem_shared>>
    tpu.enqueue_dma source(%arg24 : memref<125x16xf32, #tpu.memory_space<vmem>>) target(%dma_start3A_331 : memref<125x16xf32, #tpu.memory_space<vmem_shared>>) target_semaphore(%arg37 : memref<!tpu.dma_semaphore, #tpu.memory_space<semaphore_mem>>)
    %add3A_332 = arith.constant 500 : i32
    %add3A_333 = arith.addi %mul3A_8, %add3A_332 : i32
    %dma_start3A_334 = arith.constant 0 : i32
    %dma_start3A_335 = tpu.memref_slice %arg10[%add3A_333, %dma_start3A_334] : memref<10000x16xf32, #tpu.memory_space<vmem_shared>> -> memref<125x16xf32, #tpu.memory_space<vmem_shared>>
    %dma_start3A_336 = arith.constant 0 : i32
    %dma_start3A_337 = tpu.memref_slice %arg10[%add3A_333, %dma_start3A_336] : memref<10000x16xf32, #tpu.memory_space<vmem_shared>> -> memref<125x16xf32, #tpu.memory_space<vmem_shared>>
    tpu.enqueue_dma source(%arg24 : memref<125x16xf32, #tpu.memory_space<vmem>>) target(%dma_start3A_337 : memref<125x16xf32, #tpu.memory_space<vmem_shared>>) target_semaphore(%arg37 : memref<!tpu.dma_semaphore, #tpu.memory_space<semaphore_mem>>)
    %add3A_338 = arith.constant 0 : i32
    %add3A_339 = arith.addi %mul3A_8, %add3A_338 : i32
    %dma_wait3A = arith.constant 0 : i32
    %dma_wait3A_340 = arith.constant 0 : i32
    %dma_wait3A_341 = tpu.memref_slice %arg23[%dma_wait3A, %dma_wait3A_340] : memref<25x128xf32, #tpu.memory_space<vmem>> -> memref<25x128xf32, #tpu.memory_space<vmem>>
    %dma_wait3A_342 = arith.constant 0 : i32
    %dma_wait3A_343 = tpu.memref_slice %arg9[%add3A_339, %dma_wait3A_342] : memref<10000x128xf32, #tpu.memory_space<vmem_shared>> -> memref<25x128xf32, #tpu.memory_space<vmem_shared>>
    %dma_wait3A_344 = arith.constant 0 : i32
    %dma_wait3A_345 = tpu.memref_slice %arg9[%add3A_339, %dma_wait3A_344] : memref<10000x128xf32, #tpu.memory_space<vmem_shared>> -> memref<25x128xf32, #tpu.memory_space<vmem_shared>>
    %dma_wait3A_346 = arith.constant 0 : i32
    %dma_wait3A_347 = arith.constant 0 : i32
    %dma_wait3A_348 = tpu.memref_slice %arg23[%dma_wait3A_346, %dma_wait3A_347] : memref<25x128xf32, #tpu.memory_space<vmem>> -> memref<25x128xf32, #tpu.memory_space<vmem>>
    tpu.wait_dma2 semaphore(%arg37 : memref<!tpu.dma_semaphore, #tpu.memory_space<semaphore_mem>>) src(%dma_wait3A_348 : memref<25x128xf32, #tpu.memory_space<vmem>>) dst(%dma_wait3A_345 : memref<25x128xf32, #tpu.memory_space<vmem_shared>>)
    %add3A_349 = arith.constant 25 : i32
    %add3A_350 = arith.addi %mul3A_8, %add3A_349 : i32
    %dma_wait3A_351 = arith.constant 0 : i32
    %dma_wait3A_352 = arith.constant 0 : i32
    %dma_wait3A_353 = tpu.memref_slice %arg23[%dma_wait3A_351, %dma_wait3A_352] : memref<25x128xf32, #tpu.memory_space<vmem>> -> memref<25x128xf32, #tpu.memory_space<vmem>>
    %dma_wait3A_354 = arith.constant 0 : i32
    %dma_wait3A_355 = tpu.memref_slice %arg9[%add3A_350, %dma_wait3A_354] : memref<10000x128xf32, #tpu.memory_space<vmem_shared>> -> memref<25x128xf32, #tpu.memory_space<vmem_shared>>
    %dma_wait3A_356 = arith.constant 0 : i32
    %dma_wait3A_357 = tpu.memref_slice %arg9[%add3A_350, %dma_wait3A_356] : memref<10000x128xf32, #tpu.memory_space<vmem_shared>> -> memref<25x128xf32, #tpu.memory_space<vmem_shared>>
    %dma_wait3A_358 = arith.constant 0 : i32
    %dma_wait3A_359 = arith.constant 0 : i32
    %dma_wait3A_360 = tpu.memref_slice %arg23[%dma_wait3A_358, %dma_wait3A_359] : memref<25x128xf32, #tpu.memory_space<vmem>> -> memref<25x128xf32, #tpu.memory_space<vmem>>
    tpu.wait_dma2 semaphore(%arg37 : memref<!tpu.dma_semaphore, #tpu.memory_space<semaphore_mem>>) src(%dma_wait3A_360 : memref<25x128xf32, #tpu.memory_space<vmem>>) dst(%dma_wait3A_357 : memref<25x128xf32, #tpu.memory_space<vmem_shared>>)
    %add3A_361 = arith.constant 50 : i32
    %add3A_362 = arith.addi %mul3A_8, %add3A_361 : i32
    %dma_wait3A_363 = arith.constant 0 : i32
    %dma_wait3A_364 = arith.constant 0 : i32
    %dma_wait3A_365 = tpu.memref_slice %arg23[%dma_wait3A_363, %dma_wait3A_364] : memref<25x128xf32, #tpu.memory_space<vmem>> -> memref<25x128xf32, #tpu.memory_space<vmem>>
    %dma_wait3A_366 = arith.constant 0 : i32
    %dma_wait3A_367 = tpu.memref_slice %arg9[%add3A_362, %dma_wait3A_366] : memref<10000x128xf32, #tpu.memory_space<vmem_shared>> -> memref<25x128xf32, #tpu.memory_space<vmem_shared>>
    %dma_wait3A_368 = arith.constant 0 : i32
    %dma_wait3A_369 = tpu.memref_slice %arg9[%add3A_362, %dma_wait3A_368] : memref<10000x128xf32, #tpu.memory_space<vmem_shared>> -> memref<25x128xf32, #tpu.memory_space<vmem_shared>>
    %dma_wait3A_370 = arith.constant 0 : i32
    %dma_wait3A_371 = arith.constant 0 : i32
    %dma_wait3A_372 = tpu.memref_slice %arg23[%dma_wait3A_370, %dma_wait3A_371] : memref<25x128xf32, #tpu.memory_space<vmem>> -> memref<25x128xf32, #tpu.memory_space<vmem>>
    tpu.wait_dma2 semaphore(%arg37 : memref<!tpu.dma_semaphore, #tpu.memory_space<semaphore_mem>>) src(%dma_wait3A_372 : memref<25x128xf32, #tpu.memory_space<vmem>>) dst(%dma_wait3A_369 : memref<25x128xf32, #tpu.memory_space<vmem_shared>>)
    %add3A_373 = arith.constant 75 : i32
    %add3A_374 = arith.addi %mul3A_8, %add3A_373 : i32
    %dma_wait3A_375 = arith.constant 0 : i32
    %dma_wait3A_376 = arith.constant 0 : i32
    %dma_wait3A_377 = tpu.memref_slice %arg23[%dma_wait3A_375, %dma_wait3A_376] : memref<25x128xf32, #tpu.memory_space<vmem>> -> memref<25x128xf32, #tpu.memory_space<vmem>>
    %dma_wait3A_378 = arith.constant 0 : i32
    %dma_wait3A_379 = tpu.memref_slice %arg9[%add3A_374, %dma_wait3A_378] : memref<10000x128xf32, #tpu.memory_space<vmem_shared>> -> memref<25x128xf32, #tpu.memory_space<vmem_shared>>
    %dma_wait3A_380 = arith.constant 0 : i32
    %dma_wait3A_381 = tpu.memref_slice %arg9[%add3A_374, %dma_wait3A_380] : memref<10000x128xf32, #tpu.memory_space<vmem_shared>> -> memref<25x128xf32, #tpu.memory_space<vmem_shared>>
    %dma_wait3A_382 = arith.constant 0 : i32
    %dma_wait3A_383 = arith.constant 0 : i32
    %dma_wait3A_384 = tpu.memref_slice %arg23[%dma_wait3A_382, %dma_wait3A_383] : memref<25x128xf32, #tpu.memory_space<vmem>> -> memref<25x128xf32, #tpu.memory_space<vmem>>
    tpu.wait_dma2 semaphore(%arg37 : memref<!tpu.dma_semaphore, #tpu.memory_space<semaphore_mem>>) src(%dma_wait3A_384 : memref<25x128xf32, #tpu.memory_space<vmem>>) dst(%dma_wait3A_381 : memref<25x128xf32, #tpu.memory_space<vmem_shared>>)
    %add3A_385 = arith.constant 100 : i32
    %add3A_386 = arith.addi %mul3A_8, %add3A_385 : i32
    %dma_wait3A_387 = arith.constant 0 : i32
    %dma_wait3A_388 = arith.constant 0 : i32
    %dma_wait3A_389 = tpu.memref_slice %arg23[%dma_wait3A_387, %dma_wait3A_388] : memref<25x128xf32, #tpu.memory_space<vmem>> -> memref<25x128xf32, #tpu.memory_space<vmem>>
    %dma_wait3A_390 = arith.constant 0 : i32
    %dma_wait3A_391 = tpu.memref_slice %arg9[%add3A_386, %dma_wait3A_390] : memref<10000x128xf32, #tpu.memory_space<vmem_shared>> -> memref<25x128xf32, #tpu.memory_space<vmem_shared>>
    %dma_wait3A_392 = arith.constant 0 : i32
    %dma_wait3A_393 = tpu.memref_slice %arg9[%add3A_386, %dma_wait3A_392] : memref<10000x128xf32, #tpu.memory_space<vmem_shared>> -> memref<25x128xf32, #tpu.memory_space<vmem_shared>>
    %dma_wait3A_394 = arith.constant 0 : i32
    %dma_wait3A_395 = arith.constant 0 : i32
    %dma_wait3A_396 = tpu.memref_slice %arg23[%dma_wait3A_394, %dma_wait3A_395] : memref<25x128xf32, #tpu.memory_space<vmem>> -> memref<25x128xf32, #tpu.memory_space<vmem>>
    tpu.wait_dma2 semaphore(%arg37 : memref<!tpu.dma_semaphore, #tpu.memory_space<semaphore_mem>>) src(%dma_wait3A_396 : memref<25x128xf32, #tpu.memory_space<vmem>>) dst(%dma_wait3A_393 : memref<25x128xf32, #tpu.memory_space<vmem_shared>>)
    %add3A_397 = arith.constant 125 : i32
    %add3A_398 = arith.addi %mul3A_8, %add3A_397 : i32
    %dma_wait3A_399 = arith.constant 0 : i32
    %dma_wait3A_400 = arith.constant 0 : i32
    %dma_wait3A_401 = tpu.memref_slice %arg23[%dma_wait3A_399, %dma_wait3A_400] : memref<25x128xf32, #tpu.memory_space<vmem>> -> memref<25x128xf32, #tpu.memory_space<vmem>>
    %dma_wait3A_402 = arith.constant 0 : i32
    %dma_wait3A_403 = tpu.memref_slice %arg9[%add3A_398, %dma_wait3A_402] : memref<10000x128xf32, #tpu.memory_space<vmem_shared>> -> memref<25x128xf32, #tpu.memory_space<vmem_shared>>
    %dma_wait3A_404 = arith.constant 0 : i32
    %dma_wait3A_405 = tpu.memref_slice %arg9[%add3A_398, %dma_wait3A_404] : memref<10000x128xf32, #tpu.memory_space<vmem_shared>> -> memref<25x128xf32, #tpu.memory_space<vmem_shared>>
    %dma_wait3A_406 = arith.constant 0 : i32
    %dma_wait3A_407 = arith.constant 0 : i32
    %dma_wait3A_408 = tpu.memref_slice %arg23[%dma_wait3A_406, %dma_wait3A_407] : memref<25x128xf32, #tpu.memory_space<vmem>> -> memref<25x128xf32, #tpu.memory_space<vmem>>
    tpu.wait_dma2 semaphore(%arg37 : memref<!tpu.dma_semaphore, #tpu.memory_space<semaphore_mem>>) src(%dma_wait3A_408 : memref<25x128xf32, #tpu.memory_space<vmem>>) dst(%dma_wait3A_405 : memref<25x128xf32, #tpu.memory_space<vmem_shared>>)
    %add3A_409 = arith.constant 150 : i32
    %add3A_410 = arith.addi %mul3A_8, %add3A_409 : i32
    %dma_wait3A_411 = arith.constant 0 : i32
    %dma_wait3A_412 = arith.constant 0 : i32
    %dma_wait3A_413 = tpu.memref_slice %arg23[%dma_wait3A_411, %dma_wait3A_412] : memref<25x128xf32, #tpu.memory_space<vmem>> -> memref<25x128xf32, #tpu.memory_space<vmem>>
    %dma_wait3A_414 = arith.constant 0 : i32
    %dma_wait3A_415 = tpu.memref_slice %arg9[%add3A_410, %dma_wait3A_414] : memref<10000x128xf32, #tpu.memory_space<vmem_shared>> -> memref<25x128xf32, #tpu.memory_space<vmem_shared>>
    %dma_wait3A_416 = arith.constant 0 : i32
    %dma_wait3A_417 = tpu.memref_slice %arg9[%add3A_410, %dma_wait3A_416] : memref<10000x128xf32, #tpu.memory_space<vmem_shared>> -> memref<25x128xf32, #tpu.memory_space<vmem_shared>>
    %dma_wait3A_418 = arith.constant 0 : i32
    %dma_wait3A_419 = arith.constant 0 : i32
    %dma_wait3A_420 = tpu.memref_slice %arg23[%dma_wait3A_418, %dma_wait3A_419] : memref<25x128xf32, #tpu.memory_space<vmem>> -> memref<25x128xf32, #tpu.memory_space<vmem>>
    tpu.wait_dma2 semaphore(%arg37 : memref<!tpu.dma_semaphore, #tpu.memory_space<semaphore_mem>>) src(%dma_wait3A_420 : memref<25x128xf32, #tpu.memory_space<vmem>>) dst(%dma_wait3A_417 : memref<25x128xf32, #tpu.memory_space<vmem_shared>>)
    %add3A_421 = arith.constant 175 : i32
    %add3A_422 = arith.addi %mul3A_8, %add3A_421 : i32
    %dma_wait3A_423 = arith.constant 0 : i32
    %dma_wait3A_424 = arith.constant 0 : i32
    %dma_wait3A_425 = tpu.memref_slice %arg23[%dma_wait3A_423, %dma_wait3A_424] : memref<25x128xf32, #tpu.memory_space<vmem>> -> memref<25x128xf32, #tpu.memory_space<vmem>>
    %dma_wait3A_426 = arith.constant 0 : i32
    %dma_wait3A_427 = tpu.memref_slice %arg9[%add3A_422, %dma_wait3A_426] : memref<10000x128xf32, #tpu.memory_space<vmem_shared>> -> memref<25x128xf32, #tpu.memory_space<vmem_shared>>
    %dma_wait3A_428 = arith.constant 0 : i32
    %dma_wait3A_429 = tpu.memref_slice %arg9[%add3A_422, %dma_wait3A_428] : memref<10000x128xf32, #tpu.memory_space<vmem_shared>> -> memref<25x128xf32, #tpu.memory_space<vmem_shared>>
    %dma_wait3A_430 = arith.constant 0 : i32
    %dma_wait3A_431 = arith.constant 0 : i32
    %dma_wait3A_432 = tpu.memref_slice %arg23[%dma_wait3A_430, %dma_wait3A_431] : memref<25x128xf32, #tpu.memory_space<vmem>> -> memref<25x128xf32, #tpu.memory_space<vmem>>
    tpu.wait_dma2 semaphore(%arg37 : memref<!tpu.dma_semaphore, #tpu.memory_space<semaphore_mem>>) src(%dma_wait3A_432 : memref<25x128xf32, #tpu.memory_space<vmem>>) dst(%dma_wait3A_429 : memref<25x128xf32, #tpu.memory_space<vmem_shared>>)
    %add3A_433 = arith.constant 200 : i32
    %add3A_434 = arith.addi %mul3A_8, %add3A_433 : i32
    %dma_wait3A_435 = arith.constant 0 : i32
    %dma_wait3A_436 = arith.constant 0 : i32
    %dma_wait3A_437 = tpu.memref_slice %arg23[%dma_wait3A_435, %dma_wait3A_436] : memref<25x128xf32, #tpu.memory_space<vmem>> -> memref<25x128xf32, #tpu.memory_space<vmem>>
    %dma_wait3A_438 = arith.constant 0 : i32
    %dma_wait3A_439 = tpu.memref_slice %arg9[%add3A_434, %dma_wait3A_438] : memref<10000x128xf32, #tpu.memory_space<vmem_shared>> -> memref<25x128xf32, #tpu.memory_space<vmem_shared>>
    %dma_wait3A_440 = arith.constant 0 : i32
    %dma_wait3A_441 = tpu.memref_slice %arg9[%add3A_434, %dma_wait3A_440] : memref<10000x128xf32, #tpu.memory_space<vmem_shared>> -> memref<25x128xf32, #tpu.memory_space<vmem_shared>>
    %dma_wait3A_442 = arith.constant 0 : i32
    %dma_wait3A_443 = arith.constant 0 : i32
    %dma_wait3A_444 = tpu.memref_slice %arg23[%dma_wait3A_442, %dma_wait3A_443] : memref<25x128xf32, #tpu.memory_space<vmem>> -> memref<25x128xf32, #tpu.memory_space<vmem>>
    tpu.wait_dma2 semaphore(%arg37 : memref<!tpu.dma_semaphore, #tpu.memory_space<semaphore_mem>>) src(%dma_wait3A_444 : memref<25x128xf32, #tpu.memory_space<vmem>>) dst(%dma_wait3A_441 : memref<25x128xf32, #tpu.memory_space<vmem_shared>>)
    %add3A_445 = arith.constant 225 : i32
    %add3A_446 = arith.addi %mul3A_8, %add3A_445 : i32
    %dma_wait3A_447 = arith.constant 0 : i32
    %dma_wait3A_448 = arith.constant 0 : i32
    %dma_wait3A_449 = tpu.memref_slice %arg23[%dma_wait3A_447, %dma_wait3A_448] : memref<25x128xf32, #tpu.memory_space<vmem>> -> memref<25x128xf32, #tpu.memory_space<vmem>>
    %dma_wait3A_450 = arith.constant 0 : i32
    %dma_wait3A_451 = tpu.memref_slice %arg9[%add3A_446, %dma_wait3A_450] : memref<10000x128xf32, #tpu.memory_space<vmem_shared>> -> memref<25x128xf32, #tpu.memory_space<vmem_shared>>
    %dma_wait3A_452 = arith.constant 0 : i32
    %dma_wait3A_453 = tpu.memref_slice %arg9[%add3A_446, %dma_wait3A_452] : memref<10000x128xf32, #tpu.memory_space<vmem_shared>> -> memref<25x128xf32, #tpu.memory_space<vmem_shared>>
    %dma_wait3A_454 = arith.constant 0 : i32
    %dma_wait3A_455 = arith.constant 0 : i32
    %dma_wait3A_456 = tpu.memref_slice %arg23[%dma_wait3A_454, %dma_wait3A_455] : memref<25x128xf32, #tpu.memory_space<vmem>> -> memref<25x128xf32, #tpu.memory_space<vmem>>
    tpu.wait_dma2 semaphore(%arg37 : memref<!tpu.dma_semaphore, #tpu.memory_space<semaphore_mem>>) src(%dma_wait3A_456 : memref<25x128xf32, #tpu.memory_space<vmem>>) dst(%dma_wait3A_453 : memref<25x128xf32, #tpu.memory_space<vmem_shared>>)
    %add3A_457 = arith.constant 250 : i32
    %add3A_458 = arith.addi %mul3A_8, %add3A_457 : i32
    %dma_wait3A_459 = arith.constant 0 : i32
    %dma_wait3A_460 = arith.constant 0 : i32
    %dma_wait3A_461 = tpu.memref_slice %arg23[%dma_wait3A_459, %dma_wait3A_460] : memref<25x128xf32, #tpu.memory_space<vmem>> -> memref<25x128xf32, #tpu.memory_space<vmem>>
    %dma_wait3A_462 = arith.constant 0 : i32
    %dma_wait3A_463 = tpu.memref_slice %arg9[%add3A_458, %dma_wait3A_462] : memref<10000x128xf32, #tpu.memory_space<vmem_shared>> -> memref<25x128xf32, #tpu.memory_space<vmem_shared>>
    %dma_wait3A_464 = arith.constant 0 : i32
    %dma_wait3A_465 = tpu.memref_slice %arg9[%add3A_458, %dma_wait3A_464] : memref<10000x128xf32, #tpu.memory_space<vmem_shared>> -> memref<25x128xf32, #tpu.memory_space<vmem_shared>>
    %dma_wait3A_466 = arith.constant 0 : i32
    %dma_wait3A_467 = arith.constant 0 : i32
    %dma_wait3A_468 = tpu.memref_slice %arg23[%dma_wait3A_466, %dma_wait3A_467] : memref<25x128xf32, #tpu.memory_space<vmem>> -> memref<25x128xf32, #tpu.memory_space<vmem>>
    tpu.wait_dma2 semaphore(%arg37 : memref<!tpu.dma_semaphore, #tpu.memory_space<semaphore_mem>>) src(%dma_wait3A_468 : memref<25x128xf32, #tpu.memory_space<vmem>>) dst(%dma_wait3A_465 : memref<25x128xf32, #tpu.memory_space<vmem_shared>>)
    %add3A_469 = arith.constant 275 : i32
    %add3A_470 = arith.addi %mul3A_8, %add3A_469 : i32
    %dma_wait3A_471 = arith.constant 0 : i32
    %dma_wait3A_472 = arith.constant 0 : i32
    %dma_wait3A_473 = tpu.memref_slice %arg23[%dma_wait3A_471, %dma_wait3A_472] : memref<25x128xf32, #tpu.memory_space<vmem>> -> memref<25x128xf32, #tpu.memory_space<vmem>>
    %dma_wait3A_474 = arith.constant 0 : i32
    %dma_wait3A_475 = tpu.memref_slice %arg9[%add3A_470, %dma_wait3A_474] : memref<10000x128xf32, #tpu.memory_space<vmem_shared>> -> memref<25x128xf32, #tpu.memory_space<vmem_shared>>
    %dma_wait3A_476 = arith.constant 0 : i32
    %dma_wait3A_477 = tpu.memref_slice %arg9[%add3A_470, %dma_wait3A_476] : memref<10000x128xf32, #tpu.memory_space<vmem_shared>> -> memref<25x128xf32, #tpu.memory_space<vmem_shared>>
    %dma_wait3A_478 = arith.constant 0 : i32
    %dma_wait3A_479 = arith.constant 0 : i32
    %dma_wait3A_480 = tpu.memref_slice %arg23[%dma_wait3A_478, %dma_wait3A_479] : memref<25x128xf32, #tpu.memory_space<vmem>> -> memref<25x128xf32, #tpu.memory_space<vmem>>
    tpu.wait_dma2 semaphore(%arg37 : memref<!tpu.dma_semaphore, #tpu.memory_space<semaphore_mem>>) src(%dma_wait3A_480 : memref<25x128xf32, #tpu.memory_space<vmem>>) dst(%dma_wait3A_477 : memref<25x128xf32, #tpu.memory_space<vmem_shared>>)
    %add3A_481 = arith.constant 300 : i32
    %add3A_482 = arith.addi %mul3A_8, %add3A_481 : i32
    %dma_wait3A_483 = arith.constant 0 : i32
    %dma_wait3A_484 = arith.constant 0 : i32
    %dma_wait3A_485 = tpu.memref_slice %arg23[%dma_wait3A_483, %dma_wait3A_484] : memref<25x128xf32, #tpu.memory_space<vmem>> -> memref<25x128xf32, #tpu.memory_space<vmem>>
    %dma_wait3A_486 = arith.constant 0 : i32
    %dma_wait3A_487 = tpu.memref_slice %arg9[%add3A_482, %dma_wait3A_486] : memref<10000x128xf32, #tpu.memory_space<vmem_shared>> -> memref<25x128xf32, #tpu.memory_space<vmem_shared>>
    %dma_wait3A_488 = arith.constant 0 : i32
    %dma_wait3A_489 = tpu.memref_slice %arg9[%add3A_482, %dma_wait3A_488] : memref<10000x128xf32, #tpu.memory_space<vmem_shared>> -> memref<25x128xf32, #tpu.memory_space<vmem_shared>>
    %dma_wait3A_490 = arith.constant 0 : i32
    %dma_wait3A_491 = arith.constant 0 : i32
    %dma_wait3A_492 = tpu.memref_slice %arg23[%dma_wait3A_490, %dma_wait3A_491] : memref<25x128xf32, #tpu.memory_space<vmem>> -> memref<25x128xf32, #tpu.memory_space<vmem>>
    tpu.wait_dma2 semaphore(%arg37 : memref<!tpu.dma_semaphore, #tpu.memory_space<semaphore_mem>>) src(%dma_wait3A_492 : memref<25x128xf32, #tpu.memory_space<vmem>>) dst(%dma_wait3A_489 : memref<25x128xf32, #tpu.memory_space<vmem_shared>>)
    %add3A_493 = arith.constant 325 : i32
    %add3A_494 = arith.addi %mul3A_8, %add3A_493 : i32
    %dma_wait3A_495 = arith.constant 0 : i32
    %dma_wait3A_496 = arith.constant 0 : i32
    %dma_wait3A_497 = tpu.memref_slice %arg23[%dma_wait3A_495, %dma_wait3A_496] : memref<25x128xf32, #tpu.memory_space<vmem>> -> memref<25x128xf32, #tpu.memory_space<vmem>>
    %dma_wait3A_498 = arith.constant 0 : i32
    %dma_wait3A_499 = tpu.memref_slice %arg9[%add3A_494, %dma_wait3A_498] : memref<10000x128xf32, #tpu.memory_space<vmem_shared>> -> memref<25x128xf32, #tpu.memory_space<vmem_shared>>
    %dma_wait3A_500 = arith.constant 0 : i32
    %dma_wait3A_501 = tpu.memref_slice %arg9[%add3A_494, %dma_wait3A_500] : memref<10000x128xf32, #tpu.memory_space<vmem_shared>> -> memref<25x128xf32, #tpu.memory_space<vmem_shared>>
    %dma_wait3A_502 = arith.constant 0 : i32
    %dma_wait3A_503 = arith.constant 0 : i32
    %dma_wait3A_504 = tpu.memref_slice %arg23[%dma_wait3A_502, %dma_wait3A_503] : memref<25x128xf32, #tpu.memory_space<vmem>> -> memref<25x128xf32, #tpu.memory_space<vmem>>
    tpu.wait_dma2 semaphore(%arg37 : memref<!tpu.dma_semaphore, #tpu.memory_space<semaphore_mem>>) src(%dma_wait3A_504 : memref<25x128xf32, #tpu.memory_space<vmem>>) dst(%dma_wait3A_501 : memref<25x128xf32, #tpu.memory_space<vmem_shared>>)
    %add3A_505 = arith.constant 350 : i32
    %add3A_506 = arith.addi %mul3A_8, %add3A_505 : i32
    %dma_wait3A_507 = arith.constant 0 : i32
    %dma_wait3A_508 = arith.constant 0 : i32
    %dma_wait3A_509 = tpu.memref_slice %arg23[%dma_wait3A_507, %dma_wait3A_508] : memref<25x128xf32, #tpu.memory_space<vmem>> -> memref<25x128xf32, #tpu.memory_space<vmem>>
    %dma_wait3A_510 = arith.constant 0 : i32
    %dma_wait3A_511 = tpu.memref_slice %arg9[%add3A_506, %dma_wait3A_510] : memref<10000x128xf32, #tpu.memory_space<vmem_shared>> -> memref<25x128xf32, #tpu.memory_space<vmem_shared>>
    %dma_wait3A_512 = arith.constant 0 : i32
    %dma_wait3A_513 = tpu.memref_slice %arg9[%add3A_506, %dma_wait3A_512] : memref<10000x128xf32, #tpu.memory_space<vmem_shared>> -> memref<25x128xf32, #tpu.memory_space<vmem_shared>>
    %dma_wait3A_514 = arith.constant 0 : i32
    %dma_wait3A_515 = arith.constant 0 : i32
    %dma_wait3A_516 = tpu.memref_slice %arg23[%dma_wait3A_514, %dma_wait3A_515] : memref<25x128xf32, #tpu.memory_space<vmem>> -> memref<25x128xf32, #tpu.memory_space<vmem>>
    tpu.wait_dma2 semaphore(%arg37 : memref<!tpu.dma_semaphore, #tpu.memory_space<semaphore_mem>>) src(%dma_wait3A_516 : memref<25x128xf32, #tpu.memory_space<vmem>>) dst(%dma_wait3A_513 : memref<25x128xf32, #tpu.memory_space<vmem_shared>>)
    %add3A_517 = arith.constant 375 : i32
    %add3A_518 = arith.addi %mul3A_8, %add3A_517 : i32
    %dma_wait3A_519 = arith.constant 0 : i32
    %dma_wait3A_520 = arith.constant 0 : i32
    %dma_wait3A_521 = tpu.memref_slice %arg23[%dma_wait3A_519, %dma_wait3A_520] : memref<25x128xf32, #tpu.memory_space<vmem>> -> memref<25x128xf32, #tpu.memory_space<vmem>>
    %dma_wait3A_522 = arith.constant 0 : i32
    %dma_wait3A_523 = tpu.memref_slice %arg9[%add3A_518, %dma_wait3A_522] : memref<10000x128xf32, #tpu.memory_space<vmem_shared>> -> memref<25x128xf32, #tpu.memory_space<vmem_shared>>
    %dma_wait3A_524 = arith.constant 0 : i32
    %dma_wait3A_525 = tpu.memref_slice %arg9[%add3A_518, %dma_wait3A_524] : memref<10000x128xf32, #tpu.memory_space<vmem_shared>> -> memref<25x128xf32, #tpu.memory_space<vmem_shared>>
    %dma_wait3A_526 = arith.constant 0 : i32
    %dma_wait3A_527 = arith.constant 0 : i32
    %dma_wait3A_528 = tpu.memref_slice %arg23[%dma_wait3A_526, %dma_wait3A_527] : memref<25x128xf32, #tpu.memory_space<vmem>> -> memref<25x128xf32, #tpu.memory_space<vmem>>
    tpu.wait_dma2 semaphore(%arg37 : memref<!tpu.dma_semaphore, #tpu.memory_space<semaphore_mem>>) src(%dma_wait3A_528 : memref<25x128xf32, #tpu.memory_space<vmem>>) dst(%dma_wait3A_525 : memref<25x128xf32, #tpu.memory_space<vmem_shared>>)
    %add3A_529 = arith.constant 400 : i32
    %add3A_530 = arith.addi %mul3A_8, %add3A_529 : i32
    %dma_wait3A_531 = arith.constant 0 : i32
    %dma_wait3A_532 = arith.constant 0 : i32
    %dma_wait3A_533 = tpu.memref_slice %arg23[%dma_wait3A_531, %dma_wait3A_532] : memref<25x128xf32, #tpu.memory_space<vmem>> -> memref<25x128xf32, #tpu.memory_space<vmem>>
    %dma_wait3A_534 = arith.constant 0 : i32
    %dma_wait3A_535 = tpu.memref_slice %arg9[%add3A_530, %dma_wait3A_534] : memref<10000x128xf32, #tpu.memory_space<vmem_shared>> -> memref<25x128xf32, #tpu.memory_space<vmem_shared>>
    %dma_wait3A_536 = arith.constant 0 : i32
    %dma_wait3A_537 = tpu.memref_slice %arg9[%add3A_530, %dma_wait3A_536] : memref<10000x128xf32, #tpu.memory_space<vmem_shared>> -> memref<25x128xf32, #tpu.memory_space<vmem_shared>>
    %dma_wait3A_538 = arith.constant 0 : i32
    %dma_wait3A_539 = arith.constant 0 : i32
    %dma_wait3A_540 = tpu.memref_slice %arg23[%dma_wait3A_538, %dma_wait3A_539] : memref<25x128xf32, #tpu.memory_space<vmem>> -> memref<25x128xf32, #tpu.memory_space<vmem>>
    tpu.wait_dma2 semaphore(%arg37 : memref<!tpu.dma_semaphore, #tpu.memory_space<semaphore_mem>>) src(%dma_wait3A_540 : memref<25x128xf32, #tpu.memory_space<vmem>>) dst(%dma_wait3A_537 : memref<25x128xf32, #tpu.memory_space<vmem_shared>>)
    %add3A_541 = arith.constant 425 : i32
    %add3A_542 = arith.addi %mul3A_8, %add3A_541 : i32
    %dma_wait3A_543 = arith.constant 0 : i32
    %dma_wait3A_544 = arith.constant 0 : i32
    %dma_wait3A_545 = tpu.memref_slice %arg23[%dma_wait3A_543, %dma_wait3A_544] : memref<25x128xf32, #tpu.memory_space<vmem>> -> memref<25x128xf32, #tpu.memory_space<vmem>>
    %dma_wait3A_546 = arith.constant 0 : i32
    %dma_wait3A_547 = tpu.memref_slice %arg9[%add3A_542, %dma_wait3A_546] : memref<10000x128xf32, #tpu.memory_space<vmem_shared>> -> memref<25x128xf32, #tpu.memory_space<vmem_shared>>
    %dma_wait3A_548 = arith.constant 0 : i32
    %dma_wait3A_549 = tpu.memref_slice %arg9[%add3A_542, %dma_wait3A_548] : memref<10000x128xf32, #tpu.memory_space<vmem_shared>> -> memref<25x128xf32, #tpu.memory_space<vmem_shared>>
    %dma_wait3A_550 = arith.constant 0 : i32
    %dma_wait3A_551 = arith.constant 0 : i32
    %dma_wait3A_552 = tpu.memref_slice %arg23[%dma_wait3A_550, %dma_wait3A_551] : memref<25x128xf32, #tpu.memory_space<vmem>> -> memref<25x128xf32, #tpu.memory_space<vmem>>
    tpu.wait_dma2 semaphore(%arg37 : memref<!tpu.dma_semaphore, #tpu.memory_space<semaphore_mem>>) src(%dma_wait3A_552 : memref<25x128xf32, #tpu.memory_space<vmem>>) dst(%dma_wait3A_549 : memref<25x128xf32, #tpu.memory_space<vmem_shared>>)
    %add3A_553 = arith.constant 450 : i32
    %add3A_554 = arith.addi %mul3A_8, %add3A_553 : i32
    %dma_wait3A_555 = arith.constant 0 : i32
    %dma_wait3A_556 = arith.constant 0 : i32
    %dma_wait3A_557 = tpu.memref_slice %arg23[%dma_wait3A_555, %dma_wait3A_556] : memref<25x128xf32, #tpu.memory_space<vmem>> -> memref<25x128xf32, #tpu.memory_space<vmem>>
    %dma_wait3A_558 = arith.constant 0 : i32
    %dma_wait3A_559 = tpu.memref_slice %arg9[%add3A_554, %dma_wait3A_558] : memref<10000x128xf32, #tpu.memory_space<vmem_shared>> -> memref<25x128xf32, #tpu.memory_space<vmem_shared>>
    %dma_wait3A_560 = arith.constant 0 : i32
    %dma_wait3A_561 = tpu.memref_slice %arg9[%add3A_554, %dma_wait3A_560] : memref<10000x128xf32, #tpu.memory_space<vmem_shared>> -> memref<25x128xf32, #tpu.memory_space<vmem_shared>>
    %dma_wait3A_562 = arith.constant 0 : i32
    %dma_wait3A_563 = arith.constant 0 : i32
    %dma_wait3A_564 = tpu.memref_slice %arg23[%dma_wait3A_562, %dma_wait3A_563] : memref<25x128xf32, #tpu.memory_space<vmem>> -> memref<25x128xf32, #tpu.memory_space<vmem>>
    tpu.wait_dma2 semaphore(%arg37 : memref<!tpu.dma_semaphore, #tpu.memory_space<semaphore_mem>>) src(%dma_wait3A_564 : memref<25x128xf32, #tpu.memory_space<vmem>>) dst(%dma_wait3A_561 : memref<25x128xf32, #tpu.memory_space<vmem_shared>>)
    %add3A_565 = arith.constant 475 : i32
    %add3A_566 = arith.addi %mul3A_8, %add3A_565 : i32
    %dma_wait3A_567 = arith.constant 0 : i32
    %dma_wait3A_568 = arith.constant 0 : i32
    %dma_wait3A_569 = tpu.memref_slice %arg23[%dma_wait3A_567, %dma_wait3A_568] : memref<25x128xf32, #tpu.memory_space<vmem>> -> memref<25x128xf32, #tpu.memory_space<vmem>>
    %dma_wait3A_570 = arith.constant 0 : i32
    %dma_wait3A_571 = tpu.memref_slice %arg9[%add3A_566, %dma_wait3A_570] : memref<10000x128xf32, #tpu.memory_space<vmem_shared>> -> memref<25x128xf32, #tpu.memory_space<vmem_shared>>
    %dma_wait3A_572 = arith.constant 0 : i32
    %dma_wait3A_573 = tpu.memref_slice %arg9[%add3A_566, %dma_wait3A_572] : memref<10000x128xf32, #tpu.memory_space<vmem_shared>> -> memref<25x128xf32, #tpu.memory_space<vmem_shared>>
    %dma_wait3A_574 = arith.constant 0 : i32
    %dma_wait3A_575 = arith.constant 0 : i32
    %dma_wait3A_576 = tpu.memref_slice %arg23[%dma_wait3A_574, %dma_wait3A_575] : memref<25x128xf32, #tpu.memory_space<vmem>> -> memref<25x128xf32, #tpu.memory_space<vmem>>
    tpu.wait_dma2 semaphore(%arg37 : memref<!tpu.dma_semaphore, #tpu.memory_space<semaphore_mem>>) src(%dma_wait3A_576 : memref<25x128xf32, #tpu.memory_space<vmem>>) dst(%dma_wait3A_573 : memref<25x128xf32, #tpu.memory_space<vmem_shared>>)
    %add3A_577 = arith.constant 500 : i32
    %add3A_578 = arith.addi %mul3A_8, %add3A_577 : i32
    %dma_wait3A_579 = arith.constant 0 : i32
    %dma_wait3A_580 = arith.constant 0 : i32
    %dma_wait3A_581 = tpu.memref_slice %arg23[%dma_wait3A_579, %dma_wait3A_580] : memref<25x128xf32, #tpu.memory_space<vmem>> -> memref<25x128xf32, #tpu.memory_space<vmem>>
    %dma_wait3A_582 = arith.constant 0 : i32
    %dma_wait3A_583 = tpu.memref_slice %arg9[%add3A_578, %dma_wait3A_582] : memref<10000x128xf32, #tpu.memory_space<vmem_shared>> -> memref<25x128xf32, #tpu.memory_space<vmem_shared>>
    %dma_wait3A_584 = arith.constant 0 : i32
    %dma_wait3A_585 = tpu.memref_slice %arg9[%add3A_578, %dma_wait3A_584] : memref<10000x128xf32, #tpu.memory_space<vmem_shared>> -> memref<25x128xf32, #tpu.memory_space<vmem_shared>>
    %dma_wait3A_586 = arith.constant 0 : i32
    %dma_wait3A_587 = arith.constant 0 : i32
    %dma_wait3A_588 = tpu.memref_slice %arg23[%dma_wait3A_586, %dma_wait3A_587] : memref<25x128xf32, #tpu.memory_space<vmem>> -> memref<25x128xf32, #tpu.memory_space<vmem>>
    tpu.wait_dma2 semaphore(%arg37 : memref<!tpu.dma_semaphore, #tpu.memory_space<semaphore_mem>>) src(%dma_wait3A_588 : memref<25x128xf32, #tpu.memory_space<vmem>>) dst(%dma_wait3A_585 : memref<25x128xf32, #tpu.memory_space<vmem_shared>>)
    %add3A_589 = arith.constant 525 : i32
    %add3A_590 = arith.addi %mul3A_8, %add3A_589 : i32
    %dma_wait3A_591 = arith.constant 0 : i32
    %dma_wait3A_592 = arith.constant 0 : i32
    %dma_wait3A_593 = tpu.memref_slice %arg23[%dma_wait3A_591, %dma_wait3A_592] : memref<25x128xf32, #tpu.memory_space<vmem>> -> memref<25x128xf32, #tpu.memory_space<vmem>>
    %dma_wait3A_594 = arith.constant 0 : i32
    %dma_wait3A_595 = tpu.memref_slice %arg9[%add3A_590, %dma_wait3A_594] : memref<10000x128xf32, #tpu.memory_space<vmem_shared>> -> memref<25x128xf32, #tpu.memory_space<vmem_shared>>
    %dma_wait3A_596 = arith.constant 0 : i32
    %dma_wait3A_597 = tpu.memref_slice %arg9[%add3A_590, %dma_wait3A_596] : memref<10000x128xf32, #tpu.memory_space<vmem_shared>> -> memref<25x128xf32, #tpu.memory_space<vmem_shared>>
    %dma_wait3A_598 = arith.constant 0 : i32
    %dma_wait3A_599 = arith.constant 0 : i32
    %dma_wait3A_600 = tpu.memref_slice %arg23[%dma_wait3A_598, %dma_wait3A_599] : memref<25x128xf32, #tpu.memory_space<vmem>> -> memref<25x128xf32, #tpu.memory_space<vmem>>
    tpu.wait_dma2 semaphore(%arg37 : memref<!tpu.dma_semaphore, #tpu.memory_space<semaphore_mem>>) src(%dma_wait3A_600 : memref<25x128xf32, #tpu.memory_space<vmem>>) dst(%dma_wait3A_597 : memref<25x128xf32, #tpu.memory_space<vmem_shared>>)
    %add3A_601 = arith.constant 550 : i32
    %add3A_602 = arith.addi %mul3A_8, %add3A_601 : i32
    %dma_wait3A_603 = arith.constant 0 : i32
    %dma_wait3A_604 = arith.constant 0 : i32
    %dma_wait3A_605 = tpu.memref_slice %arg23[%dma_wait3A_603, %dma_wait3A_604] : memref<25x128xf32, #tpu.memory_space<vmem>> -> memref<25x128xf32, #tpu.memory_space<vmem>>
    %dma_wait3A_606 = arith.constant 0 : i32
    %dma_wait3A_607 = tpu.memref_slice %arg9[%add3A_602, %dma_wait3A_606] : memref<10000x128xf32, #tpu.memory_space<vmem_shared>> -> memref<25x128xf32, #tpu.memory_space<vmem_shared>>
    %dma_wait3A_608 = arith.constant 0 : i32
    %dma_wait3A_609 = tpu.memref_slice %arg9[%add3A_602, %dma_wait3A_608] : memref<10000x128xf32, #tpu.memory_space<vmem_shared>> -> memref<25x128xf32, #tpu.memory_space<vmem_shared>>
    %dma_wait3A_610 = arith.constant 0 : i32
    %dma_wait3A_611 = arith.constant 0 : i32
    %dma_wait3A_612 = tpu.memref_slice %arg23[%dma_wait3A_610, %dma_wait3A_611] : memref<25x128xf32, #tpu.memory_space<vmem>> -> memref<25x128xf32, #tpu.memory_space<vmem>>
    tpu.wait_dma2 semaphore(%arg37 : memref<!tpu.dma_semaphore, #tpu.memory_space<semaphore_mem>>) src(%dma_wait3A_612 : memref<25x128xf32, #tpu.memory_space<vmem>>) dst(%dma_wait3A_609 : memref<25x128xf32, #tpu.memory_space<vmem_shared>>)
    %add3A_613 = arith.constant 575 : i32
    %add3A_614 = arith.addi %mul3A_8, %add3A_613 : i32
    %dma_wait3A_615 = arith.constant 0 : i32
    %dma_wait3A_616 = arith.constant 0 : i32
    %dma_wait3A_617 = tpu.memref_slice %arg23[%dma_wait3A_615, %dma_wait3A_616] : memref<25x128xf32, #tpu.memory_space<vmem>> -> memref<25x128xf32, #tpu.memory_space<vmem>>
    %dma_wait3A_618 = arith.constant 0 : i32
    %dma_wait3A_619 = tpu.memref_slice %arg9[%add3A_614, %dma_wait3A_618] : memref<10000x128xf32, #tpu.memory_space<vmem_shared>> -> memref<25x128xf32, #tpu.memory_space<vmem_shared>>
    %dma_wait3A_620 = arith.constant 0 : i32
    %dma_wait3A_621 = tpu.memref_slice %arg9[%add3A_614, %dma_wait3A_620] : memref<10000x128xf32, #tpu.memory_space<vmem_shared>> -> memref<25x128xf32, #tpu.memory_space<vmem_shared>>
    %dma_wait3A_622 = arith.constant 0 : i32
    %dma_wait3A_623 = arith.constant 0 : i32
    %dma_wait3A_624 = tpu.memref_slice %arg23[%dma_wait3A_622, %dma_wait3A_623] : memref<25x128xf32, #tpu.memory_space<vmem>> -> memref<25x128xf32, #tpu.memory_space<vmem>>
    tpu.wait_dma2 semaphore(%arg37 : memref<!tpu.dma_semaphore, #tpu.memory_space<semaphore_mem>>) src(%dma_wait3A_624 : memref<25x128xf32, #tpu.memory_space<vmem>>) dst(%dma_wait3A_621 : memref<25x128xf32, #tpu.memory_space<vmem_shared>>)
    %add3A_625 = arith.constant 600 : i32
    %add3A_626 = arith.addi %mul3A_8, %add3A_625 : i32
    %dma_wait3A_627 = arith.constant 0 : i32
    %dma_wait3A_628 = arith.constant 0 : i32
    %dma_wait3A_629 = tpu.memref_slice %arg23[%dma_wait3A_627, %dma_wait3A_628] : memref<25x128xf32, #tpu.memory_space<vmem>> -> memref<25x128xf32, #tpu.memory_space<vmem>>
    %dma_wait3A_630 = arith.constant 0 : i32
    %dma_wait3A_631 = tpu.memref_slice %arg9[%add3A_626, %dma_wait3A_630] : memref<10000x128xf32, #tpu.memory_space<vmem_shared>> -> memref<25x128xf32, #tpu.memory_space<vmem_shared>>
    %dma_wait3A_632 = arith.constant 0 : i32
    %dma_wait3A_633 = tpu.memref_slice %arg9[%add3A_626, %dma_wait3A_632] : memref<10000x128xf32, #tpu.memory_space<vmem_shared>> -> memref<25x128xf32, #tpu.memory_space<vmem_shared>>
    %dma_wait3A_634 = arith.constant 0 : i32
    %dma_wait3A_635 = arith.constant 0 : i32
    %dma_wait3A_636 = tpu.memref_slice %arg23[%dma_wait3A_634, %dma_wait3A_635] : memref<25x128xf32, #tpu.memory_space<vmem>> -> memref<25x128xf32, #tpu.memory_space<vmem>>
    tpu.wait_dma2 semaphore(%arg37 : memref<!tpu.dma_semaphore, #tpu.memory_space<semaphore_mem>>) src(%dma_wait3A_636 : memref<25x128xf32, #tpu.memory_space<vmem>>) dst(%dma_wait3A_633 : memref<25x128xf32, #tpu.memory_space<vmem_shared>>)
    %add3A_637 = arith.constant 0 : i32
    %add3A_638 = arith.addi %mul3A_8, %add3A_637 : i32
    %dma_wait3A_639 = arith.constant 0 : i32
    %dma_wait3A_640 = tpu.memref_slice %arg10[%add3A_638, %dma_wait3A_639] : memref<10000x16xf32, #tpu.memory_space<vmem_shared>> -> memref<125x16xf32, #tpu.memory_space<vmem_shared>>
    %dma_wait3A_641 = arith.constant 0 : i32
    %dma_wait3A_642 = tpu.memref_slice %arg10[%add3A_638, %dma_wait3A_641] : memref<10000x16xf32, #tpu.memory_space<vmem_shared>> -> memref<125x16xf32, #tpu.memory_space<vmem_shared>>
    tpu.wait_dma2 semaphore(%arg37 : memref<!tpu.dma_semaphore, #tpu.memory_space<semaphore_mem>>) src(%arg24 : memref<125x16xf32, #tpu.memory_space<vmem>>) dst(%dma_wait3A_642 : memref<125x16xf32, #tpu.memory_space<vmem_shared>>)
    %add3A_643 = arith.constant 125 : i32
    %add3A_644 = arith.addi %mul3A_8, %add3A_643 : i32
    %dma_wait3A_645 = arith.constant 0 : i32
    %dma_wait3A_646 = tpu.memref_slice %arg10[%add3A_644, %dma_wait3A_645] : memref<10000x16xf32, #tpu.memory_space<vmem_shared>> -> memref<125x16xf32, #tpu.memory_space<vmem_shared>>
    %dma_wait3A_647 = arith.constant 0 : i32
    %dma_wait3A_648 = tpu.memref_slice %arg10[%add3A_644, %dma_wait3A_647] : memref<10000x16xf32, #tpu.memory_space<vmem_shared>> -> memref<125x16xf32, #tpu.memory_space<vmem_shared>>
    tpu.wait_dma2 semaphore(%arg37 : memref<!tpu.dma_semaphore, #tpu.memory_space<semaphore_mem>>) src(%arg24 : memref<125x16xf32, #tpu.memory_space<vmem>>) dst(%dma_wait3A_648 : memref<125x16xf32, #tpu.memory_space<vmem_shared>>)
    %add3A_649 = arith.constant 250 : i32
    %add3A_650 = arith.addi %mul3A_8, %add3A_649 : i32
    %dma_wait3A_651 = arith.constant 0 : i32
    %dma_wait3A_652 = tpu.memref_slice %arg10[%add3A_650, %dma_wait3A_651] : memref<10000x16xf32, #tpu.memory_space<vmem_shared>> -> memref<125x16xf32, #tpu.memory_space<vmem_shared>>
    %dma_wait3A_653 = arith.constant 0 : i32
    %dma_wait3A_654 = tpu.memref_slice %arg10[%add3A_650, %dma_wait3A_653] : memref<10000x16xf32, #tpu.memory_space<vmem_shared>> -> memref<125x16xf32, #tpu.memory_space<vmem_shared>>
    tpu.wait_dma2 semaphore(%arg37 : memref<!tpu.dma_semaphore, #tpu.memory_space<semaphore_mem>>) src(%arg24 : memref<125x16xf32, #tpu.memory_space<vmem>>) dst(%dma_wait3A_654 : memref<125x16xf32, #tpu.memory_space<vmem_shared>>)
    %add3A_655 = arith.constant 375 : i32
    %add3A_656 = arith.addi %mul3A_8, %add3A_655 : i32
    %dma_wait3A_657 = arith.constant 0 : i32
    %dma_wait3A_658 = tpu.memref_slice %arg10[%add3A_656, %dma_wait3A_657] : memref<10000x16xf32, #tpu.memory_space<vmem_shared>> -> memref<125x16xf32, #tpu.memory_space<vmem_shared>>
    %dma_wait3A_659 = arith.constant 0 : i32
    %dma_wait3A_660 = tpu.memref_slice %arg10[%add3A_656, %dma_wait3A_659] : memref<10000x16xf32, #tpu.memory_space<vmem_shared>> -> memref<125x16xf32, #tpu.memory_space<vmem_shared>>
    tpu.wait_dma2 semaphore(%arg37 : memref<!tpu.dma_semaphore, #tpu.memory_space<semaphore_mem>>) src(%arg24 : memref<125x16xf32, #tpu.memory_space<vmem>>) dst(%dma_wait3A_660 : memref<125x16xf32, #tpu.memory_space<vmem_shared>>)
    %add3A_661 = arith.constant 500 : i32
    %add3A_662 = arith.addi %mul3A_8, %add3A_661 : i32
    %dma_wait3A_663 = arith.constant 0 : i32
    %dma_wait3A_664 = tpu.memref_slice %arg10[%add3A_662, %dma_wait3A_663] : memref<10000x16xf32, #tpu.memory_space<vmem_shared>> -> memref<125x16xf32, #tpu.memory_space<vmem_shared>>
    %dma_wait3A_665 = arith.constant 0 : i32
    %dma_wait3A_666 = tpu.memref_slice %arg10[%add3A_662, %dma_wait3A_665] : memref<10000x16xf32, #tpu.memory_space<vmem_shared>> -> memref<125x16xf32, #tpu.memory_space<vmem_shared>>
    tpu.wait_dma2 semaphore(%arg37 : memref<!tpu.dma_semaphore, #tpu.memory_space<semaphore_mem>>) src(%arg24 : memref<125x16xf32, #tpu.memory_space<vmem>>) dst(%dma_wait3A_666 : memref<125x16xf32, #tpu.memory_space<vmem_shared>>)
    %barrier3A = arith.constant 0 : index
    tpu.barrier barrier_id(%barrier3A)
    %scan3A_667 = arith.constant 0 : i32
    %scan3A_668 = arith.constant 0 : i32
    %scan3A_669 = arith.constant 125 : i32
    %scan3A_670 = arith.addi %scan3A_668, %scan3A_669 : i32
    %scan3A_671 = arith.constant 1 : i32
    scf.for %scan3A_794 = %scan3A_668 to %scan3A_670 step %scan3A_671  : i32 {
      %mul3A_795 = arith.constant 32 : i32
      %mul3A_796 = arith.muli %scan3A_794, %mul3A_795 : i32
      %add3A_797 = arith.addi %mul3A_796, %add3A : i32
      %mul3A_798 = arith.constant 80 : i32
      %mul3A_799 = arith.muli %add3A_797, %mul3A_798 : i32
      %dma_start3A_800 = tpu.memref_slice %arg5[%mul3A_799] : memref<320000xi32, #tpu.memory_space<hbm>> -> memref<80xi32, #tpu.memory_space<hbm>>
      %dma_start3A_801 = tpu.memref_slice %arg5[%mul3A_799] : memref<320000xi32, #tpu.memory_space<hbm>> -> memref<80xi32, #tpu.memory_space<hbm>>
      tpu.enqueue_dma source(%dma_start3A_801 : memref<80xi32, #tpu.memory_space<hbm>>) target(%arg11 : memref<80xi32, #tpu.memory_space<vmem>>) target_semaphore(%arg25 : memref<!tpu.dma_semaphore, #tpu.memory_space<semaphore_mem>>)
      %dma_start3A_802 = tpu.memref_slice %arg6[%mul3A_799] : memref<320000xi32, #tpu.memory_space<hbm>> -> memref<80xi32, #tpu.memory_space<hbm>>
      %dma_start3A_803 = tpu.memref_slice %arg6[%mul3A_799] : memref<320000xi32, #tpu.memory_space<hbm>> -> memref<80xi32, #tpu.memory_space<hbm>>
      tpu.enqueue_dma source(%dma_start3A_803 : memref<80xi32, #tpu.memory_space<hbm>>) target(%arg12 : memref<80xi32, #tpu.memory_space<vmem>>) target_semaphore(%arg25 : memref<!tpu.dma_semaphore, #tpu.memory_space<semaphore_mem>>)
      %dma_wait3A_804 = arith.constant 0 : i32
      %dma_wait3A_805 = tpu.memref_slice %arg5[%dma_wait3A_804] : memref<320000xi32, #tpu.memory_space<hbm>> -> memref<80xi32, #tpu.memory_space<hbm>>
      %dma_wait3A_806 = arith.constant 0 : i32
      %dma_wait3A_807 = tpu.memref_slice %arg5[%dma_wait3A_806] : memref<320000xi32, #tpu.memory_space<hbm>> -> memref<80xi32, #tpu.memory_space<hbm>>
      tpu.wait_dma2 semaphore(%arg25 : memref<!tpu.dma_semaphore, #tpu.memory_space<semaphore_mem>>) src(%dma_wait3A_807 : memref<80xi32, #tpu.memory_space<hbm>>) dst(%arg11 : memref<80xi32, #tpu.memory_space<vmem>>)
      %dma_wait3A_808 = arith.constant 0 : i32
      %dma_wait3A_809 = tpu.memref_slice %arg6[%dma_wait3A_808] : memref<320000xi32, #tpu.memory_space<hbm>> -> memref<80xi32, #tpu.memory_space<hbm>>
      %dma_wait3A_810 = arith.constant 0 : i32
      %dma_wait3A_811 = tpu.memref_slice %arg6[%dma_wait3A_810] : memref<320000xi32, #tpu.memory_space<hbm>> -> memref<80xi32, #tpu.memory_space<hbm>>
      tpu.wait_dma2 semaphore(%arg25 : memref<!tpu.dma_semaphore, #tpu.memory_space<semaphore_mem>>) src(%dma_wait3A_811 : memref<80xi32, #tpu.memory_space<hbm>>) dst(%arg12 : memref<80xi32, #tpu.memory_space<vmem>>)
      %dma_start3A_812 = arith.constant 0 : i32
      %dma_start3A_813 = arith.constant 0 : i32
      %dma_start3A_814 = tpu.memref_slice %arg2[%dma_start3A_812, %dma_start3A_813] : memref<10000x128xf32, #tpu.memory_space<hbm>> -> memref<10000x128xf32, #tpu.memory_space<hbm>>
      tpu.enqueue_indirect_dma source(%dma_start3A_814 : memref<10000x128xf32, #tpu.memory_space<hbm>>) target(%arg14 : memref<80x128xf32, #tpu.memory_space<vmem>>) offsets(%arg11 : memref<80xi32, #tpu.memory_space<vmem>>) semaphore(%arg26 : memref<!tpu.dma_semaphore, #tpu.memory_space<semaphore_mem>>)
      %dma_start3A_815 = arith.constant 0 : i32
      %dma_start3A_816 = arith.constant 0 : i32
      %dma_start3A_817 = tpu.memref_slice %arg3[%dma_start3A_815, %dma_start3A_816] : memref<10000x16xf32, #tpu.memory_space<hbm>> -> memref<10000x16xf32, #tpu.memory_space<hbm>>
      tpu.enqueue_indirect_dma source(%dma_start3A_817 : memref<10000x16xf32, #tpu.memory_space<hbm>>) target(%arg15 : memref<80x16xf32, #tpu.memory_space<vmem>>) offsets(%arg11 : memref<80xi32, #tpu.memory_space<vmem>>) semaphore(%arg27 : memref<!tpu.dma_semaphore, #tpu.memory_space<semaphore_mem>>)
      %dma_start3A_818 = arith.constant 0 : i32
      %dma_start3A_819 = arith.constant 0 : i32
      %dma_start3A_820 = tpu.memref_slice %arg4[%dma_start3A_818, %dma_start3A_819] : memref<10000x16xf32, #tpu.memory_space<hbm>> -> memref<10000x16xf32, #tpu.memory_space<hbm>>
      tpu.enqueue_indirect_dma source(%dma_start3A_820 : memref<10000x16xf32, #tpu.memory_space<hbm>>) target(%arg16 : memref<80x16xf32, #tpu.memory_space<vmem>>) offsets(%arg12 : memref<80xi32, #tpu.memory_space<vmem>>) semaphore(%arg28 : memref<!tpu.dma_semaphore, #tpu.memory_space<semaphore_mem>>)
      %dma_wait3A_821 = arith.constant 0 : i32
      %dma_wait3A_822 = arith.constant 0 : i32
      %dma_wait3A_823 = tpu.memref_slice %arg3[%dma_wait3A_821, %dma_wait3A_822] : memref<10000x16xf32, #tpu.memory_space<hbm>> -> memref<10000x16xf32, #tpu.memory_space<hbm>>
      tpu.wait_indirect_dma semaphore(%arg27 : memref<!tpu.dma_semaphore, #tpu.memory_space<semaphore_mem>>) src(%dma_wait3A_823 : memref<10000x16xf32, #tpu.memory_space<hbm>>) dst(%arg15 : memref<80x16xf32, #tpu.memory_space<vmem>>)
      %dma_wait3A_824 = arith.constant 0 : i32
      %dma_wait3A_825 = arith.constant 0 : i32
      %dma_wait3A_826 = tpu.memref_slice %arg4[%dma_wait3A_824, %dma_wait3A_825] : memref<10000x16xf32, #tpu.memory_space<hbm>> -> memref<10000x16xf32, #tpu.memory_space<hbm>>
      tpu.wait_indirect_dma semaphore(%arg28 : memref<!tpu.dma_semaphore, #tpu.memory_space<semaphore_mem>>) src(%dma_wait3A_826 : memref<10000x16xf32, #tpu.memory_space<hbm>>) dst(%arg16 : memref<80x16xf32, #tpu.memory_space<vmem>>)
      %get3A = arith.constant 0 : index
      %get3A_827 = tpu.vector_load %arg12[%get3A] {strides = array<i32>} : memref<80xi32, #tpu.memory_space<vmem>>, vector<16xi32>,
      %get3A_828 = vector.shape_cast %get3A_827 : vector<16xi32> to vector<16xi32>
      %swap3A = arith.constant 0 : index
      %swap3A_829 = tpu.vector_load %arg13[%swap3A] {strides = array<i32>} : memref<80xi32, #tpu.memory_space<vmem>>, vector<16xi32>,
      %swap3A_830 = vector.shape_cast %swap3A_829 : vector<16xi32> to vector<16xi32>
      %swap3A_831 = vector.shape_cast %get3A_828 : vector<16xi32> to vector<16xi32>
      tpu.vector_store %arg13[%swap3A], %swap3A_831 {strides = array<i32>} : memref<80xi32, #tpu.memory_space<vmem>>, vector<16xi32>,
      %get3A_832 = arith.constant 16 : index
      %get3A_833 = tpu.vector_load %arg12[%get3A_832] {strides = array<i32>} : memref<80xi32, #tpu.memory_space<vmem>>, vector<16xi32>,
      %get3A_834 = vector.shape_cast %get3A_833 : vector<16xi32> to vector<16xi32>
      %swap3A_835 = arith.constant 16 : index
      %swap3A_836 = tpu.vector_load %arg13[%swap3A_835] {strides = array<i32>} : memref<80xi32, #tpu.memory_space<vmem>>, vector<16xi32>,
      %swap3A_837 = vector.shape_cast %swap3A_836 : vector<16xi32> to vector<16xi32>
      %swap3A_838 = vector.shape_cast %get3A_834 : vector<16xi32> to vector<16xi32>
      tpu.vector_store %arg13[%swap3A_835], %swap3A_838 {strides = array<i32>} : memref<80xi32, #tpu.memory_space<vmem>>, vector<16xi32>,
      %get3A_839 = arith.constant 32 : index
      %get3A_840 = tpu.vector_load %arg12[%get3A_839] {strides = array<i32>} : memref<80xi32, #tpu.memory_space<vmem>>, vector<16xi32>,
      %get3A_841 = vector.shape_cast %get3A_840 : vector<16xi32> to vector<16xi32>
      %swap3A_842 = arith.constant 32 : index
      %swap3A_843 = tpu.vector_load %arg13[%swap3A_842] {strides = array<i32>} : memref<80xi32, #tpu.memory_space<vmem>>, vector<16xi32>,
      %swap3A_844 = vector.shape_cast %swap3A_843 : vector<16xi32> to vector<16xi32>
      %swap3A_845 = vector.shape_cast %get3A_841 : vector<16xi32> to vector<16xi32>
      tpu.vector_store %arg13[%swap3A_842], %swap3A_845 {strides = array<i32>} : memref<80xi32, #tpu.memory_space<vmem>>, vector<16xi32>,
      %get3A_846 = arith.constant 48 : index
      %get3A_847 = tpu.vector_load %arg12[%get3A_846] {strides = array<i32>} : memref<80xi32, #tpu.memory_space<vmem>>, vector<16xi32>,
      %get3A_848 = vector.shape_cast %get3A_847 : vector<16xi32> to vector<16xi32>
      %swap3A_849 = arith.constant 48 : index
      %swap3A_850 = tpu.vector_load %arg13[%swap3A_849] {strides = array<i32>} : memref<80xi32, #tpu.memory_space<vmem>>, vector<16xi32>,
      %swap3A_851 = vector.shape_cast %swap3A_850 : vector<16xi32> to vector<16xi32>
      %swap3A_852 = vector.shape_cast %get3A_848 : vector<16xi32> to vector<16xi32>
      tpu.vector_store %arg13[%swap3A_849], %swap3A_852 {strides = array<i32>} : memref<80xi32, #tpu.memory_space<vmem>>, vector<16xi32>,
      %get3A_853 = arith.constant 64 : index
      %get3A_854 = tpu.vector_load %arg12[%get3A_853] {strides = array<i32>} : memref<80xi32, #tpu.memory_space<vmem>>, vector<16xi32>,
      %get3A_855 = vector.shape_cast %get3A_854 : vector<16xi32> to vector<16xi32>
      %swap3A_856 = arith.constant 64 : index
      %swap3A_857 = tpu.vector_load %arg13[%swap3A_856] {strides = array<i32>} : memref<80xi32, #tpu.memory_space<vmem>>, vector<16xi32>,
      %swap3A_858 = vector.shape_cast %swap3A_857 : vector<16xi32> to vector<16xi32>
      %swap3A_859 = vector.shape_cast %get3A_855 : vector<16xi32> to vector<16xi32>
      tpu.vector_store %arg13[%swap3A_856], %swap3A_859 {strides = array<i32>} : memref<80xi32, #tpu.memory_space<vmem>>, vector<16xi32>,
      %scan3A_860 = arith.constant 0 : i32
      %scan3A_861 = arith.constant 0 : i32
      %scan3A_862 = arith.constant 80 : i32
      %scan3A_863 = arith.addi %scan3A_861, %scan3A_862 : i32
      %scan3A_864 = arith.constant 4 : i32
      scf.for %scan3A_887 = %scan3A_861 to %scan3A_863 step %scan3A_864  : i32 {
        %get3A_888 = arith.index_cast %scan3A_887 : i32 to index
        %get3A_889 = arith.constant 0 : index
        %get3A_890 = tpu.vector_load %arg15[%get3A_888, %get3A_889] {strides = array<i32>} : memref<80x16xf32, #tpu.memory_space<vmem>>, vector<1x16xf32>,
        %get3A_891 = vector.shape_cast %get3A_890 : vector<1x16xf32> to vector<16xf32>
        %get3A_892 = arith.index_cast %scan3A_887 : i32 to index
        %get3A_893 = arith.constant 0 : index
        %get3A_894 = tpu.vector_load %arg16[%get3A_892, %get3A_893] {strides = array<i32>} : memref<80x16xf32, #tpu.memory_space<vmem>>, vector<1x16xf32>,
        %get3A_895 = vector.shape_cast %get3A_894 : vector<1x16xf32> to vector<16xf32>
        %add3A_896 = arith.addf %get3A_891, %get3A_895 : vector<16xf32>
        %gt3A = arith.constant 0.000000e+00 : f32
        %gt3A_897 = vector.broadcast %gt3A : f32 to vector<16xf32>
        %gt3A_898 = arith.cmpf ogt, %add3A_896, %gt3A_897 : vector<16xf32>
        %mul3A_899 = arith.constant 2.000000e-01 : f32
        %mul3A_900 = vector.broadcast %mul3A_899 : f32 to vector<16xf32>
        %mul3A_901 = arith.mulf %add3A_896, %mul3A_900 : vector<16xf32>
        %select_n3A = arith.select %gt3A_898, %add3A_896, %mul3A_901 : vector<16xi1>, vector<16xf32>
        %exp3A = math.exp %select_n3A : vector<16xf32>
        %swap3A_902 = arith.index_cast %scan3A_887 : i32 to index
        %swap3A_903 = arith.constant 0 : index
        %swap3A_904 = tpu.vector_load %arg16[%swap3A_902, %swap3A_903] {strides = array<i32>} : memref<80x16xf32, #tpu.memory_space<vmem>>, vector<1x16xf32>,
        %swap3A_905 = vector.shape_cast %swap3A_904 : vector<1x16xf32> to vector<16xf32>
        %swap3A_906 = vector.shape_cast %exp3A : vector<16xf32> to vector<1x16xf32>
        tpu.vector_store %arg16[%swap3A_902, %swap3A_903], %swap3A_906 {strides = array<i32>} : memref<80x16xf32, #tpu.memory_space<vmem>>, vector<1x16xf32>,
        %scan3A_907 = arith.constant 1 : i32
        %scan3A_908 = arith.addi %scan3A_887, %scan3A_907 : i32
        %get3A_909 = arith.index_cast %scan3A_908 : i32 to index
        %get3A_910 = arith.constant 0 : index
        %get3A_911 = tpu.vector_load %arg15[%get3A_909, %get3A_910] {strides = array<i32>} : memref<80x16xf32, #tpu.memory_space<vmem>>, vector<1x16xf32>,
        %get3A_912 = vector.shape_cast %get3A_911 : vector<1x16xf32> to vector<16xf32>
        %get3A_913 = arith.index_cast %scan3A_908 : i32 to index
        %get3A_914 = arith.constant 0 : index
        %get3A_915 = tpu.vector_load %arg16[%get3A_913, %get3A_914] {strides = array<i32>} : memref<80x16xf32, #tpu.memory_space<vmem>>, vector<1x16xf32>,
        %get3A_916 = vector.shape_cast %get3A_915 : vector<1x16xf32> to vector<16xf32>
        %add3A_917 = arith.addf %get3A_912, %get3A_916 : vector<16xf32>
        %gt3A_918 = arith.constant 0.000000e+00 : f32
        %gt3A_919 = vector.broadcast %gt3A_918 : f32 to vector<16xf32>
        %gt3A_920 = arith.cmpf ogt, %add3A_917, %gt3A_919 : vector<16xf32>
        %mul3A_921 = arith.constant 2.000000e-01 : f32
        %mul3A_922 = vector.broadcast %mul3A_921 : f32 to vector<16xf32>
        %mul3A_923 = arith.mulf %add3A_917, %mul3A_922 : vector<16xf32>
        %select_n3A_924 = arith.select %gt3A_920, %add3A_917, %mul3A_923 : vector<16xi1>, vector<16xf32>
        %exp3A_925 = math.exp %select_n3A_924 : vector<16xf32>
        %swap3A_926 = arith.index_cast %scan3A_908 : i32 to index
        %swap3A_927 = arith.constant 0 : index
        %swap3A_928 = tpu.vector_load %arg16[%swap3A_926, %swap3A_927] {strides = array<i32>} : memref<80x16xf32, #tpu.memory_space<vmem>>, vector<1x16xf32>,
        %swap3A_929 = vector.shape_cast %swap3A_928 : vector<1x16xf32> to vector<16xf32>
        %swap3A_930 = vector.shape_cast %exp3A_925 : vector<16xf32> to vector<1x16xf32>
        tpu.vector_store %arg16[%swap3A_926, %swap3A_927], %swap3A_930 {strides = array<i32>} : memref<80x16xf32, #tpu.memory_space<vmem>>, vector<1x16xf32>,
        %scan3A_931 = arith.constant 2 : i32
        %scan3A_932 = arith.addi %scan3A_887, %scan3A_931 : i32
        %get3A_933 = arith.index_cast %scan3A_932 : i32 to index
        %get3A_934 = arith.constant 0 : index
        %get3A_935 = tpu.vector_load %arg15[%get3A_933, %get3A_934] {strides = array<i32>} : memref<80x16xf32, #tpu.memory_space<vmem>>, vector<1x16xf32>,
        %get3A_936 = vector.shape_cast %get3A_935 : vector<1x16xf32> to vector<16xf32>
        %get3A_937 = arith.index_cast %scan3A_932 : i32 to index
        %get3A_938 = arith.constant 0 : index
        %get3A_939 = tpu.vector_load %arg16[%get3A_937, %get3A_938] {strides = array<i32>} : memref<80x16xf32, #tpu.memory_space<vmem>>, vector<1x16xf32>,
        %get3A_940 = vector.shape_cast %get3A_939 : vector<1x16xf32> to vector<16xf32>
        %add3A_941 = arith.addf %get3A_936, %get3A_940 : vector<16xf32>
        %gt3A_942 = arith.constant 0.000000e+00 : f32
        %gt3A_943 = vector.broadcast %gt3A_942 : f32 to vector<16xf32>
        %gt3A_944 = arith.cmpf ogt, %add3A_941, %gt3A_943 : vector<16xf32>
        %mul3A_945 = arith.constant 2.000000e-01 : f32
        %mul3A_946 = vector.broadcast %mul3A_945 : f32 to vector<16xf32>
        %mul3A_947 = arith.mulf %add3A_941, %mul3A_946 : vector<16xf32>
        %select_n3A_948 = arith.select %gt3A_944, %add3A_941, %mul3A_947 : vector<16xi1>, vector<16xf32>
        %exp3A_949 = math.exp %select_n3A_948 : vector<16xf32>
        %swap3A_950 = arith.index_cast %scan3A_932 : i32 to index
        %swap3A_951 = arith.constant 0 : index
        %swap3A_952 = tpu.vector_load %arg16[%swap3A_950, %swap3A_951] {strides = array<i32>} : memref<80x16xf32, #tpu.memory_space<vmem>>, vector<1x16xf32>,
        %swap3A_953 = vector.shape_cast %swap3A_952 : vector<1x16xf32> to vector<16xf32>
        %swap3A_954 = vector.shape_cast %exp3A_949 : vector<16xf32> to vector<1x16xf32>
        tpu.vector_store %arg16[%swap3A_950, %swap3A_951], %swap3A_954 {strides = array<i32>} : memref<80x16xf32, #tpu.memory_space<vmem>>, vector<1x16xf32>,
        %scan3A_955 = arith.constant 3 : i32
        %scan3A_956 = arith.addi %scan3A_887, %scan3A_955 : i32
        %get3A_957 = arith.index_cast %scan3A_956 : i32 to index
        %get3A_958 = arith.constant 0 : index
        %get3A_959 = tpu.vector_load %arg15[%get3A_957, %get3A_958] {strides = array<i32>} : memref<80x16xf32, #tpu.memory_space<vmem>>, vector<1x16xf32>,
        %get3A_960 = vector.shape_cast %get3A_959 : vector<1x16xf32> to vector<16xf32>
        %get3A_961 = arith.index_cast %scan3A_956 : i32 to index
        %get3A_962 = arith.constant 0 : index
        %get3A_963 = tpu.vector_load %arg16[%get3A_961, %get3A_962] {strides = array<i32>} : memref<80x16xf32, #tpu.memory_space<vmem>>, vector<1x16xf32>,
        %get3A_964 = vector.shape_cast %get3A_963 : vector<1x16xf32> to vector<16xf32>
        %add3A_965 = arith.addf %get3A_960, %get3A_964 : vector<16xf32>
        %gt3A_966 = arith.constant 0.000000e+00 : f32
        %gt3A_967 = vector.broadcast %gt3A_966 : f32 to vector<16xf32>
        %gt3A_968 = arith.cmpf ogt, %add3A_965, %gt3A_967 : vector<16xf32>
        %mul3A_969 = arith.constant 2.000000e-01 : f32
        %mul3A_970 = vector.broadcast %mul3A_969 : f32 to vector<16xf32>
        %mul3A_971 = arith.mulf %add3A_965, %mul3A_970 : vector<16xf32>
        %select_n3A_972 = arith.select %gt3A_968, %add3A_965, %mul3A_971 : vector<16xi1>, vector<16xf32>
        %exp3A_973 = math.exp %select_n3A_972 : vector<16xf32>
        %swap3A_974 = arith.index_cast %scan3A_956 : i32 to index
        %swap3A_975 = arith.constant 0 : index
        %swap3A_976 = tpu.vector_load %arg16[%swap3A_974, %swap3A_975] {strides = array<i32>} : memref<80x16xf32, #tpu.memory_space<vmem>>, vector<1x16xf32>,
        %swap3A_977 = vector.shape_cast %swap3A_976 : vector<1x16xf32> to vector<16xf32>
        %swap3A_978 = vector.shape_cast %exp3A_973 : vector<16xf32> to vector<1x16xf32>
        tpu.vector_store %arg16[%swap3A_974, %swap3A_975], %swap3A_978 {strides = array<i32>} : memref<80x16xf32, #tpu.memory_space<vmem>>, vector<1x16xf32>,
      }
      %scan3A_865 = arith.constant 80 : i32
      %dma_wait3A_866 = arith.constant 0 : i32
      %dma_wait3A_867 = arith.constant 0 : i32
      %dma_wait3A_868 = tpu.memref_slice %arg2[%dma_wait3A_866, %dma_wait3A_867] : memref<10000x128xf32, #tpu.memory_space<hbm>> -> memref<10000x128xf32, #tpu.memory_space<hbm>>
      tpu.wait_indirect_dma semaphore(%arg26 : memref<!tpu.dma_semaphore, #tpu.memory_space<semaphore_mem>>) src(%dma_wait3A_868 : memref<10000x128xf32, #tpu.memory_space<hbm>>) dst(%arg14 : memref<80x128xf32, #tpu.memory_space<vmem>>)
      %scan3A_869 = arith.constant 0 : i32
      %scan3A_870 = arith.constant 0 : i32
      %scan3A_871 = arith.constant 80 : i32
      %scan3A_872 = arith.addi %scan3A_870, %scan3A_871 : i32
      %scan3A_873 = arith.constant 2 : i32
      scf.for %scan3A_887 = %scan3A_870 to %scan3A_872 step %scan3A_873  : i32 {
        %get3A_888 = arith.index_cast %scan3A_887 : i32 to index
        %get3A_889 = arith.constant 0 : index
        %get3A_890 = tpu.vector_load %arg16[%get3A_888, %get3A_889] {strides = array<i32>} : memref<80x16xf32, #tpu.memory_space<vmem>>, vector<1x16xf32>,
        %get3A_891 = vector.shape_cast %get3A_890 : vector<1x16xf32> to vector<16xf32>
        %get3A_892 = arith.index_cast %scan3A_887 : i32 to index
        %get3A_893 = arith.constant 0 : index
        %get3A_894 = tpu.vector_load %arg14[%get3A_892, %get3A_893] {strides = array<i32>} : memref<80x128xf32, #tpu.memory_space<vmem>>, vector<1x16xf32>,
        %get3A_895 = vector.shape_cast %get3A_894 : vector<1x16xf32> to vector<16xf32>
        %slice3A = vector.extract_strided_slice %get3A_891 {offsets = [0], sizes = [1], strides = [1]} : vector<16xf32> to vector<1xf32>
        %squeeze3A = vector.extract %slice3A[0] : f32 from vector<1xf32>
        %mul3A_896 = vector.broadcast %squeeze3A : f32 to vector<16xf32>
        %mul3A_897 = arith.mulf %get3A_895, %mul3A_896 : vector<16xf32>
        %swap3A_898 = arith.index_cast %scan3A_887 : i32 to index
        %swap3A_899 = arith.constant 0 : index
        %swap3A_900 = tpu.vector_load %arg14[%swap3A_898, %swap3A_899] {strides = array<i32>} : memref<80x128xf32, #tpu.memory_space<vmem>>, vector<1x16xf32>,
        %swap3A_901 = vector.shape_cast %swap3A_900 : vector<1x16xf32> to vector<16xf32>
        %swap3A_902 = vector.shape_cast %mul3A_897 : vector<16xf32> to vector<1x16xf32>
        tpu.vector_store %arg14[%swap3A_898, %swap3A_899], %swap3A_902 {strides = array<i32>} : memref<80x128xf32, #tpu.memory_space<vmem>>, vector<1x16xf32>,
        %get3A_903 = arith.index_cast %scan3A_887 : i32 to index
        %get3A_904 = arith.constant 16 : index
        %get3A_905 = tpu.vector_load %arg14[%get3A_903, %get3A_904] {strides = array<i32>} : memref<80x128xf32, #tpu.memory_space<vmem>>, vector<1x16xf32>,
        %get3A_906 = vector.shape_cast %get3A_905 : vector<1x16xf32> to vector<16xf32>
        %slice3A_907 = vector.extract_strided_slice %get3A_891 {offsets = [1], sizes = [1], strides = [1]} : vector<16xf32> to vector<1xf32>
        %squeeze3A_908 = vector.extract %slice3A_907[0] : f32 from vector<1xf32>
        %mul3A_909 = vector.broadcast %squeeze3A_908 : f32 to vector<16xf32>
        %mul3A_910 = arith.mulf %get3A_906, %mul3A_909 : vector<16xf32>
        %swap3A_911 = arith.index_cast %scan3A_887 : i32 to index
        %swap3A_912 = arith.constant 16 : index
        %swap3A_913 = tpu.vector_load %arg14[%swap3A_911, %swap3A_912] {strides = array<i32>} : memref<80x128xf32, #tpu.memory_space<vmem>>, vector<1x16xf32>,
        %swap3A_914 = vector.shape_cast %swap3A_913 : vector<1x16xf32> to vector<16xf32>
        %swap3A_915 = vector.shape_cast %mul3A_910 : vector<16xf32> to vector<1x16xf32>
        tpu.vector_store %arg14[%swap3A_911, %swap3A_912], %swap3A_915 {strides = array<i32>} : memref<80x128xf32, #tpu.memory_space<vmem>>, vector<1x16xf32>,
        %get3A_916 = arith.index_cast %scan3A_887 : i32 to index
        %get3A_917 = arith.constant 32 : index
        %get3A_918 = tpu.vector_load %arg14[%get3A_916, %get3A_917] {strides = array<i32>} : memref<80x128xf32, #tpu.memory_space<vmem>>, vector<1x16xf32>,
        %get3A_919 = vector.shape_cast %get3A_918 : vector<1x16xf32> to vector<16xf32>
        %slice3A_920 = vector.extract_strided_slice %get3A_891 {offsets = [2], sizes = [1], strides = [1]} : vector<16xf32> to vector<1xf32>
        %squeeze3A_921 = vector.extract %slice3A_920[0] : f32 from vector<1xf32>
        %mul3A_922 = vector.broadcast %squeeze3A_921 : f32 to vector<16xf32>
        %mul3A_923 = arith.mulf %get3A_919, %mul3A_922 : vector<16xf32>
        %swap3A_924 = arith.index_cast %scan3A_887 : i32 to index
        %swap3A_925 = arith.constant 32 : index
        %swap3A_926 = tpu.vector_load %arg14[%swap3A_924, %swap3A_925] {strides = array<i32>} : memref<80x128xf32, #tpu.memory_space<vmem>>, vector<1x16xf32>,
        %swap3A_927 = vector.shape_cast %swap3A_926 : vector<1x16xf32> to vector<16xf32>
        %swap3A_928 = vector.shape_cast %mul3A_923 : vector<16xf32> to vector<1x16xf32>
        tpu.vector_store %arg14[%swap3A_924, %swap3A_925], %swap3A_928 {strides = array<i32>} : memref<80x128xf32, #tpu.memory_space<vmem>>, vector<1x16xf32>,
        %get3A_929 = arith.index_cast %scan3A_887 : i32 to index
        %get3A_930 = arith.constant 48 : index
        %get3A_931 = tpu.vector_load %arg14[%get3A_929, %get3A_930] {strides = array<i32>} : memref<80x128xf32, #tpu.memory_space<vmem>>, vector<1x16xf32>,
        %get3A_932 = vector.shape_cast %get3A_931 : vector<1x16xf32> to vector<16xf32>
        %slice3A_933 = vector.extract_strided_slice %get3A_891 {offsets = [3], sizes = [1], strides = [1]} : vector<16xf32> to vector<1xf32>
        %squeeze3A_934 = vector.extract %slice3A_933[0] : f32 from vector<1xf32>
        %mul3A_935 = vector.broadcast %squeeze3A_934 : f32 to vector<16xf32>
        %mul3A_936 = arith.mulf %get3A_932, %mul3A_935 : vector<16xf32>
        %swap3A_937 = arith.index_cast %scan3A_887 : i32 to index
        %swap3A_938 = arith.constant 48 : index
        %swap3A_939 = tpu.vector_load %arg14[%swap3A_937, %swap3A_938] {strides = array<i32>} : memref<80x128xf32, #tpu.memory_space<vmem>>, vector<1x16xf32>,
        %swap3A_940 = vector.shape_cast %swap3A_939 : vector<1x16xf32> to vector<16xf32>
        %swap3A_941 = vector.shape_cast %mul3A_936 : vector<16xf32> to vector<1x16xf32>
        tpu.vector_store %arg14[%swap3A_937, %swap3A_938], %swap3A_941 {strides = array<i32>} : memref<80x128xf32, #tpu.memory_space<vmem>>, vector<1x16xf32>,
        %get3A_942 = arith.index_cast %scan3A_887 : i32 to index
        %get3A_943 = arith.constant 64 : index
        %get3A_944 = tpu.vector_load %arg14[%get3A_942, %get3A_943] {strides = array<i32>} : memref<80x128xf32, #tpu.memory_space<vmem>>, vector<1x16xf32>,
        %get3A_945 = vector.shape_cast %get3A_944 : vector<1x16xf32> to vector<16xf32>
        %slice3A_946 = vector.extract_strided_slice %get3A_891 {offsets = [4], sizes = [1], strides = [1]} : vector<16xf32> to vector<1xf32>
        %squeeze3A_947 = vector.extract %slice3A_946[0] : f32 from vector<1xf32>
        %mul3A_948 = vector.broadcast %squeeze3A_947 : f32 to vector<16xf32>
        %mul3A_949 = arith.mulf %get3A_945, %mul3A_948 : vector<16xf32>
        %swap3A_950 = arith.index_cast %scan3A_887 : i32 to index
        %swap3A_951 = arith.constant 64 : index
        %swap3A_952 = tpu.vector_load %arg14[%swap3A_950, %swap3A_951] {strides = array<i32>} : memref<80x128xf32, #tpu.memory_space<vmem>>, vector<1x16xf32>,
        %swap3A_953 = vector.shape_cast %swap3A_952 : vector<1x16xf32> to vector<16xf32>
        %swap3A_954 = vector.shape_cast %mul3A_949 : vector<16xf32> to vector<1x16xf32>
        tpu.vector_store %arg14[%swap3A_950, %swap3A_951], %swap3A_954 {strides = array<i32>} : memref<80x128xf32, #tpu.memory_space<vmem>>, vector<1x16xf32>,
        %get3A_955 = arith.index_cast %scan3A_887 : i32 to index
        %get3A_956 = arith.constant 80 : index
        %get3A_957 = tpu.vector_load %arg14[%get3A_955, %get3A_956] {strides = array<i32>} : memref<80x128xf32, #tpu.memory_space<vmem>>, vector<1x16xf32>,
        %get3A_958 = vector.shape_cast %get3A_957 : vector<1x16xf32> to vector<16xf32>
        %slice3A_959 = vector.extract_strided_slice %get3A_891 {offsets = [5], sizes = [1], strides = [1]} : vector<16xf32> to vector<1xf32>
        %squeeze3A_960 = vector.extract %slice3A_959[0] : f32 from vector<1xf32>
        %mul3A_961 = vector.broadcast %squeeze3A_960 : f32 to vector<16xf32>
        %mul3A_962 = arith.mulf %get3A_958, %mul3A_961 : vector<16xf32>
        %swap3A_963 = arith.index_cast %scan3A_887 : i32 to index
        %swap3A_964 = arith.constant 80 : index
        %swap3A_965 = tpu.vector_load %arg14[%swap3A_963, %swap3A_964] {strides = array<i32>} : memref<80x128xf32, #tpu.memory_space<vmem>>, vector<1x16xf32>,
        %swap3A_966 = vector.shape_cast %swap3A_965 : vector<1x16xf32> to vector<16xf32>
        %swap3A_967 = vector.shape_cast %mul3A_962 : vector<16xf32> to vector<1x16xf32>
        tpu.vector_store %arg14[%swap3A_963, %swap3A_964], %swap3A_967 {strides = array<i32>} : memref<80x128xf32, #tpu.memory_space<vmem>>, vector<1x16xf32>,
        %get3A_968 = arith.index_cast %scan3A_887 : i32 to index
        %get3A_969 = arith.constant 96 : index
        %get3A_970 = tpu.vector_load %arg14[%get3A_968, %get3A_969] {strides = array<i32>} : memref<80x128xf32, #tpu.memory_space<vmem>>, vector<1x16xf32>,
        %get3A_971 = vector.shape_cast %get3A_970 : vector<1x16xf32> to vector<16xf32>
        %slice3A_972 = vector.extract_strided_slice %get3A_891 {offsets = [6], sizes = [1], strides = [1]} : vector<16xf32> to vector<1xf32>
        %squeeze3A_973 = vector.extract %slice3A_972[0] : f32 from vector<1xf32>
        %mul3A_974 = vector.broadcast %squeeze3A_973 : f32 to vector<16xf32>
        %mul3A_975 = arith.mulf %get3A_971, %mul3A_974 : vector<16xf32>
        %swap3A_976 = arith.index_cast %scan3A_887 : i32 to index
        %swap3A_977 = arith.constant 96 : index
        %swap3A_978 = tpu.vector_load %arg14[%swap3A_976, %swap3A_977] {strides = array<i32>} : memref<80x128xf32, #tpu.memory_space<vmem>>, vector<1x16xf32>,
        %swap3A_979 = vector.shape_cast %swap3A_978 : vector<1x16xf32> to vector<16xf32>
        %swap3A_980 = vector.shape_cast %mul3A_975 : vector<16xf32> to vector<1x16xf32>
        tpu.vector_store %arg14[%swap3A_976, %swap3A_977], %swap3A_980 {strides = array<i32>} : memref<80x128xf32, #tpu.memory_space<vmem>>, vector<1x16xf32>,
        %get3A_981 = arith.index_cast %scan3A_887 : i32 to index
        %get3A_982 = arith.constant 112 : index
        %get3A_983 = tpu.vector_load %arg14[%get3A_981, %get3A_982] {strides = array<i32>} : memref<80x128xf32, #tpu.memory_space<vmem>>, vector<1x16xf32>,
        %get3A_984 = vector.shape_cast %get3A_983 : vector<1x16xf32> to vector<16xf32>
        %slice3A_985 = vector.extract_strided_slice %get3A_891 {offsets = [7], sizes = [1], strides = [1]} : vector<16xf32> to vector<1xf32>
        %squeeze3A_986 = vector.extract %slice3A_985[0] : f32 from vector<1xf32>
        %mul3A_987 = vector.broadcast %squeeze3A_986 : f32 to vector<16xf32>
        %mul3A_988 = arith.mulf %get3A_984, %mul3A_987 : vector<16xf32>
        %swap3A_989 = arith.index_cast %scan3A_887 : i32 to index
        %swap3A_990 = arith.constant 112 : index
        %swap3A_991 = tpu.vector_load %arg14[%swap3A_989, %swap3A_990] {strides = array<i32>} : memref<80x128xf32, #tpu.memory_space<vmem>>, vector<1x16xf32>,
        %swap3A_992 = vector.shape_cast %swap3A_991 : vector<1x16xf32> to vector<16xf32>
        %swap3A_993 = vector.shape_cast %mul3A_988 : vector<16xf32> to vector<1x16xf32>
        tpu.vector_store %arg14[%swap3A_989, %swap3A_990], %swap3A_993 {strides = array<i32>} : memref<80x128xf32, #tpu.memory_space<vmem>>, vector<1x16xf32>,
        %scan3A_994 = arith.constant 1 : i32
        %scan3A_995 = arith.addi %scan3A_887, %scan3A_994 : i32
        %get3A_996 = arith.index_cast %scan3A_995 : i32 to index
        %get3A_997 = arith.constant 0 : index
        %get3A_998 = tpu.vector_load %arg16[%get3A_996, %get3A_997] {strides = array<i32>} : memref<80x16xf32, #tpu.memory_space<vmem>>, vector<1x16xf32>,
        %get3A_999 = vector.shape_cast %get3A_998 : vector<1x16xf32> to vector<16xf32>
        %get3A_1000 = arith.index_cast %scan3A_995 : i32 to index
        %get3A_1001 = arith.constant 0 : index
        %get3A_1002 = tpu.vector_load %arg14[%get3A_1000, %get3A_1001] {strides = array<i32>} : memref<80x128xf32, #tpu.memory_space<vmem>>, vector<1x16xf32>,
        %get3A_1003 = vector.shape_cast %get3A_1002 : vector<1x16xf32> to vector<16xf32>
        %slice3A_1004 = vector.extract_strided_slice %get3A_999 {offsets = [0], sizes = [1], strides = [1]} : vector<16xf32> to vector<1xf32>
        %squeeze3A_1005 = vector.extract %slice3A_1004[0] : f32 from vector<1xf32>
        %mul3A_1006 = vector.broadcast %squeeze3A_1005 : f32 to vector<16xf32>
        %mul3A_1007 = arith.mulf %get3A_1003, %mul3A_1006 : vector<16xf32>
        %swap3A_1008 = arith.index_cast %scan3A_995 : i32 to index
        %swap3A_1009 = arith.constant 0 : index
        %swap3A_1010 = tpu.vector_load %arg14[%swap3A_1008, %swap3A_1009] {strides = array<i32>} : memref<80x128xf32, #tpu.memory_space<vmem>>, vector<1x16xf32>,
        %swap3A_1011 = vector.shape_cast %swap3A_1010 : vector<1x16xf32> to vector<16xf32>
        %swap3A_1012 = vector.shape_cast %mul3A_1007 : vector<16xf32> to vector<1x16xf32>
        tpu.vector_store %arg14[%swap3A_1008, %swap3A_1009], %swap3A_1012 {strides = array<i32>} : memref<80x128xf32, #tpu.memory_space<vmem>>, vector<1x16xf32>,
        %get3A_1013 = arith.index_cast %scan3A_995 : i32 to index
        %get3A_1014 = arith.constant 16 : index
        %get3A_1015 = tpu.vector_load %arg14[%get3A_1013, %get3A_1014] {strides = array<i32>} : memref<80x128xf32, #tpu.memory_space<vmem>>, vector<1x16xf32>,
        %get3A_1016 = vector.shape_cast %get3A_1015 : vector<1x16xf32> to vector<16xf32>
        %slice3A_1017 = vector.extract_strided_slice %get3A_999 {offsets = [1], sizes = [1], strides = [1]} : vector<16xf32> to vector<1xf32>
        %squeeze3A_1018 = vector.extract %slice3A_1017[0] : f32 from vector<1xf32>
        %mul3A_1019 = vector.broadcast %squeeze3A_1018 : f32 to vector<16xf32>
        %mul3A_1020 = arith.mulf %get3A_1016, %mul3A_1019 : vector<16xf32>
        %swap3A_1021 = arith.index_cast %scan3A_995 : i32 to index
        %swap3A_1022 = arith.constant 16 : index
        %swap3A_1023 = tpu.vector_load %arg14[%swap3A_1021, %swap3A_1022] {strides = array<i32>} : memref<80x128xf32, #tpu.memory_space<vmem>>, vector<1x16xf32>,
        %swap3A_1024 = vector.shape_cast %swap3A_1023 : vector<1x16xf32> to vector<16xf32>
        %swap3A_1025 = vector.shape_cast %mul3A_1020 : vector<16xf32> to vector<1x16xf32>
        tpu.vector_store %arg14[%swap3A_1021, %swap3A_1022], %swap3A_1025 {strides = array<i32>} : memref<80x128xf32, #tpu.memory_space<vmem>>, vector<1x16xf32>,
        %get3A_1026 = arith.index_cast %scan3A_995 : i32 to index
        %get3A_1027 = arith.constant 32 : index
        %get3A_1028 = tpu.vector_load %arg14[%get3A_1026, %get3A_1027] {strides = array<i32>} : memref<80x128xf32, #tpu.memory_space<vmem>>, vector<1x16xf32>,
        %get3A_1029 = vector.shape_cast %get3A_1028 : vector<1x16xf32> to vector<16xf32>
        %slice3A_1030 = vector.extract_strided_slice %get3A_999 {offsets = [2], sizes = [1], strides = [1]} : vector<16xf32> to vector<1xf32>
        %squeeze3A_1031 = vector.extract %slice3A_1030[0] : f32 from vector<1xf32>
        %mul3A_1032 = vector.broadcast %squeeze3A_1031 : f32 to vector<16xf32>
        %mul3A_1033 = arith.mulf %get3A_1029, %mul3A_1032 : vector<16xf32>
        %swap3A_1034 = arith.index_cast %scan3A_995 : i32 to index
        %swap3A_1035 = arith.constant 32 : index
        %swap3A_1036 = tpu.vector_load %arg14[%swap3A_1034, %swap3A_1035] {strides = array<i32>} : memref<80x128xf32, #tpu.memory_space<vmem>>, vector<1x16xf32>,
        %swap3A_1037 = vector.shape_cast %swap3A_1036 : vector<1x16xf32> to vector<16xf32>
        %swap3A_1038 = vector.shape_cast %mul3A_1033 : vector<16xf32> to vector<1x16xf32>
        tpu.vector_store %arg14[%swap3A_1034, %swap3A_1035], %swap3A_1038 {strides = array<i32>} : memref<80x128xf32, #tpu.memory_space<vmem>>, vector<1x16xf32>,
        %get3A_1039 = arith.index_cast %scan3A_995 : i32 to index
        %get3A_1040 = arith.constant 48 : index
        %get3A_1041 = tpu.vector_load %arg14[%get3A_1039, %get3A_1040] {strides = array<i32>} : memref<80x128xf32, #tpu.memory_space<vmem>>, vector<1x16xf32>,
        %get3A_1042 = vector.shape_cast %get3A_1041 : vector<1x16xf32> to vector<16xf32>
        %slice3A_1043 = vector.extract_strided_slice %get3A_999 {offsets = [3], sizes = [1], strides = [1]} : vector<16xf32> to vector<1xf32>
        %squeeze3A_1044 = vector.extract %slice3A_1043[0] : f32 from vector<1xf32>
        %mul3A_1045 = vector.broadcast %squeeze3A_1044 : f32 to vector<16xf32>
        %mul3A_1046 = arith.mulf %get3A_1042, %mul3A_1045 : vector<16xf32>
        %swap3A_1047 = arith.index_cast %scan3A_995 : i32 to index
        %swap3A_1048 = arith.constant 48 : index
        %swap3A_1049 = tpu.vector_load %arg14[%swap3A_1047, %swap3A_1048] {strides = array<i32>} : memref<80x128xf32, #tpu.memory_space<vmem>>, vector<1x16xf32>,
        %swap3A_1050 = vector.shape_cast %swap3A_1049 : vector<1x16xf32> to vector<16xf32>
        %swap3A_1051 = vector.shape_cast %mul3A_1046 : vector<16xf32> to vector<1x16xf32>
        tpu.vector_store %arg14[%swap3A_1047, %swap3A_1048], %swap3A_1051 {strides = array<i32>} : memref<80x128xf32, #tpu.memory_space<vmem>>, vector<1x16xf32>,
        %get3A_1052 = arith.index_cast %scan3A_995 : i32 to index
        %get3A_1053 = arith.constant 64 : index
        %get3A_1054 = tpu.vector_load %arg14[%get3A_1052, %get3A_1053] {strides = array<i32>} : memref<80x128xf32, #tpu.memory_space<vmem>>, vector<1x16xf32>,
        %get3A_1055 = vector.shape_cast %get3A_1054 : vector<1x16xf32> to vector<16xf32>
        %slice3A_1056 = vector.extract_strided_slice %get3A_999 {offsets = [4], sizes = [1], strides = [1]} : vector<16xf32> to vector<1xf32>
        %squeeze3A_1057 = vector.extract %slice3A_1056[0] : f32 from vector<1xf32>
        %mul3A_1058 = vector.broadcast %squeeze3A_1057 : f32 to vector<16xf32>
        %mul3A_1059 = arith.mulf %get3A_1055, %mul3A_1058 : vector<16xf32>
        %swap3A_1060 = arith.index_cast %scan3A_995 : i32 to index
        %swap3A_1061 = arith.constant 64 : index
        %swap3A_1062 = tpu.vector_load %arg14[%swap3A_1060, %swap3A_1061] {strides = array<i32>} : memref<80x128xf32, #tpu.memory_space<vmem>>, vector<1x16xf32>,
        %swap3A_1063 = vector.shape_cast %swap3A_1062 : vector<1x16xf32> to vector<16xf32>
        %swap3A_1064 = vector.shape_cast %mul3A_1059 : vector<16xf32> to vector<1x16xf32>
        tpu.vector_store %arg14[%swap3A_1060, %swap3A_1061], %swap3A_1064 {strides = array<i32>} : memref<80x128xf32, #tpu.memory_space<vmem>>, vector<1x16xf32>,
        %get3A_1065 = arith.index_cast %scan3A_995 : i32 to index
        %get3A_1066 = arith.constant 80 : index
        %get3A_1067 = tpu.vector_load %arg14[%get3A_1065, %get3A_1066] {strides = array<i32>} : memref<80x128xf32, #tpu.memory_space<vmem>>, vector<1x16xf32>,
        %get3A_1068 = vector.shape_cast %get3A_1067 : vector<1x16xf32> to vector<16xf32>
        %slice3A_1069 = vector.extract_strided_slice %get3A_999 {offsets = [5], sizes = [1], strides = [1]} : vector<16xf32> to vector<1xf32>
        %squeeze3A_1070 = vector.extract %slice3A_1069[0] : f32 from vector<1xf32>
        %mul3A_1071 = vector.broadcast %squeeze3A_1070 : f32 to vector<16xf32>
        %mul3A_1072 = arith.mulf %get3A_1068, %mul3A_1071 : vector<16xf32>
        %swap3A_1073 = arith.index_cast %scan3A_995 : i32 to index
        %swap3A_1074 = arith.constant 80 : index
        %swap3A_1075 = tpu.vector_load %arg14[%swap3A_1073, %swap3A_1074] {strides = array<i32>} : memref<80x128xf32, #tpu.memory_space<vmem>>, vector<1x16xf32>,
        %swap3A_1076 = vector.shape_cast %swap3A_1075 : vector<1x16xf32> to vector<16xf32>
        %swap3A_1077 = vector.shape_cast %mul3A_1072 : vector<16xf32> to vector<1x16xf32>
        tpu.vector_store %arg14[%swap3A_1073, %swap3A_1074], %swap3A_1077 {strides = array<i32>} : memref<80x128xf32, #tpu.memory_space<vmem>>, vector<1x16xf32>,
        %get3A_1078 = arith.index_cast %scan3A_995 : i32 to index
        %get3A_1079 = arith.constant 96 : index
        %get3A_1080 = tpu.vector_load %arg14[%get3A_1078, %get3A_1079] {strides = array<i32>} : memref<80x128xf32, #tpu.memory_space<vmem>>, vector<1x16xf32>,
        %get3A_1081 = vector.shape_cast %get3A_1080 : vector<1x16xf32> to vector<16xf32>
        %slice3A_1082 = vector.extract_strided_slice %get3A_999 {offsets = [6], sizes = [1], strides = [1]} : vector<16xf32> to vector<1xf32>
        %squeeze3A_1083 = vector.extract %slice3A_1082[0] : f32 from vector<1xf32>
        %mul3A_1084 = vector.broadcast %squeeze3A_1083 : f32 to vector<16xf32>
        %mul3A_1085 = arith.mulf %get3A_1081, %mul3A_1084 : vector<16xf32>
        %swap3A_1086 = arith.index_cast %scan3A_995 : i32 to index
        %swap3A_1087 = arith.constant 96 : index
        %swap3A_1088 = tpu.vector_load %arg14[%swap3A_1086, %swap3A_1087] {strides = array<i32>} : memref<80x128xf32, #tpu.memory_space<vmem>>, vector<1x16xf32>,
        %swap3A_1089 = vector.shape_cast %swap3A_1088 : vector<1x16xf32> to vector<16xf32>
        %swap3A_1090 = vector.shape_cast %mul3A_1085 : vector<16xf32> to vector<1x16xf32>
        tpu.vector_store %arg14[%swap3A_1086, %swap3A_1087], %swap3A_1090 {strides = array<i32>} : memref<80x128xf32, #tpu.memory_space<vmem>>, vector<1x16xf32>,
        %get3A_1091 = arith.index_cast %scan3A_995 : i32 to index
        %get3A_1092 = arith.constant 112 : index
        %get3A_1093 = tpu.vector_load %arg14[%get3A_1091, %get3A_1092] {strides = array<i32>} : memref<80x128xf32, #tpu.memory_space<vmem>>, vector<1x16xf32>,
        %get3A_1094 = vector.shape_cast %get3A_1093 : vector<1x16xf32> to vector<16xf32>
        %slice3A_1095 = vector.extract_strided_slice %get3A_999 {offsets = [7], sizes = [1], strides = [1]} : vector<16xf32> to vector<1xf32>
        %squeeze3A_1096 = vector.extract %slice3A_1095[0] : f32 from vector<1xf32>
        %mul3A_1097 = vector.broadcast %squeeze3A_1096 : f32 to vector<16xf32>
        %mul3A_1098 = arith.mulf %get3A_1094, %mul3A_1097 : vector<16xf32>
        %swap3A_1099 = arith.index_cast %scan3A_995 : i32 to index
        %swap3A_1100 = arith.constant 112 : index
        %swap3A_1101 = tpu.vector_load %arg14[%swap3A_1099, %swap3A_1100] {strides = array<i32>} : memref<80x128xf32, #tpu.memory_space<vmem>>, vector<1x16xf32>,
        %swap3A_1102 = vector.shape_cast %swap3A_1101 : vector<1x16xf32> to vector<16xf32>
        %swap3A_1103 = vector.shape_cast %mul3A_1098 : vector<16xf32> to vector<1x16xf32>
        tpu.vector_store %arg14[%swap3A_1099, %swap3A_1100], %swap3A_1103 {strides = array<i32>} : memref<80x128xf32, #tpu.memory_space<vmem>>, vector<1x16xf32>,
      }
      %scan3A_874 = arith.constant 80 : i32
      %dma_start3A_875 = arith.constant 0 : i32
      %dma_start3A_876 = arith.constant 0 : i32
      %dma_start3A_877 = tpu.memref_slice %arg9[%dma_start3A_875, %dma_start3A_876] : memref<10000x128xf32, #tpu.memory_space<vmem_shared>> -> memref<10000x128xf32, #tpu.memory_space<vmem_shared>>
      tpu.enqueue_indirect_dma source(%arg14 : memref<80x128xf32, #tpu.memory_space<vmem>>) target(%dma_start3A_877 : memref<10000x128xf32, #tpu.memory_space<vmem_shared>>) offsets(%arg13 : memref<80xi32, #tpu.memory_space<vmem>>) semaphore(%arg29 : memref<!tpu.dma_semaphore, #tpu.memory_space<semaphore_mem>>) {add = true}
      %dma_start3A_878 = arith.constant 0 : i32
      %dma_start3A_879 = arith.constant 0 : i32
      %dma_start3A_880 = tpu.memref_slice %arg10[%dma_start3A_878, %dma_start3A_879] : memref<10000x16xf32, #tpu.memory_space<vmem_shared>> -> memref<10000x16xf32, #tpu.memory_space<vmem_shared>>
      tpu.enqueue_indirect_dma source(%arg16 : memref<80x16xf32, #tpu.memory_space<vmem>>) target(%dma_start3A_880 : memref<10000x16xf32, #tpu.memory_space<vmem_shared>>) offsets(%arg13 : memref<80xi32, #tpu.memory_space<vmem>>) semaphore(%arg30 : memref<!tpu.dma_semaphore, #tpu.memory_space<semaphore_mem>>) {add = true}
      %dma_wait3A_881 = arith.constant 0 : i32
      %dma_wait3A_882 = arith.constant 0 : i32
      %dma_wait3A_883 = tpu.memref_slice %arg9[%dma_wait3A_881, %dma_wait3A_882] : memref<10000x128xf32, #tpu.memory_space<vmem_shared>> -> memref<10000x128xf32, #tpu.memory_space<vmem_shared>>
      tpu.wait_indirect_dma semaphore(%arg29 : memref<!tpu.dma_semaphore, #tpu.memory_space<semaphore_mem>>) src(%arg14 : memref<80x128xf32, #tpu.memory_space<vmem>>) dst(%dma_wait3A_883 : memref<10000x128xf32, #tpu.memory_space<vmem_shared>>)
      %dma_wait3A_884 = arith.constant 0 : i32
      %dma_wait3A_885 = arith.constant 0 : i32
      %dma_wait3A_886 = tpu.memref_slice %arg10[%dma_wait3A_884, %dma_wait3A_885] : memref<10000x16xf32, #tpu.memory_space<vmem_shared>> -> memref<10000x16xf32, #tpu.memory_space<vmem_shared>>
      tpu.wait_indirect_dma semaphore(%arg30 : memref<!tpu.dma_semaphore, #tpu.memory_space<semaphore_mem>>) src(%arg16 : memref<80x16xf32, #tpu.memory_space<vmem>>) dst(%dma_wait3A_886 : memref<10000x16xf32, #tpu.memory_space<vmem_shared>>)
    }
    %scan3A_672 = arith.constant 125 : i32
    %barrier3A_673 = arith.constant 0 : index
    tpu.barrier barrier_id(%barrier3A_673)
    %add3A_674 = arith.constant 0 : i32
    %add3A_675 = arith.addi %mul3A_8, %add3A_674 : i32
    %dma_start3A_676 = arith.constant 0 : i32
    %dma_start3A_677 = tpu.memref_slice %arg7[%arg0, %add3A_675, %dma_start3A_676] : memref<2x10000x128xf32, #tpu.memory_space<hbm>> -> memref<1x125x128xf32, #tpu.memory_space<hbm>>
    %dma_start3A_678 = tpu.memref_squeeze %dma_start3A_677 : memref<1x125x128xf32, #tpu.memory_space<hbm>> -> memref<125x128xf32, #tpu.memory_space<hbm>>
    %dma_start3A_679 = arith.constant 0 : i32
    %dma_start3A_680 = tpu.memref_slice %arg9[%add3A_675, %dma_start3A_679] : memref<10000x128xf32, #tpu.memory_space<vmem_shared>> -> memref<125x128xf32, #tpu.memory_space<vmem_shared>>
    tpu.enqueue_dma source(%dma_start3A_680 : memref<125x128xf32, #tpu.memory_space<vmem_shared>>) target(%dma_start3A_678 : memref<125x128xf32, #tpu.memory_space<hbm>>) target_semaphore(%arg37 : memref<!tpu.dma_semaphore, #tpu.memory_space<semaphore_mem>>)
    %dma_start3A_681 = arith.constant 0 : i32
    %dma_start3A_682 = tpu.memref_slice %arg8[%arg0, %add3A_675, %dma_start3A_681] : memref<2x10000x16xf32, #tpu.memory_space<hbm>> -> memref<1x125x16xf32, #tpu.memory_space<hbm>>
    %dma_start3A_683 = tpu.memref_squeeze %dma_start3A_682 : memref<1x125x16xf32, #tpu.memory_space<hbm>> -> memref<125x16xf32, #tpu.memory_space<hbm>>
    %dma_start3A_684 = arith.constant 0 : i32
    %dma_start3A_685 = tpu.memref_slice %arg10[%add3A_675, %dma_start3A_684] : memref<10000x16xf32, #tpu.memory_space<vmem_shared>> -> memref<125x16xf32, #tpu.memory_space<vmem_shared>>
    tpu.enqueue_dma source(%dma_start3A_685 : memref<125x16xf32, #tpu.memory_space<vmem_shared>>) target(%dma_start3A_683 : memref<125x16xf32, #tpu.memory_space<hbm>>) target_semaphore(%arg37 : memref<!tpu.dma_semaphore, #tpu.memory_space<semaphore_mem>>)
    %add3A_686 = arith.constant 125 : i32
    %add3A_687 = arith.addi %mul3A_8, %add3A_686 : i32
    %dma_start3A_688 = arith.constant 0 : i32
    %dma_start3A_689 = tpu.memref_slice %arg7[%arg0, %add3A_687, %dma_start3A_688] : memref<2x10000x128xf32, #tpu.memory_space<hbm>> -> memref<1x125x128xf32, #tpu.memory_space<hbm>>
    %dma_start3A_690 = tpu.memref_squeeze %dma_start3A_689 : memref<1x125x128xf32, #tpu.memory_space<hbm>> -> memref<125x128xf32, #tpu.memory_space<hbm>>
    %dma_start3A_691 = arith.constant 0 : i32
    %dma_start3A_692 = tpu.memref_slice %arg9[%add3A_687, %dma_start3A_691] : memref<10000x128xf32, #tpu.memory_space<vmem_shared>> -> memref<125x128xf32, #tpu.memory_space<vmem_shared>>
    tpu.enqueue_dma source(%dma_start3A_692 : memref<125x128xf32, #tpu.memory_space<vmem_shared>>) target(%dma_start3A_690 : memref<125x128xf32, #tpu.memory_space<hbm>>) target_semaphore(%arg37 : memref<!tpu.dma_semaphore, #tpu.memory_space<semaphore_mem>>)
    %dma_start3A_693 = arith.constant 0 : i32
    %dma_start3A_694 = tpu.memref_slice %arg8[%arg0, %add3A_687, %dma_start3A_693] : memref<2x10000x16xf32, #tpu.memory_space<hbm>> -> memref<1x125x16xf32, #tpu.memory_space<hbm>>
    %dma_start3A_695 = tpu.memref_squeeze %dma_start3A_694 : memref<1x125x16xf32, #tpu.memory_space<hbm>> -> memref<125x16xf32, #tpu.memory_space<hbm>>
    %dma_start3A_696 = arith.constant 0 : i32
    %dma_start3A_697 = tpu.memref_slice %arg10[%add3A_687, %dma_start3A_696] : memref<10000x16xf32, #tpu.memory_space<vmem_shared>> -> memref<125x16xf32, #tpu.memory_space<vmem_shared>>
    tpu.enqueue_dma source(%dma_start3A_697 : memref<125x16xf32, #tpu.memory_space<vmem_shared>>) target(%dma_start3A_695 : memref<125x16xf32, #tpu.memory_space<hbm>>) target_semaphore(%arg37 : memref<!tpu.dma_semaphore, #tpu.memory_space<semaphore_mem>>)
    %add3A_698 = arith.constant 250 : i32
    %add3A_699 = arith.addi %mul3A_8, %add3A_698 : i32
    %dma_start3A_700 = arith.constant 0 : i32
    %dma_start3A_701 = tpu.memref_slice %arg7[%arg0, %add3A_699, %dma_start3A_700] : memref<2x10000x128xf32, #tpu.memory_space<hbm>> -> memref<1x125x128xf32, #tpu.memory_space<hbm>>
    %dma_start3A_702 = tpu.memref_squeeze %dma_start3A_701 : memref<1x125x128xf32, #tpu.memory_space<hbm>> -> memref<125x128xf32, #tpu.memory_space<hbm>>
    %dma_start3A_703 = arith.constant 0 : i32
    %dma_start3A_704 = tpu.memref_slice %arg9[%add3A_699, %dma_start3A_703] : memref<10000x128xf32, #tpu.memory_space<vmem_shared>> -> memref<125x128xf32, #tpu.memory_space<vmem_shared>>
    tpu.enqueue_dma source(%dma_start3A_704 : memref<125x128xf32, #tpu.memory_space<vmem_shared>>) target(%dma_start3A_702 : memref<125x128xf32, #tpu.memory_space<hbm>>) target_semaphore(%arg37 : memref<!tpu.dma_semaphore, #tpu.memory_space<semaphore_mem>>)
    %dma_start3A_705 = arith.constant 0 : i32
    %dma_start3A_706 = tpu.memref_slice %arg8[%arg0, %add3A_699, %dma_start3A_705] : memref<2x10000x16xf32, #tpu.memory_space<hbm>> -> memref<1x125x16xf32, #tpu.memory_space<hbm>>
    %dma_start3A_707 = tpu.memref_squeeze %dma_start3A_706 : memref<1x125x16xf32, #tpu.memory_space<hbm>> -> memref<125x16xf32, #tpu.memory_space<hbm>>
    %dma_start3A_708 = arith.constant 0 : i32
    %dma_start3A_709 = tpu.memref_slice %arg10[%add3A_699, %dma_start3A_708] : memref<10000x16xf32, #tpu.memory_space<vmem_shared>> -> memref<125x16xf32, #tpu.memory_space<vmem_shared>>
    tpu.enqueue_dma source(%dma_start3A_709 : memref<125x16xf32, #tpu.memory_space<vmem_shared>>) target(%dma_start3A_707 : memref<125x16xf32, #tpu.memory_space<hbm>>) target_semaphore(%arg37 : memref<!tpu.dma_semaphore, #tpu.memory_space<semaphore_mem>>)
    %add3A_710 = arith.constant 375 : i32
    %add3A_711 = arith.addi %mul3A_8, %add3A_710 : i32
    %dma_start3A_712 = arith.constant 0 : i32
    %dma_start3A_713 = tpu.memref_slice %arg7[%arg0, %add3A_711, %dma_start3A_712] : memref<2x10000x128xf32, #tpu.memory_space<hbm>> -> memref<1x125x128xf32, #tpu.memory_space<hbm>>
    %dma_start3A_714 = tpu.memref_squeeze %dma_start3A_713 : memref<1x125x128xf32, #tpu.memory_space<hbm>> -> memref<125x128xf32, #tpu.memory_space<hbm>>
    %dma_start3A_715 = arith.constant 0 : i32
    %dma_start3A_716 = tpu.memref_slice %arg9[%add3A_711, %dma_start3A_715] : memref<10000x128xf32, #tpu.memory_space<vmem_shared>> -> memref<125x128xf32, #tpu.memory_space<vmem_shared>>
    tpu.enqueue_dma source(%dma_start3A_716 : memref<125x128xf32, #tpu.memory_space<vmem_shared>>) target(%dma_start3A_714 : memref<125x128xf32, #tpu.memory_space<hbm>>) target_semaphore(%arg37 : memref<!tpu.dma_semaphore, #tpu.memory_space<semaphore_mem>>)
    %dma_start3A_717 = arith.constant 0 : i32
    %dma_start3A_718 = tpu.memref_slice %arg8[%arg0, %add3A_711, %dma_start3A_717] : memref<2x10000x16xf32, #tpu.memory_space<hbm>> -> memref<1x125x16xf32, #tpu.memory_space<hbm>>
    %dma_start3A_719 = tpu.memref_squeeze %dma_start3A_718 : memref<1x125x16xf32, #tpu.memory_space<hbm>> -> memref<125x16xf32, #tpu.memory_space<hbm>>
    %dma_start3A_720 = arith.constant 0 : i32
    %dma_start3A_721 = tpu.memref_slice %arg10[%add3A_711, %dma_start3A_720] : memref<10000x16xf32, #tpu.memory_space<vmem_shared>> -> memref<125x16xf32, #tpu.memory_space<vmem_shared>>
    tpu.enqueue_dma source(%dma_start3A_721 : memref<125x16xf32, #tpu.memory_space<vmem_shared>>) target(%dma_start3A_719 : memref<125x16xf32, #tpu.memory_space<hbm>>) target_semaphore(%arg37 : memref<!tpu.dma_semaphore, #tpu.memory_space<semaphore_mem>>)
    %add3A_722 = arith.constant 500 : i32
    %add3A_723 = arith.addi %mul3A_8, %add3A_722 : i32
    %dma_start3A_724 = arith.constant 0 : i32
    %dma_start3A_725 = tpu.memref_slice %arg7[%arg0, %add3A_723, %dma_start3A_724] : memref<2x10000x128xf32, #tpu.memory_space<hbm>> -> memref<1x125x128xf32, #tpu.memory_space<hbm>>
    %dma_start3A_726 = tpu.memref_squeeze %dma_start3A_725 : memref<1x125x128xf32, #tpu.memory_space<hbm>> -> memref<125x128xf32, #tpu.memory_space<hbm>>
    %dma_start3A_727 = arith.constant 0 : i32
    %dma_start3A_728 = tpu.memref_slice %arg9[%add3A_723, %dma_start3A_727] : memref<10000x128xf32, #tpu.memory_space<vmem_shared>> -> memref<125x128xf32, #tpu.memory_space<vmem_shared>>
    tpu.enqueue_dma source(%dma_start3A_728 : memref<125x128xf32, #tpu.memory_space<vmem_shared>>) target(%dma_start3A_726 : memref<125x128xf32, #tpu.memory_space<hbm>>) target_semaphore(%arg37 : memref<!tpu.dma_semaphore, #tpu.memory_space<semaphore_mem>>)
    %dma_start3A_729 = arith.constant 0 : i32
    %dma_start3A_730 = tpu.memref_slice %arg8[%arg0, %add3A_723, %dma_start3A_729] : memref<2x10000x16xf32, #tpu.memory_space<hbm>> -> memref<1x125x16xf32, #tpu.memory_space<hbm>>
    %dma_start3A_731 = tpu.memref_squeeze %dma_start3A_730 : memref<1x125x16xf32, #tpu.memory_space<hbm>> -> memref<125x16xf32, #tpu.memory_space<hbm>>
    %dma_start3A_732 = arith.constant 0 : i32
    %dma_start3A_733 = tpu.memref_slice %arg10[%add3A_723, %dma_start3A_732] : memref<10000x16xf32, #tpu.memory_space<vmem_shared>> -> memref<125x16xf32, #tpu.memory_space<vmem_shared>>
    tpu.enqueue_dma source(%dma_start3A_733 : memref<125x16xf32, #tpu.memory_space<vmem_shared>>) target(%dma_start3A_731 : memref<125x16xf32, #tpu.memory_space<hbm>>) target_semaphore(%arg37 : memref<!tpu.dma_semaphore, #tpu.memory_space<semaphore_mem>>)
    %add3A_734 = arith.constant 0 : i32
    %add3A_735 = arith.addi %mul3A_8, %add3A_734 : i32
    %dma_wait3A_736 = arith.constant 0 : i32
    %dma_wait3A_737 = tpu.memref_slice %arg7[%arg0, %add3A_735, %dma_wait3A_736] : memref<2x10000x128xf32, #tpu.memory_space<hbm>> -> memref<1x125x128xf32, #tpu.memory_space<hbm>>
    %dma_wait3A_738 = tpu.memref_squeeze %dma_wait3A_737 : memref<1x125x128xf32, #tpu.memory_space<hbm>> -> memref<125x128xf32, #tpu.memory_space<hbm>>
    %dma_wait3A_739 = arith.constant 0 : i32
    %dma_wait3A_740 = tpu.memref_slice %arg9[%add3A_735, %dma_wait3A_739] : memref<10000x128xf32, #tpu.memory_space<vmem_shared>> -> memref<125x128xf32, #tpu.memory_space<vmem_shared>>
    tpu.wait_dma2 semaphore(%arg37 : memref<!tpu.dma_semaphore, #tpu.memory_space<semaphore_mem>>) src(%dma_wait3A_740 : memref<125x128xf32, #tpu.memory_space<vmem_shared>>) dst(%dma_wait3A_738 : memref<125x128xf32, #tpu.memory_space<hbm>>)
    %dma_wait3A_741 = arith.constant 0 : i32
    %dma_wait3A_742 = tpu.memref_slice %arg8[%arg0, %add3A_735, %dma_wait3A_741] : memref<2x10000x16xf32, #tpu.memory_space<hbm>> -> memref<1x125x16xf32, #tpu.memory_space<hbm>>
    %dma_wait3A_743 = tpu.memref_squeeze %dma_wait3A_742 : memref<1x125x16xf32, #tpu.memory_space<hbm>> -> memref<125x16xf32, #tpu.memory_space<hbm>>
    %dma_wait3A_744 = arith.constant 0 : i32
    %dma_wait3A_745 = tpu.memref_slice %arg10[%add3A_735, %dma_wait3A_744] : memref<10000x16xf32, #tpu.memory_space<vmem_shared>> -> memref<125x16xf32, #tpu.memory_space<vmem_shared>>
    tpu.wait_dma2 semaphore(%arg37 : memref<!tpu.dma_semaphore, #tpu.memory_space<semaphore_mem>>) src(%dma_wait3A_745 : memref<125x16xf32, #tpu.memory_space<vmem_shared>>) dst(%dma_wait3A_743 : memref<125x16xf32, #tpu.memory_space<hbm>>)
    %add3A_746 = arith.constant 125 : i32
    %add3A_747 = arith.addi %mul3A_8, %add3A_746 : i32
    %dma_wait3A_748 = arith.constant 0 : i32
    %dma_wait3A_749 = tpu.memref_slice %arg7[%arg0, %add3A_747, %dma_wait3A_748] : memref<2x10000x128xf32, #tpu.memory_space<hbm>> -> memref<1x125x128xf32, #tpu.memory_space<hbm>>
    %dma_wait3A_750 = tpu.memref_squeeze %dma_wait3A_749 : memref<1x125x128xf32, #tpu.memory_space<hbm>> -> memref<125x128xf32, #tpu.memory_space<hbm>>
    %dma_wait3A_751 = arith.constant 0 : i32
    %dma_wait3A_752 = tpu.memref_slice %arg9[%add3A_747, %dma_wait3A_751] : memref<10000x128xf32, #tpu.memory_space<vmem_shared>> -> memref<125x128xf32, #tpu.memory_space<vmem_shared>>
    tpu.wait_dma2 semaphore(%arg37 : memref<!tpu.dma_semaphore, #tpu.memory_space<semaphore_mem>>) src(%dma_wait3A_752 : memref<125x128xf32, #tpu.memory_space<vmem_shared>>) dst(%dma_wait3A_750 : memref<125x128xf32, #tpu.memory_space<hbm>>)
    %dma_wait3A_753 = arith.constant 0 : i32
    %dma_wait3A_754 = tpu.memref_slice %arg8[%arg0, %add3A_747, %dma_wait3A_753] : memref<2x10000x16xf32, #tpu.memory_space<hbm>> -> memref<1x125x16xf32, #tpu.memory_space<hbm>>
    %dma_wait3A_755 = tpu.memref_squeeze %dma_wait3A_754 : memref<1x125x16xf32, #tpu.memory_space<hbm>> -> memref<125x16xf32, #tpu.memory_space<hbm>>
    %dma_wait3A_756 = arith.constant 0 : i32
    %dma_wait3A_757 = tpu.memref_slice %arg10[%add3A_747, %dma_wait3A_756] : memref<10000x16xf32, #tpu.memory_space<vmem_shared>> -> memref<125x16xf32, #tpu.memory_space<vmem_shared>>
    tpu.wait_dma2 semaphore(%arg37 : memref<!tpu.dma_semaphore, #tpu.memory_space<semaphore_mem>>) src(%dma_wait3A_757 : memref<125x16xf32, #tpu.memory_space<vmem_shared>>) dst(%dma_wait3A_755 : memref<125x16xf32, #tpu.memory_space<hbm>>)
    %add3A_758 = arith.constant 250 : i32
    %add3A_759 = arith.addi %mul3A_8, %add3A_758 : i32
    %dma_wait3A_760 = arith.constant 0 : i32
    %dma_wait3A_761 = tpu.memref_slice %arg7[%arg0, %add3A_759, %dma_wait3A_760] : memref<2x10000x128xf32, #tpu.memory_space<hbm>> -> memref<1x125x128xf32, #tpu.memory_space<hbm>>
    %dma_wait3A_762 = tpu.memref_squeeze %dma_wait3A_761 : memref<1x125x128xf32, #tpu.memory_space<hbm>> -> memref<125x128xf32, #tpu.memory_space<hbm>>
    %dma_wait3A_763 = arith.constant 0 : i32
    %dma_wait3A_764 = tpu.memref_slice %arg9[%add3A_759, %dma_wait3A_763] : memref<10000x128xf32, #tpu.memory_space<vmem_shared>> -> memref<125x128xf32, #tpu.memory_space<vmem_shared>>
    tpu.wait_dma2 semaphore(%arg37 : memref<!tpu.dma_semaphore, #tpu.memory_space<semaphore_mem>>) src(%dma_wait3A_764 : memref<125x128xf32, #tpu.memory_space<vmem_shared>>) dst(%dma_wait3A_762 : memref<125x128xf32, #tpu.memory_space<hbm>>)
    %dma_wait3A_765 = arith.constant 0 : i32
    %dma_wait3A_766 = tpu.memref_slice %arg8[%arg0, %add3A_759, %dma_wait3A_765] : memref<2x10000x16xf32, #tpu.memory_space<hbm>> -> memref<1x125x16xf32, #tpu.memory_space<hbm>>
    %dma_wait3A_767 = tpu.memref_squeeze %dma_wait3A_766 : memref<1x125x16xf32, #tpu.memory_space<hbm>> -> memref<125x16xf32, #tpu.memory_space<hbm>>
    %dma_wait3A_768 = arith.constant 0 : i32
    %dma_wait3A_769 = tpu.memref_slice %arg10[%add3A_759, %dma_wait3A_768] : memref<10000x16xf32, #tpu.memory_space<vmem_shared>> -> memref<125x16xf32, #tpu.memory_space<vmem_shared>>
    tpu.wait_dma2 semaphore(%arg37 : memref<!tpu.dma_semaphore, #tpu.memory_space<semaphore_mem>>) src(%dma_wait3A_769 : memref<125x16xf32, #tpu.memory_space<vmem_shared>>) dst(%dma_wait3A_767 : memref<125x16xf32, #tpu.memory_space<hbm>>)
    %add3A_770 = arith.constant 375 : i32
    %add3A_771 = arith.addi %mul3A_8, %add3A_770 : i32
    %dma_wait3A_772 = arith.constant 0 : i32
    %dma_wait3A_773 = tpu.memref_slice %arg7[%arg0, %add3A_771, %dma_wait3A_772] : memref<2x10000x128xf32, #tpu.memory_space<hbm>> -> memref<1x125x128xf32, #tpu.memory_space<hbm>>
    %dma_wait3A_774 = tpu.memref_squeeze %dma_wait3A_773 : memref<1x125x128xf32, #tpu.memory_space<hbm>> -> memref<125x128xf32, #tpu.memory_space<hbm>>
    %dma_wait3A_775 = arith.constant 0 : i32
    %dma_wait3A_776 = tpu.memref_slice %arg9[%add3A_771, %dma_wait3A_775] : memref<10000x128xf32, #tpu.memory_space<vmem_shared>> -> memref<125x128xf32, #tpu.memory_space<vmem_shared>>
    tpu.wait_dma2 semaphore(%arg37 : memref<!tpu.dma_semaphore, #tpu.memory_space<semaphore_mem>>) src(%dma_wait3A_776 : memref<125x128xf32, #tpu.memory_space<vmem_shared>>) dst(%dma_wait3A_774 : memref<125x128xf32, #tpu.memory_space<hbm>>)
    %dma_wait3A_777 = arith.constant 0 : i32
    %dma_wait3A_778 = tpu.memref_slice %arg8[%arg0, %add3A_771, %dma_wait3A_777] : memref<2x10000x16xf32, #tpu.memory_space<hbm>> -> memref<1x125x16xf32, #tpu.memory_space<hbm>>
    %dma_wait3A_779 = tpu.memref_squeeze %dma_wait3A_778 : memref<1x125x16xf32, #tpu.memory_space<hbm>> -> memref<125x16xf32, #tpu.memory_space<hbm>>
    %dma_wait3A_780 = arith.constant 0 : i32
    %dma_wait3A_781 = tpu.memref_slice %arg10[%add3A_771, %dma_wait3A_780] : memref<10000x16xf32, #tpu.memory_space<vmem_shared>> -> memref<125x16xf32, #tpu.memory_space<vmem_shared>>
    tpu.wait_dma2 semaphore(%arg37 : memref<!tpu.dma_semaphore, #tpu.memory_space<semaphore_mem>>) src(%dma_wait3A_781 : memref<125x16xf32, #tpu.memory_space<vmem_shared>>) dst(%dma_wait3A_779 : memref<125x16xf32, #tpu.memory_space<hbm>>)
    %add3A_782 = arith.constant 500 : i32
    %add3A_783 = arith.addi %mul3A_8, %add3A_782 : i32
    %dma_wait3A_784 = arith.constant 0 : i32
    %dma_wait3A_785 = tpu.memref_slice %arg7[%arg0, %add3A_783, %dma_wait3A_784] : memref<2x10000x128xf32, #tpu.memory_space<hbm>> -> memref<1x125x128xf32, #tpu.memory_space<hbm>>
    %dma_wait3A_786 = tpu.memref_squeeze %dma_wait3A_785 : memref<1x125x128xf32, #tpu.memory_space<hbm>> -> memref<125x128xf32, #tpu.memory_space<hbm>>
    %dma_wait3A_787 = arith.constant 0 : i32
    %dma_wait3A_788 = tpu.memref_slice %arg9[%add3A_783, %dma_wait3A_787] : memref<10000x128xf32, #tpu.memory_space<vmem_shared>> -> memref<125x128xf32, #tpu.memory_space<vmem_shared>>
    tpu.wait_dma2 semaphore(%arg37 : memref<!tpu.dma_semaphore, #tpu.memory_space<semaphore_mem>>) src(%dma_wait3A_788 : memref<125x128xf32, #tpu.memory_space<vmem_shared>>) dst(%dma_wait3A_786 : memref<125x128xf32, #tpu.memory_space<hbm>>)
    %dma_wait3A_789 = arith.constant 0 : i32
    %dma_wait3A_790 = tpu.memref_slice %arg8[%arg0, %add3A_783, %dma_wait3A_789] : memref<2x10000x16xf32, #tpu.memory_space<hbm>> -> memref<1x125x16xf32, #tpu.memory_space<hbm>>
    %dma_wait3A_791 = tpu.memref_squeeze %dma_wait3A_790 : memref<1x125x16xf32, #tpu.memory_space<hbm>> -> memref<125x16xf32, #tpu.memory_space<hbm>>
    %dma_wait3A_792 = arith.constant 0 : i32
    %dma_wait3A_793 = tpu.memref_slice %arg10[%add3A_783, %dma_wait3A_792] : memref<10000x16xf32, #tpu.memory_space<vmem_shared>> -> memref<125x16xf32, #tpu.memory_space<vmem_shared>>
    tpu.wait_dma2 semaphore(%arg37 : memref<!tpu.dma_semaphore, #tpu.memory_space<semaphore_mem>>) src(%dma_wait3A_793 : memref<125x16xf32, #tpu.memory_space<vmem_shared>>) dst(%dma_wait3A_791 : memref<125x16xf32, #tpu.memory_space<hbm>>)
    return
  }
}

module attributes {stable_mosaic.version = 14 : i64} {
  func.func @_feat_body(%arg0: i32, %arg1: memref<400x128xf32, #tpu.memory_space<vmem>>, %arg2: memref<128x128xf32, #tpu.memory_space<vmem>>, %arg3: memref<1x128xf32, #tpu.memory_space<vmem>>, %arg4: memref<1x128xf32, #tpu.memory_space<vmem>>, %arg5: memref<400x128xf32, #tpu.memory_space<vmem>>, %arg6: memref<400x16xf32, #tpu.memory_space<vmem>>, %arg7: memref<400x16xf32, #tpu.memory_space<vmem>>) attributes {dimension_semantics = [#tpu.dimension_semantics<arbitrary>], iteration_bounds = array<i64: 25>, scalar_prefetch = 0 : i64, scratch_operands = 0 : i64, tpu.core_type = #tpu.core_type<tc>, window_params = [{transform_indices = @transform_0, window_bounds = array<i64: 400, 128>}, {pipeline_mode = #tpu.pipeline_mode<synchronous>, transform_indices = @transform_1, window_bounds = array<i64: 128, 128>}, {pipeline_mode = #tpu.pipeline_mode<synchronous>, transform_indices = @transform_2, window_bounds = array<i64: 1, 128>}, {pipeline_mode = #tpu.pipeline_mode<synchronous>, transform_indices = @transform_3, window_bounds = array<i64: 1, 128>}, {transform_indices = @transform_4, window_bounds = array<i64: 400, 128>}, {transform_indices = @transform_5, window_bounds = array<i64: 400, 16>}, {transform_indices = @transform_6, window_bounds = array<i64: 400, 16>}]} {
    %get3A = arith.constant 0 : index
    %get3A_0 = arith.constant 0 : index
    %get3A_1 = vector.load %arg1[%get3A, %get3A_0] : memref<400x128xf32, #tpu.memory_space<vmem>>, vector<400x128xf32>
    %get3A_2 = arith.constant 0 : index
    %get3A_3 = arith.constant 0 : index
    %get3A_4 = vector.load %arg2[%get3A_2, %get3A_3] : memref<128x128xf32, #tpu.memory_space<vmem>>, vector<128x128xf32>
    %dot_general3A = arith.constant dense<0.000000e+00> : vector<400x128xf32>
    %dot_general3A_5 = tpu.matmul %get3A_1, %get3A_4, %dot_general3A {dimension_numbers = #tpu.dot_dimension_numbers<[1], [0], [0], [1], [0, 0, 1, 1], [], []>, transpose_lhs_hint = false} : vector<400x128xf32>, vector<128x128xf32>, vector<400x128xf32> -> vector<400x128xf32>
    %iota3A = tpu.iota {dimensions = array<i32: 0>} : vector<128x16xi32>
    %jit3A = arith.constant 16 : i32
    %div3A = vector.broadcast %jit3A : i32 to vector<128x16xi32>
    %div3A_6 = arith.divsi %iota3A, %div3A : vector<128x16xi32>
    %sign3A = arith.constant 0 : i32
    %sign3A_7 = vector.broadcast %sign3A : i32 to vector<128x16xi32>
    %sign3A_8 = arith.cmpi sgt, %iota3A, %sign3A_7 : vector<128x16xi32>
    %sign3A_9 = arith.extui %sign3A_8 : vector<128x16xi1> to vector<128x16xi32>
    %sign3A_10 = arith.constant 0 : i32
    %sign3A_11 = vector.broadcast %sign3A_10 : i32 to vector<128x16xi32>
    %sign3A_12 = arith.cmpi slt, %iota3A, %sign3A_11 : vector<128x16xi32>
    %sign3A_13 = arith.extui %sign3A_12 : vector<128x16xi1> to vector<128x16xi32>
    %sign3A_14 = arith.subi %sign3A_9, %sign3A_13 : vector<128x16xi32>
    %sign3A_15 = arith.constant 0 : i32
    %sign3A_16 = arith.cmpi sgt, %jit3A, %sign3A_15 : i32
    %sign3A_17 = arith.extui %sign3A_16 : i1 to i32
    %sign3A_18 = arith.constant 0 : i32
    %sign3A_19 = arith.cmpi slt, %jit3A, %sign3A_18 : i32
    %sign3A_20 = arith.extui %sign3A_19 : i1 to i32
    %sign3A_21 = arith.subi %sign3A_17, %sign3A_20 : i32
    %ne3A = vector.broadcast %sign3A_21 : i32 to vector<128x16xi32>
    %ne3A_22 = arith.cmpi ne, %sign3A_14, %ne3A : vector<128x16xi32>
    %rem3A = vector.broadcast %jit3A : i32 to vector<128x16xi32>
    %rem3A_23 = arith.remsi %iota3A, %rem3A : vector<128x16xi32>
    %ne3A_24 = arith.constant 0 : i32
    %ne3A_25 = vector.broadcast %ne3A_24 : i32 to vector<128x16xi32>
    %ne3A_26 = arith.cmpi ne, %rem3A_23, %ne3A_25 : vector<128x16xi32>
    %and3A = arith.andi %ne3A_22, %ne3A_26 : vector<128x16xi1>
    %sub3A = arith.constant 1 : i32
    %sub3A_27 = vector.broadcast %sub3A : i32 to vector<128x16xi32>
    %sub3A_28 = arith.subi %div3A_6, %sub3A_27 : vector<128x16xi32>
    %select_n3A = arith.select %and3A, %sub3A_28, %div3A_6 : vector<128x16xi1>, vector<128x16xi32>
    %iota3A_29 = tpu.iota {dimensions = array<i32: 1>} : vector<128x16xi32>
    %eq3A = arith.cmpi eq, %select_n3A, %iota3A_29 : vector<128x16xi32>
    %convert_element_type3A = arith.extui %eq3A : vector<128x16xi1> to vector<128x16xi32>
    %convert_element_type3A_30 = arith.sitofp %convert_element_type3A : vector<128x16xi32> to vector<128x16xf32>
    %get3A_31 = arith.constant 0 : index
    %get3A_32 = arith.constant 0 : index
    %get3A_33 = vector.load %arg3[%get3A_31, %get3A_32] : memref<1x128xf32, #tpu.memory_space<vmem>>, vector<1x128xf32>
    %mul3A = vector.broadcast %get3A_33 : vector<1x128xf32> to vector<400x128xf32>
    %mul3A_34 = arith.mulf %dot_general3A_5, %mul3A : vector<400x128xf32>
    %dot_general3A_35 = arith.constant dense<0.000000e+00> : vector<400x16xf32>
    %dot_general3A_36 = tpu.matmul %mul3A_34, %convert_element_type3A_30, %dot_general3A_35 {dimension_numbers = #tpu.dot_dimension_numbers<[1], [0], [0], [1], [0, 0, 1, 1], [], []>, transpose_lhs_hint = false} : vector<400x128xf32>, vector<128x16xf32>, vector<400x16xf32> -> vector<400x16xf32>
    %swap3A = arith.constant 0 : index
    %swap3A_37 = arith.constant 0 : index
    %swap3A_38 = vector.load %arg6[%swap3A, %swap3A_37] : memref<400x16xf32, #tpu.memory_space<vmem>>, vector<400x16xf32>
    tpu.vector_store %arg6[%swap3A, %swap3A_37], %dot_general3A_36 {strides = array<i32>} : memref<400x16xf32, #tpu.memory_space<vmem>>, vector<400x16xf32>,
    %get3A_39 = arith.constant 0 : index
    %get3A_40 = arith.constant 0 : index
    %get3A_41 = vector.load %arg4[%get3A_39, %get3A_40] : memref<1x128xf32, #tpu.memory_space<vmem>>, vector<1x128xf32>
    %mul3A_42 = vector.broadcast %get3A_41 : vector<1x128xf32> to vector<400x128xf32>
    %mul3A_43 = arith.mulf %dot_general3A_5, %mul3A_42 : vector<400x128xf32>
    %dot_general3A_44 = arith.constant dense<0.000000e+00> : vector<400x16xf32>
    %dot_general3A_45 = tpu.matmul %mul3A_43, %convert_element_type3A_30, %dot_general3A_44 {dimension_numbers = #tpu.dot_dimension_numbers<[1], [0], [0], [1], [0, 0, 1, 1], [], []>, transpose_lhs_hint = false} : vector<400x128xf32>, vector<128x16xf32>, vector<400x16xf32> -> vector<400x16xf32>
    %swap3A_46 = arith.constant 0 : index
    %swap3A_47 = arith.constant 0 : index
    %swap3A_48 = vector.load %arg7[%swap3A_46, %swap3A_47] : memref<400x16xf32, #tpu.memory_space<vmem>>, vector<400x16xf32>
    tpu.vector_store %arg7[%swap3A_46, %swap3A_47], %dot_general3A_45 {strides = array<i32>} : memref<400x16xf32, #tpu.memory_space<vmem>>, vector<400x16xf32>,
    %swap3A_49 = arith.constant 0 : index
    %swap3A_50 = arith.constant 0 : index
    %swap3A_51 = vector.load %arg5[%swap3A_49, %swap3A_50] : memref<400x128xf32, #tpu.memory_space<vmem>>, vector<400x128xf32>
    tpu.vector_store %arg5[%swap3A_49, %swap3A_50], %dot_general3A_5 {strides = array<i32>} : memref<400x128xf32, #tpu.memory_space<vmem>>, vector<400x128xf32>,
    return
  }
  func.func @transform_0(%arg0: i32) -> (i32, i32) {
    %c0_i32 = arith.constant 0 : i32
    %c0_i32_0 = arith.constant 0 : i32
    return %arg0, %c0_i32 : i32, i32
  }
  func.func @transform_1(%arg0: i32) -> (i32, i32) {
    %c0_i32 = arith.constant 0 : i32
    %c0_i32_0 = arith.constant 0 : i32
    %c0_i32_1 = arith.constant 0 : i32
    return %c0_i32, %c0_i32_0 : i32, i32
  }
  func.func @transform_2(%arg0: i32) -> (i32, i32) {
    %c0_i32 = arith.constant 0 : i32
    %c0_i32_0 = arith.constant 0 : i32
    %c0_i32_1 = arith.constant 0 : i32
    return %c0_i32, %c0_i32_0 : i32, i32
  }
  func.func @transform_3(%arg0: i32) -> (i32, i32) {
    %c0_i32 = arith.constant 0 : i32
    %c0_i32_0 = arith.constant 0 : i32
    %c0_i32_1 = arith.constant 0 : i32
    return %c0_i32, %c0_i32_0 : i32, i32
  }
  func.func @transform_4(%arg0: i32) -> (i32, i32) {
    %c0_i32 = arith.constant 0 : i32
    %c0_i32_0 = arith.constant 0 : i32
    return %arg0, %c0_i32 : i32, i32
  }
  func.func @transform_5(%arg0: i32) -> (i32, i32) {
    %c0_i32 = arith.constant 0 : i32
    %c0_i32_0 = arith.constant 0 : i32
    return %arg0, %c0_i32 : i32, i32
  }
  func.func @transform_6(%arg0: i32) -> (i32, i32) {
    %c0_i32 = arith.constant 0 : i32
    %c0_i32_0 = arith.constant 0 : i32
    return %arg0, %c0_i32 : i32, i32
  }
}

module attributes {stable_mosaic.version = 14 : i64} {
  func.func @_fin_body(%arg0: i32, %arg1: memref<2x400x128xf32, #tpu.memory_space<vmem>>, %arg2: memref<2x400x16xf32, #tpu.memory_space<vmem>>, %arg3: memref<400x128xf32, #tpu.memory_space<vmem>>, %arg4: memref<1x128xf32, #tpu.memory_space<vmem>>, %arg5: memref<400x128xf32, #tpu.memory_space<vmem>>) attributes {dimension_semantics = [#tpu.dimension_semantics<arbitrary>], iteration_bounds = array<i64: 25>, scalar_prefetch = 0 : i64, scratch_operands = 0 : i64, tpu.core_type = #tpu.core_type<tc>, window_params = [{transform_indices = @transform_0, window_bounds = array<i64: 2, 400, 128>}, {transform_indices = @transform_1, window_bounds = array<i64: 2, 400, 16>}, {transform_indices = @transform_2, window_bounds = array<i64: 400, 128>}, {pipeline_mode = #tpu.pipeline_mode<synchronous>, transform_indices = @transform_3, window_bounds = array<i64: 1, 128>}, {transform_indices = @transform_4, window_bounds = array<i64: 400, 128>}]} {
    %get3A = arith.constant 0 : index
    %get3A_0 = arith.constant 0 : index
    %get3A_1 = arith.constant 0 : index
    %get3A_2 = vector.load %arg1[%get3A, %get3A_0, %get3A_1] : memref<2x400x128xf32, #tpu.memory_space<vmem>>, vector<1x400x128xf32>
    %get3A_3 = vector.shape_cast %get3A_2 : vector<1x400x128xf32> to vector<400x128xf32>
    %get3A_4 = arith.constant 1 : index
    %get3A_5 = arith.constant 0 : index
    %get3A_6 = arith.constant 0 : index
    %get3A_7 = vector.load %arg1[%get3A_4, %get3A_5, %get3A_6] : memref<2x400x128xf32, #tpu.memory_space<vmem>>, vector<1x400x128xf32>
    %get3A_8 = vector.shape_cast %get3A_7 : vector<1x400x128xf32> to vector<400x128xf32>
    %add3A = arith.addf %get3A_3, %get3A_8 : vector<400x128xf32>
    %get3A_9 = arith.constant 0 : index
    %get3A_10 = arith.constant 0 : index
    %get3A_11 = arith.constant 0 : index
    %get3A_12 = vector.load %arg2[%get3A_9, %get3A_10, %get3A_11] : memref<2x400x16xf32, #tpu.memory_space<vmem>>, vector<1x400x16xf32>
    %get3A_13 = vector.shape_cast %get3A_12 : vector<1x400x16xf32> to vector<400x16xf32>
    %get3A_14 = arith.constant 1 : index
    %get3A_15 = arith.constant 0 : index
    %get3A_16 = arith.constant 0 : index
    %get3A_17 = vector.load %arg2[%get3A_14, %get3A_15, %get3A_16] : memref<2x400x16xf32, #tpu.memory_space<vmem>>, vector<1x400x16xf32>
    %get3A_18 = vector.shape_cast %get3A_17 : vector<1x400x16xf32> to vector<400x16xf32>
    %add3A_19 = arith.addf %get3A_13, %get3A_18 : vector<400x16xf32>
    %iota3A = tpu.iota {dimensions = array<i32: 0>} : vector<16x128xi32>
    %iota3A_20 = tpu.iota {dimensions = array<i32: 1>} : vector<16x128xi32>
    %jit3A = arith.constant 16 : i32
    %div3A = vector.broadcast %jit3A : i32 to vector<16x128xi32>
    %div3A_21 = arith.divsi %iota3A_20, %div3A : vector<16x128xi32>
    %sign3A = arith.constant 0 : i32
    %sign3A_22 = vector.broadcast %sign3A : i32 to vector<16x128xi32>
    %sign3A_23 = arith.cmpi sgt, %iota3A_20, %sign3A_22 : vector<16x128xi32>
    %sign3A_24 = arith.extui %sign3A_23 : vector<16x128xi1> to vector<16x128xi32>
    %sign3A_25 = arith.constant 0 : i32
    %sign3A_26 = vector.broadcast %sign3A_25 : i32 to vector<16x128xi32>
    %sign3A_27 = arith.cmpi slt, %iota3A_20, %sign3A_26 : vector<16x128xi32>
    %sign3A_28 = arith.extui %sign3A_27 : vector<16x128xi1> to vector<16x128xi32>
    %sign3A_29 = arith.subi %sign3A_24, %sign3A_28 : vector<16x128xi32>
    %sign3A_30 = arith.constant 0 : i32
    %sign3A_31 = arith.cmpi sgt, %jit3A, %sign3A_30 : i32
    %sign3A_32 = arith.extui %sign3A_31 : i1 to i32
    %sign3A_33 = arith.constant 0 : i32
    %sign3A_34 = arith.cmpi slt, %jit3A, %sign3A_33 : i32
    %sign3A_35 = arith.extui %sign3A_34 : i1 to i32
    %sign3A_36 = arith.subi %sign3A_32, %sign3A_35 : i32
    %ne3A = vector.broadcast %sign3A_36 : i32 to vector<16x128xi32>
    %ne3A_37 = arith.cmpi ne, %sign3A_29, %ne3A : vector<16x128xi32>
    %rem3A = vector.broadcast %jit3A : i32 to vector<16x128xi32>
    %rem3A_38 = arith.remsi %iota3A_20, %rem3A : vector<16x128xi32>
    %ne3A_39 = arith.constant 0 : i32
    %ne3A_40 = vector.broadcast %ne3A_39 : i32 to vector<16x128xi32>
    %ne3A_41 = arith.cmpi ne, %rem3A_38, %ne3A_40 : vector<16x128xi32>
    %and3A = arith.andi %ne3A_37, %ne3A_41 : vector<16x128xi1>
    %sub3A = arith.constant 1 : i32
    %sub3A_42 = vector.broadcast %sub3A : i32 to vector<16x128xi32>
    %sub3A_43 = arith.subi %div3A_21, %sub3A_42 : vector<16x128xi32>
    %select_n3A = arith.select %and3A, %sub3A_43, %div3A_21 : vector<16x128xi1>, vector<16x128xi32>
    %eq3A = arith.cmpi eq, %iota3A, %select_n3A : vector<16x128xi32>
    %convert_element_type3A = arith.extui %eq3A : vector<16x128xi1> to vector<16x128xi32>
    %convert_element_type3A_44 = arith.sitofp %convert_element_type3A : vector<16x128xi32> to vector<16x128xf32>
    %dot_general3A = arith.constant dense<0.000000e+00> : vector<400x128xf32>
    %dot_general3A_45 = tpu.matmul %add3A_19, %convert_element_type3A_44, %dot_general3A {dimension_numbers = #tpu.dot_dimension_numbers<[1], [0], [0], [1], [0, 0, 1, 1], [], []>, transpose_lhs_hint = false} : vector<400x16xf32>, vector<16x128xf32>, vector<400x128xf32> -> vector<400x128xf32>
    %gt3A = arith.constant 0.000000e+00 : f32
    %gt3A_46 = vector.broadcast %gt3A : f32 to vector<400x128xf32>
    %gt3A_47 = arith.cmpf ogt, %dot_general3A_45, %gt3A_46 : vector<400x128xf32>
    %gt3A_48 = arith.constant 0.000000e+00 : f32
    %gt3A_49 = vector.broadcast %gt3A_48 : f32 to vector<400x128xf32>
    %gt3A_50 = arith.cmpf ogt, %dot_general3A_45, %gt3A_49 : vector<400x128xf32>
    %jit3A_51 = arith.constant 1.000000e+00 : f32
    %broadcast_in_dim3A = vector.broadcast %jit3A_51 : f32 to vector<400x128xf32>
    %select_n3A_52 = arith.select %gt3A_50, %dot_general3A_45, %broadcast_in_dim3A : vector<400x128xi1>, vector<400x128xf32>
    %div3A_53 = arith.divf %add3A, %select_n3A_52 : vector<400x128xf32>
    %jit3A_54 = arith.constant 0.000000e+00 : f32
    %broadcast_in_dim3A_55 = vector.broadcast %jit3A_54 : f32 to vector<400x128xf32>
    %select_n3A_56 = arith.select %gt3A_47, %div3A_53, %broadcast_in_dim3A_55 : vector<400x128xi1>, vector<400x128xf32>
    %get3A_57 = arith.constant 0 : index
    %get3A_58 = arith.constant 0 : index
    %get3A_59 = vector.load %arg4[%get3A_57, %get3A_58] : memref<1x128xf32, #tpu.memory_space<vmem>>, vector<1x128xf32>
    %add3A_60 = vector.broadcast %get3A_59 : vector<1x128xf32> to vector<400x128xf32>
    %add3A_61 = arith.addf %select_n3A_56, %add3A_60 : vector<400x128xf32>
    %get3A_62 = arith.constant 0 : index
    %get3A_63 = arith.constant 0 : index
    %get3A_64 = vector.load %arg3[%get3A_62, %get3A_63] : memref<400x128xf32, #tpu.memory_space<vmem>>, vector<400x128xf32>
    %gt3A_65 = arith.constant 0.000000e+00 : f32
    %gt3A_66 = vector.broadcast %gt3A_65 : f32 to vector<400x128xf32>
    %gt3A_67 = arith.cmpf ogt, %add3A_61, %gt3A_66 : vector<400x128xf32>
    %exp3A = math.exp %add3A_61 : vector<400x128xf32>
    %sub3A_68 = arith.constant 1.000000e+00 : f32
    %sub3A_69 = vector.broadcast %sub3A_68 : f32 to vector<400x128xf32>
    %sub3A_70 = arith.subf %exp3A, %sub3A_69 : vector<400x128xf32>
    %select_n3A_71 = arith.select %gt3A_67, %add3A_61, %sub3A_70 : vector<400x128xi1>, vector<400x128xf32>
    %add3A_72 = arith.addf %get3A_64, %select_n3A_71 : vector<400x128xf32>
    %swap3A = arith.constant 0 : index
    %swap3A_73 = arith.constant 0 : index
    %swap3A_74 = vector.load %arg5[%swap3A, %swap3A_73] : memref<400x128xf32, #tpu.memory_space<vmem>>, vector<400x128xf32>
    tpu.vector_store %arg5[%swap3A, %swap3A_73], %add3A_72 {strides = array<i32>} : memref<400x128xf32, #tpu.memory_space<vmem>>, vector<400x128xf32>,
    return
  }
  func.func @transform_0(%arg0: i32) -> (i32, i32, i32) {
    %c0_i32 = arith.constant 0 : i32
    %c0_i32_0 = arith.constant 0 : i32
    %c0_i32_1 = arith.constant 0 : i32
    return %c0_i32, %arg0, %c0_i32_0 : i32, i32, i32
  }
  func.func @transform_1(%arg0: i32) -> (i32, i32, i32) {
    %c0_i32 = arith.constant 0 : i32
    %c0_i32_0 = arith.constant 0 : i32
    %c0_i32_1 = arith.constant 0 : i32
    return %c0_i32, %arg0, %c0_i32_0 : i32, i32, i32
  }
  func.func @transform_2(%arg0: i32) -> (i32, i32) {
    %c0_i32 = arith.constant 0 : i32
    %c0_i32_0 = arith.constant 0 : i32
    return %arg0, %c0_i32 : i32, i32
  }
  func.func @transform_3(%arg0: i32) -> (i32, i32) {
    %c0_i32 = arith.constant 0 : i32
    %c0_i32_0 = arith.constant 0 : i32
    %c0_i32_1 = arith.constant 0 : i32
    return %c0_i32, %c0_i32_0 : i32, i32
  }
  func.func @transform_4(%arg0: i32) -> (i32, i32) {
    %c0_i32 = arith.constant 0 : i32
    %c0_i32_0 = arith.constant 0 : i32
    return %arg0, %c0_i32 : i32, i32
  }
}

</mosaic_0001>

<sc_bundles>
// kernel: kernel.5.cloned.1.call-start
scs
__scs_entry_jumppad:
0x0: {  	(pc) =	sbr.rel $0x88, $3  }
0x1: {  	(tag) =	ssettag $0x0;
	lr =	simm.s32 $0x1  }
0x2: {  	[smem:$0x3F9B] =	sst lr;
	_ =	strace $0xD0000000  }
0x3: {  	_ = 	snop  }
0x4: {  	_ = 	snop  }
0x5: {  	_ = 	snop  }
0x6: {  	_ = 	snop  }
0x7: {  	_ = 	snop  }
__scs_overlays_trampoline_lowered:
0x8: {  	[smem:$0x3FAA] =	sst s0  }
0x9: {  	[smem:$0x3FAB] =	sst s1  }
0xa: {  	[smem:$0x3FAC] =	sst s2  }
0xb: {  	[smem:$0x3FAD] =	sst s3  }
0xc: {  	[smem:$0x3FAE] =	sst s4  }
0xd: {  	[smem:$0x3FAF] =	sst s5  }
0xe: {  	[smem:$0x3FB0] =	sst s6  }
0xf: {  	[smem:$0x3FB1] =	sst s7  }
0x10: {  	[smem:$0x3FB2] =	sst s8  }
0x11: {  	[smem:$0x3FB3] =	sst s9;
	s0 =	simm.s32 @!p0 $0x0  }
0x12: {  	s1 =	sld [smem:$0x3F99];
	s0 =	simm.s32 @p0 $0x1  }
0x13: {  	[smem:$0x3FB4] =	sst s0;
	s0 =	simm.s32 @!p1 $0x0  }
0x14: {  	s2 =	sld [smem:$0x3F98];
	s0 =	simm.s32 @p1 $0x1  }
0x15: {  	[smem:$0x3FB5] =	sst s0;
	s0 =	simm.s32 @!p2 $0x0  }
0x16: {  	s3 =	sld [smem:$0x3FDB];
	s0 =	simm.s32 @p2 $0x1  }
0x17: {  	s4 =	simm.s32 $0x1BF5;
	[smem:$0x3FB7] =	sst s0  }
0x18: {  	s0 =	sld [smem:$0x3F9A];
	_ =	swait.ge [sflag:s4], $0x0  }
0x19: {  	s7 =	sld [smem:$0x3F9B]  }
0x1a: {  	s8 =	sadd.s32 $0xFFFFE003, lr  }
0x1b: {  	s9 =	sadd.s32 $0xFFFFFEF7, lr;
	s5 =	simm.s32 $0xFFFFFFFF;
	p2 =	slt.u32 s8, $0xFFFFF086  }
0x1c: {  	p1 =	slt.u32 s9, $0xF7A;
	s5 =	simm.s32 @!p2 $0x0  }
0x1d: {  	s5 =	simm.s32 @p1 $0x1;
	p0 =	seq.s32 s7, s2  }
0x1e: {  	s7 =	smul.u32 @!p0 $0xF7A, s2;
	p2 =	seq.s32 @!p0 s5, $0x0  }
0x1f: {  	s9 =	smul.u32 $0xF7A, s1;
	s8 =	simm.s32 @!p0 $0x1BF5;
	p2 =	por !p2, p0  }
0x20: {  	[sflag:s8] =	ssyncset.s32 @!p0 $0xFFFFF086;
	s6 =	sadd.s32 @!p0 s3, s7;
	s7 =	simm.s32 @!p0 $0x108  }
0x21: {  	s3 =	sadd.s32 s3, s9;
	s6 =	sadd.s32 @!p0 $0x88, s6;
	s7 =	simm.s32 @p2 $0x1082  }
0x22: {  	[simem:s7], [sflag:s8] =	dma.local @!p0 [hbm:s6], $0xF7A  }
0x23: {  	s9 =	sor.u32 $0xD0000000, s2;
	s6 =	simm.s32 $0x108;
	_ =	swait.ge @!p0 [sflag:s8], $0x0  }
0x24: {  	s3 =	sadd.s32 $0x88, s3;
	s6 =	simm.s32 @!p1 $0x1082;
	[sflag:s4] =	ssyncset.s32 $0xFFFFF086  }
0x25: {  	[simem:s6], [sflag:s4] =	dma.local [hbm:s3], $0xF7A  }
0x26: {  	[smem:$0x3F9B] =	sst s1;
	(tag) =	ssettag s2;
	_ =	strace s9  }
0x27: {  	s1 =	sld [smem:$0x3FAB]  }
0x28: {  	s2 =	sld [smem:$0x3FAC]  }
0x29: {  	s4 =	sld [smem:$0x3FAE]  }
0x2a: {  	p0 =	seq.s32 s5, $0x0;
	s5 =	sld [smem:$0x3FAF]  }
0x2b: {  	s6 =	sld [smem:$0x3FB0]  }
0x2c: {  	s7 =	sld [smem:$0x3FB1]  }
0x2d: {  	s3 =	simm.s32 $0x108;
	s8 =	sld [smem:$0x3FB2]  }
0x2e: {  	s3 =	simm.s32 @!p0 $0x1082;
	s9 =	sld [smem:$0x3FB3]  }
0x2f: {  	lr =	sadd.s32 s0, s3;
	s0 =	sld [smem:$0x3FAA]  }
0x30: {  	s3 =	sld [smem:$0x3FAD]  }
0x31: {  	[smem:$0x3FB6] =	sst s10  }
0x32: {  	s10 =	sld [smem:$0x3FB4];
	_ =	sdelay $0x3  }
0x33: {  	p0 =	seq.s32 s10, $0x1;
	s10 =	sld [smem:$0x3FB6];
	_ =	sdelay $0x3  }
0x34: {  	[smem:$0x3FB6] =	sst s10  }
0x35: {  	s10 =	sld [smem:$0x3FB5];
	_ =	sdelay $0x3  }
0x36: {  	p1 =	seq.s32 s10, $0x1;
	s10 =	sld [smem:$0x3FB6];
	_ =	sdelay $0x3  }
0x37: {  	[smem:$0x3FB6] =	sst s10  }
0x38: {  	s10 =	sld [smem:$0x3FB7]  }
0x39: {  	_ = 	snop;
	(pc) =	sbr.ind lr, $3  }
0x3a: {  	_ = 	snop  }
0x3b: {  	_ = 	snop  }
0x3c: {  	p2 =	seq.s32 s10, $0x1;
	s10 =	sld [smem:$0x3FB6]  }
0x3d: {  	_ =	shalt  }
0x3e: {  	_ =	shalt  }
0x3f: {  	_ =	shalt  }
0x40: {  	_ =	shalt  }
0x41: {  	_ =	shalt  }
0x42: {  	_ =	shalt  }
0x43: {  	_ =	shalt  }
0x44: {  	_ =	shalt  }
0x45: {  	_ =	shalt  }
0x46: {  	_ =	shalt  }
0x47: {  	_ =	shalt  }
0x48: {  	_ =	shalt  }
0x49: {  	_ =	shalt  }
0x4a: {  	_ =	shalt  }
0x4b: {  	_ =	shalt  }
0x4c: {  	_ =	shalt  }
0x4d: {  	_ =	shalt  }
0x4e: {  	_ =	shalt  }
0x4f: {  	_ =	shalt  }
0x50: {  	_ =	shalt  }
0x51: {  	_ =	shalt  }
0x52: {  	_ =	shalt  }
0x53: {  	_ =	shalt  }
0x54: {  	_ =	shalt  }
0x55: {  	_ =	shalt  }
0x56: {  	_ =	shalt  }
0x57: {  	_ =	shalt  }
0x58: {  	_ =	shalt  }
0x59: {  	_ =	shalt  }
0x5a: {  	_ =	shalt  }
0x5b: {  	_ =	shalt  }
0x5c: {  	_ =	shalt  }
0x5d: {  	_ =	shalt  }
0x5e: {  	_ =	shalt  }
0x5f: {  	_ =	shalt  }
0x60: {  	_ =	shalt  }
0x61: {  	_ =	shalt  }
0x62: {  	_ =	shalt  }
0x63: {  	_ =	shalt  }
0x64: {  	_ =	shalt  }
0x65: {  	_ =	shalt  }
0x66: {  	_ =	shalt  }
0x67: {  	_ =	shalt  }
0x68: {  	_ =	shalt  }
0x69: {  	_ =	shalt  }
0x6a: {  	_ =	shalt  }
0x6b: {  	_ =	shalt  }
0x6c: {  	_ =	shalt  }
0x6d: {  	_ =	shalt  }
0x6e: {  	_ =	shalt  }
0x6f: {  	_ =	shalt  }
0x70: {  	_ =	shalt  }
0x71: {  	_ =	shalt  }
0x72: {  	_ =	shalt  }
0x73: {  	_ =	shalt  }
0x74: {  	_ =	shalt  }
0x75: {  	_ =	shalt  }
0x76: {  	_ =	shalt  }
0x77: {  	_ =	shalt  }
0x78: {  	_ =	shalt  }
0x79: {  	_ =	shalt  }
0x7a: {  	_ =	shalt  }
0x7b: {  	_ =	shalt  }
0x7c: {  	_ =	shalt  }
0x7d: {  	_ =	shalt  }
0x7e: {  	_ =	shalt  }
0x7f: {  	_ =	shalt  }
0x80: {  	_ =	shalt  }
0x81: {  	_ =	shalt  }
0x82: {  	_ =	shalt  }
0x83: {  	_ =	shalt  }
0x84: {  	_ =	shalt  }
0x85: {  	_ =	shalt  }
0x86: {  	_ =	shalt  }
0x87: {  	_ =	shalt  }
.Lfunc_end0:
.L_simem_size_0:
called_computation_lowered:
.L_overlay_start_0:
0x88: {  	s2 =	sld [smem:$0x3FD9]  }
0x89: {  	s3 =	sld [smem:$0x3FFE];
	_ =	sdelay $0x1  }
0x8a: {  	s1 =	srdreg.scid  }
0x8b: {  	s0 =	sand.u32 $0x1, s1  }
0x8c: {  	s17 =	sshll.u32 s0, $0xA;
	s2 =	sadd.s32 s3, s2  }
0x8d: {  	s2 =	sadd.s32 s2, s17  }
0x8e: {  	[smem:$0x3FC2] =	sst s2  }
0x8f: {  	_ = 	snop  }
0x90: {  	s2 =	sld [smem:$0x3FD0];
	(tm) =	ssettm $0x1  }
0x91: {  	s18 =	sld [smem:$0x3FFB];
	_ =	sdelay $0x3  }
0x92: {  	_ =	strace s18  }
0x93: {  	s3 =	sld [smem:$0x3FFC];
	_ =	sdelay $0x3  }
0x94: {  	_ =	strace s3  }
0x95: {  	s3 =	sld [smem:$0x3FFD];
	_ =	sdelay $0x3  }
0x96: {  	_ =	strace s3  }
0x97: {  	_ =	strace $0x8FFFFFFF  }
0x98: {  	s19 =	sld [smem:$0x3FDB];
	_ =	sdelay $0x1  }
0x99: {  	s4 =	simm.s32 $_scs_section_size  }
0x9a: {  	s5 =	simm.s32 $_size__tile_overlayer_lowered;
	s6 =	simm.s32 $_tile_overlayer_lowered  }
0x9b: {  	s22 =	simm.s32 $0x1BFF;
	s21 =	sshll.u32 s6, $0x1;
	s3 =	sadd.s32 s4, s19  }
0x9c: {  	s7 =	simm.s32 $0x0;
	s20 =	sshll.u32 s5, $0x1;
	s5 =	sadd.s32 s21, s3  }
0x9d: {  	[timem:s7], [sflag:s22] =	dma.local [hbm:s5], s20  }
0x9e: {  	_ =	swait.ge [sflag:s22], s20  }
0x9f: {  	s4 =	ssub.s32 $0x0, s20;
	[sflag:s22] =	ssyncset.done $0x0  }
0xa0: {  	[sflag:s22] =	ssyncadd.s32 s4;
	_ =	sdelay $0x1  }
0xa1: {  	s23 =	simm.s32 $0x1B8B  }
0xa2: {  	_ =	swait.ge [sflag:s23], $0x1  }
0xa3: {  	[sflag:s23] =	ssyncset.done $0x0  }
0xa4: {  	s25 =	simm.s32 $0x1B8E;
	s24 =	sld [smem:$0x3FFE];
	[sflag:s23] =	ssyncadd.s32 $0xFFFFFFFF  }
0xa5: {  	s26 =	simm.s32 $execute0_lowered;
	[smem:$0x3FD2] =	sst s25  }
0xa6: {  	s5 =	sshll.u32 s26, $0x1;
	_ =	strace $0x80000046;
	[dreg:$0x1] =	wrdreg $0xFFFFFFFF  }
0xa7: {  	s28 =	simm.s32 $_size_execute0_lowered;
	s3 =	sadd.s32 s3, s5;
	[dreg:$0x0] =	wrdreg $0x0  }
0xa8: {  	s5 =	sshll.u32 s28, $0x1;
	[dreg:$0x2] =	wrdreg s3  }
0xa9: {  	[dreg:$0x3] =	wrdreg s5  }
0xaa: {  	[dreg:$0x4] =	wrdreg $0xC0  }
0xab: {  	_ =	task [dreg:s7], $0x5FFFF  }
0xac: {  	[dreg:$0x1] =	wrdreg $0xFFFFFFFF  }
0xad: {  	[dreg:$0x0] =	wrdreg $0x60  }
0xae: {  	[dreg:$0x2] =	wrdreg s2  }
0xaf: {  	[dreg:$0x3] =	wrdreg s24  }
0xb0: {  	[dreg:$0x4] =	wrdreg $0x0  }
0xb1: {  	[dreg:$0x5] =	wrdreg $0x138800  }
0xb2: {  	[dreg:$0x6] =	wrdreg $0x9  }
0xb3: {  	_ =	task.clear_ibuf [dreg:s7], $0x7FFFF;
	_ =	strace $0x90000046  }
0xb4: {  	s29 =	simm.s32 $0x9;
	_ =	strace $0x80000048  }
0xb5: {  	_ =	swait.ge [sflag:s29], $0x1  }
0xb6: {  	[sflag:s29] =	ssyncadd.s32 $0xFFFFFFFF  }
0xb7: {  	_ =	strace $0x90000048  }
0xb8: {  	_ =	sfence  }
0xb9: {  	s30 =	sld [smem:$0x0];
	_ =	sdelay $0x2  }
0xba: {  	s31 =	sshll.u32 s1, $0xD;
	s1 =	sshrl.u32 s1, $0x2  }
0xbb: {  	s3 =	sand.u32 $0x4000, s31;
	s1 =	sadd.s32 s1, s30  }
0xbc: {  	s0 =	sor.u32 s3, s0;
	s1 =	sshll.u32 s1, $0x11  }
0xbd: {  	s0 =	sor.u32 s1, s0  }
0xbe: {  	s0 =	sadd.s32 $0x8F2B, s0  }
0xbf: {  	[sflag:s0] =	ssyncadd.remote.s32 $0x1  }
0xc0: {  	_ =	sfence.sel $0xFFFF  }
0xc1: {  	[dreg:$0x0] =	wrdreg $0xFFFFFFFF;
	(pc) =	sbr.abs _section_cstart, $3  }
0xc2: {  	[dreg:$0x1] =	wrdreg $0xFFFFFFFF  }
0xc3: {  	_ =	task.clear_ibuf [dreg:s7], $0x2FFFF;
	_ =	strace $0x9FFFFFFF  }
0xc4: {  	(tm) =	ssettm $0x7FFFFFFF  }
0xc5: {  	_ =	shalt  }
tec
execute0_lowered:
.L_overlay_start_1:
0x0: {  	(tag) =	ssettag $0x1  }
0x1: {  	s1 =	rddreg [dreg:$0x0]  }
0x2: {  	s2 =	srdreg.scid;
	s0 =	stileid.u32  }
0x3: {  	s9 =	rddreg [dreg:$0x1];
	s4 =	smul.u32 $0x271, s0  }
0x4: {  	s10 =	sand.u32 $0x1, s2;
	s2 =	simm.s32 $0x0;
	s15 =	smul.u32 $0x13880, s0  }
0x5: {  	s11 =	sadd.s32 $0x28600, s9;
	s14 =	sadd.s32 $0x1E800, s9;
	s12 =	smul.u32 $0x138800, s10  }
0x6: {  	s3 =	ssub.s32 $0x2, s10;
	[smem:$0x7FF] =	sst s2;
	s16 =	smul.u32 $0x27100, s10  }
0x7: {  	s5 =	sshrl.u32 s3, $0x1;
	s19 =	sadd.s32 $0x7D, s4;
	s6 =	sadd.s32 $0xFA, s4  }
0x8: {  	s7 =	sadd.s32 $0x177, s4;
	s8 =	sadd.s32 $0x1F4, s4;
	s4 =	smul.u32 $0x2710, s0  }
0x9: {  	s3 =	ssub.s32 s3, s5;
	s21 =	sshll.u32 s19, $0x7;
	s22 =	sshll.u32 s6, $0x7  }
0xa: {  	s23 =	sshll.u32 s7, $0x7;
	s24 =	sshll.u32 s8, $0x7;
	s5 =	sshll.u32 s19, $0x4  }
0xb: {  	s6 =	sshll.u32 s6, $0x4;
	s7 =	sshll.u32 s7, $0x4;
	s13 =	sadd.s32 s15, s12  }
0xc: {  	s8 =	sshll.u32 s8, $0x4;
	s13 =	sshrl.u32 s13, $0x3;
	s17 =	sadd.s32 s12, s21  }
0xd: {  	s20 =	sadd.s32 s4, s16;
	s18 =	sadd.s32 s12, s22;
	s19 =	sadd.s32 s12, s23  }
0xe: {  	s12 =	sadd.s32 s12, s24;
	s13 =	sadd.s32 s11, s13;
	s17 =	sshrl.u32 s17, $0x3  }
0xf: {  	s18 =	sshrl.u32 s18, $0x3;
	[dreg:$0x5] =	wrdreg s13;
	s17 =	sadd.s32 s11, s17  }
0x10: {  	s26 =	sshrl.u32 s19, $0x3;
	s18 =	sadd.s32 s11, s18;
	[dreg:$0x6] =	wrdreg s17  }
0x11: {  	s12 =	sshrl.u32 s12, $0x3;
	[dreg:$0x7] =	wrdreg s18;
	s18 =	sadd.s32 s11, s26  }
0x12: {  	s25 =	sadd.s32 s16, s5;
	s11 =	sadd.s32 s11, s12;
	[dreg:$0x8] =	wrdreg s18  }
0x13: {  	s13 =	sshrl.u32 s20, $0x3;
	s12 =	sadd.s32 s16, s6;
	[dreg:$0x9] =	wrdreg s11  }
0x14: {  	s11 =	sshrl.u32 s12, $0x3;
	s12 =	sadd.s32 s14, s13;
	s13 =	rddreg [dreg:$0x3]  }
0x15: {  	s20 =	sadd.s32 s16, s7;
	s18 =	sshrl.u32 s25, $0x3;
	[dreg:$0xa] =	wrdreg s12  }
0x16: {  	s25 =	sadd.s32 s16, s8;
	s19 =	sadd.s32 s14, s18;
	s12 =	rddreg [dreg:$0x2]  }
0x17: {  	s11 =	sadd.s32 s14, s11;
	s16 =	sshrl.u32 s25, $0x3;
	[dreg:$0xb] =	wrdreg s19  }
0x18: {  	[dreg:$0xc] =	wrdreg s11;
	s11 =	sshrl.u32 s20, $0x3;
	s26 =	sadd.s32 s14, s16  }
0x19: {  	s11 =	sadd.s32 s14, s11;
	[dreg:$0xe] =	wrdreg s26  }
0x1a: {  	s31 =	sadd.s32 s15, s12;
	s26 =	sadd.s32 s22, s12;
	[dreg:$0xd] =	wrdreg s11  }
0x1b: {  	s15 =	sadd.s32 s24, s12;
	_ =	strace $0x80000047;
	[dreg:$0x11] =	wrdreg s26  }
0x1c: {  	s3 =	smax.u32 s3, $0x1;
	s4 =	sadd.s32 s4, s13;
	[dreg:$0x13] =	wrdreg s15  }
0x1d: {  	s17 =	sadd.s32 $0x19800, s9;
	s18 =	sadd.s32 $0xAA00, s9;
	[smem:$0x7F8] =	sst s4  }
0x1e: {  	s8 =	sadd.s32 s8, s13;
	s14 =	smul.u32 $0x4E200, s0;
	[smem:$0x7FC] =	sst s3  }
0x1f: {  	s16 =	sadd.s32 $0x14800, s9;
	s11 =	sadd.s32 s21, s12;
	[dreg:$0xf] =	wrdreg s31  }
0x20: {  	s19 =	sadd.s32 $0xC00, s9;
	s25 =	sshrl.u32 s14, $0x2;
	[dreg:$0x10] =	wrdreg s11  }
0x21: {  	s14 =	sadd.s32 s23, s12;
	[smem:$0x7FD] =	sst s8;
	s9 =	sadd.s32 s25, s12  }
0x22: {  	[dreg:$0x12] =	wrdreg s14;
	s21 =	sadd.s32 $0xC80, s9  }
0x23: {  	s22 =	sadd.s32 $0x1900, s9;
	[dreg:$0x14] =	wrdreg s21  }
0x24: {  	s23 =	sadd.s32 $0x2580, s9;
	[dreg:$0x15] =	wrdreg s22  }
0x25: {  	s24 =	sadd.s32 $0x3200, s9;
	[dreg:$0x16] =	wrdreg s23  }
0x26: {  	s25 =	sadd.s32 $0x4B00, s9;
	[dreg:$0x17] =	wrdreg s24  }
0x27: {  	s26 =	sadd.s32 $0x5780, s9;
	[dreg:$0x18] =	wrdreg s25  }
0x28: {  	s14 =	sadd.s32 $0x6400, s9;
	[dreg:$0x19] =	wrdreg s26  }
0x29: {  	s15 =	sadd.s32 $0x7080, s9;
	[dreg:$0x1a] =	wrdreg s14  }
0x2a: {  	[dreg:$0x1b] =	wrdreg s15;
	s21 =	sadd.s32 $0x8980, s9  }
0x2b: {  	s22 =	sadd.s32 $0x9600, s9;
	[dreg:$0x1c] =	wrdreg s21  }
0x2c: {  	s23 =	sadd.s32 $0xA280, s9;
	[dreg:$0x1d] =	wrdreg s22  }
0x2d: {  	s24 =	sadd.s32 $0xAF00, s9;
	[dreg:$0x1e] =	wrdreg s23  }
0x2e: {  	s25 =	sadd.s32 $0xC800, s9;
	[dreg:$0x1f] =	wrdreg s24  }
0x2f: {  	s26 =	sadd.s32 $0xD480, s9;
	[smem:$0x7F0] =	sst s25  }
0x30: {  	s28 =	simm.s32 $0x16080;
	s14 =	sadd.s32 $0xE100, s9;
	[smem:$0x7F1] =	sst s26  }
0x31: {  	s29 =	simm.s32 $0x18880;
	s15 =	sadd.s32 $0xED80, s9;
	[smem:$0x7F2] =	sst s14  }
0x32: {  	s30 =	simm.s32 $0x18D80;
	[smem:$0x7F3] =	sst s15;
	s21 =	sadd.s32 $0x10680, s9  }
0x33: {  	s20 =	sshll.u32 s10, $0x4;
	s22 =	sadd.s32 $0x11300, s9;
	[smem:$0x7F4] =	sst s21  }
0x34: {  	s10 =	simm.s32 $0x15F90;
	s23 =	sadd.s32 $0x11F80, s9;
	[smem:$0x7F5] =	sst s22  }
0x35: {  	s4 =	simm.s32 $0x0;
	s9 =	sadd.s32 $0x12C00, s9;
	[smem:$0x7F6] =	sst s23  }
0x36: {  	s24 =	sadd.s32 s5, s13;
	s25 =	sadd.s32 s6, s13;
	[smem:$0x7F7] =	sst s9  }
0x37: {  	s26 =	sadd.s32 s7, s13;
	s7 =	simm.s32 $0x19280;
	[smem:$0x7F9] =	sst s24  }
0x38: {  	s14 =	simm.s32 $0x15FE0;
	s15 =	simm.s32 $0x1;
	[smem:$0x7FA] =	sst s25  }
0x39: {  	s6 =	simm.s32 $0x3;
	[smem:$0x7FB] =	sst s26;
	s9 =	simm.s32 $0x7  }
0x3a: {  	s26 =	simm.s32 $0x50;
	s21 =	simm.s32 $0x4;
	s22 =	simm.s32 $0x2  }
0x3b: {  	v0 =	vimm.f32 $0.0e+00;
	s23 =	simm.s32 $0x16030;
	s24 =	simm.s32 $0x5;
	s25 =	simm.s32 $0x6  }
.LBB2_1:
0x3c: {  	s3 =	simm.s32 $0x192C0  }
0x3d: {  	[tilespmem:s3+$0xFFFFFFD0] =	vst v0  }
0x3e: {  	[tilespmem:s3+$0xFFFFFFE0] =	vst v0  }
0x3f: {  	[tilespmem:s3+$0xFFFFFFF0] =	vst v0  }
0x40: {  	[tilespmem:s3+$0x0] =	vst v0  }
0x41: {  	[tilespmem:s3+$0x10] =	vst v0  }
0x42: {  	[tilespmem:s3+$0x20] =	vst v0  }
0x43: {  	[tilespmem:s3+$0x30] =	vst v0  }
0x44: {  	[smem:$0x7EF] =	sst s4;
	s5 =	simm.s32 $0x0;
	s4 =	simm.s32 $0x40;
	[tilespmem:s3+$0xFFFFFFC0] =	vst v0  }
.LBB2_2:
0x45: {  	p0 =	sne.s32 s4, $0x1F00;
	[tilespmem:s5+$0x19F00] =	vst v0;
	s3 =	sadd.s32 $0x80, s3  }
0x46: {  	[tilespmem:s3+$0xFFFFFFD0] =	vst v0  }
0x47: {  	[tilespmem:s3+$0xFFFFFFE0] =	vst v0  }
0x48: {  	[tilespmem:s3+$0xFFFFFFF0] =	vst v0  }
.Ltmp0:
0x49: {  	[tilespmem:s3+$0x0] =	vst v0;
	(pc) =	sbr.rel @p0 .LBB2_2-.Ltmp0, $4  }
0x4a: {  	[tilespmem:s3+$0x10] =	vst v0  }
0x4b: {  	[tilespmem:s3+$0x20] =	vst v0  }
0x4c: {  	[tilespmem:s3+$0x30] =	vst v0  }
0x4d: {  	s5 =	sshra.s32 s4, $0x2;
	s4 =	sadd.s32 $0x40, s4;
	[tilespmem:s3+$0xFFFFFFC0] =	vst v0  }
0x4e: {  	[tilespmem:s5+$0x19F00] =	vst v0  }
0x4f: {  	[spmem:s31] =	stream.linear.scatter [tilespmem:s7], [sflag:$0x7], $0xC80, $0x38;
	[tilespmem:$0x1A6D0] =	vst v63  }
0x50: {  	s3 =	rddreg [dreg:$0x14]  }
0x51: {  	[spmem:s3] =	stream.linear.scatter [tilespmem:s7], [sflag:$0x7], $0xC80, $0x38;
	[tilespmem:$0x1A6D0] =	vst v63  }
0x52: {  	s4 =	rddreg [dreg:$0x15]  }
0x53: {  	[spmem:s4] =	stream.linear.scatter [tilespmem:s7], [sflag:$0x7], $0xC80, $0x38;
	[tilespmem:$0x1A6D0] =	vst v63  }
0x54: {  	s5 =	rddreg [dreg:$0x16]  }
0x55: {  	[spmem:s5] =	stream.linear.scatter [tilespmem:s7], [sflag:$0x7], $0xC80, $0x38;
	[tilespmem:$0x1A6D0] =	vst v63  }
0x56: {  	s31 =	rddreg [dreg:$0x17]  }
0x57: {  	[spmem:s31] =	stream.linear.scatter [tilespmem:s7], [sflag:$0x7], $0xC80, $0x38;
	[tilespmem:$0x1A6D0] =	vst v63  }
0x58: {  	s4 =	rddreg [dreg:$0x18]  }
0x59: {  	[spmem:s11] =	stream.linear.scatter [tilespmem:s7], [sflag:$0x7], $0xC80, $0x38;
	[tilespmem:$0x1A6D0] =	vst v63  }
0x5a: {  	s5 =	rddreg [dreg:$0x19]  }
0x5b: {  	[spmem:s4] =	stream.linear.scatter [tilespmem:s7], [sflag:$0x7], $0xC80, $0x38;
	[tilespmem:$0x1A6D0] =	vst v63  }
0x5c: {  	s31 =	rddreg [dreg:$0x1b]  }
0x5d: {  	[spmem:s5] =	stream.linear.scatter [tilespmem:s7], [sflag:$0x7], $0xC80, $0x38;
	[tilespmem:$0x1A6D0] =	vst v63  }
0x5e: {  	s11 =	rddreg [dreg:$0x1a]  }
0x5f: {  	[spmem:s11] =	stream.linear.scatter [tilespmem:s7], [sflag:$0x7], $0xC80, $0x38;
	[tilespmem:$0x1A6D0] =	vst v63  }
0x60: {  	s4 =	rddreg [dreg:$0x11]  }
0x61: {  	[spmem:s31] =	stream.linear.scatter [tilespmem:s7], [sflag:$0x7], $0xC80, $0x38;
	[tilespmem:$0x1A6D0] =	vst v63  }
0x62: {  	s5 =	rddreg [dreg:$0x1c]  }
0x63: {  	[spmem:s4] =	stream.linear.scatter [tilespmem:s7], [sflag:$0x7], $0xC80, $0x38;
	[tilespmem:$0x1A6D0] =	vst v63  }
0x64: {  	s11 =	rddreg [dreg:$0x1d]  }
0x65: {  	[spmem:s5] =	stream.linear.scatter [tilespmem:s7], [sflag:$0x7], $0xC80, $0x38;
	[tilespmem:$0x1A6D0] =	vst v63  }
0x66: {  	s31 =	rddreg [dreg:$0x1e]  }
0x67: {  	[spmem:s11] =	stream.linear.scatter [tilespmem:s7], [sflag:$0x7], $0xC80, $0x38;
	[tilespmem:$0x1A6D0] =	vst v63  }
0x68: {  	s4 =	rddreg [dreg:$0x1f]  }
0x69: {  	[spmem:s31] =	stream.linear.scatter [tilespmem:s7], [sflag:$0x7], $0xC80, $0x38;
	[tilespmem:$0x1A6D0] =	vst v63  }
0x6a: {  	s5 =	rddreg [dreg:$0x12]  }
0x6b: {  	[spmem:s4] =	stream.linear.scatter [tilespmem:s7], [sflag:$0x7], $0xC80, $0x38;
	[tilespmem:$0x1A6D0] =	vst v63  }
0x6c: {  	s11 =	sld [smem:$0x7F0]  }
0x6d: {  	[spmem:s5] =	stream.linear.scatter [tilespmem:s7], [sflag:$0x7], $0xC80, $0x38;
	[tilespmem:$0x1A6D0] =	vst v63  }
0x6e: {  	s31 =	sld [smem:$0x7F1]  }
0x6f: {  	[spmem:s11] =	stream.linear.scatter [tilespmem:s7], [sflag:$0x7], $0xC80, $0x38;
	[tilespmem:$0x1A6D0] =	vst v63  }
0x70: {  	s4 =	sld [smem:$0x7F2]  }
0x71: {  	[spmem:s31] =	stream.linear.scatter [tilespmem:s7], [sflag:$0x7], $0xC80, $0x38;
	[tilespmem:$0x1A6D0] =	vst v63  }
0x72: {  	s5 =	sld [smem:$0x7F3]  }
0x73: {  	[spmem:s4] =	stream.linear.scatter [tilespmem:s7], [sflag:$0x7], $0xC80, $0x38;
	[tilespmem:$0x1A6D0] =	vst v63  }
0x74: {  	s11 =	rddreg [dreg:$0x13]  }
0x75: {  	[spmem:s5] =	stream.linear.scatter [tilespmem:s7], [sflag:$0x7], $0xC80, $0x38;
	[tilespmem:$0x1A6D0] =	vst v63  }
0x76: {  	s31 =	sld [smem:$0x7F4]  }
0x77: {  	[spmem:s11] =	stream.linear.scatter [tilespmem:s7], [sflag:$0x7], $0xC80, $0x38;
	[tilespmem:$0x1A6D0] =	vst v63  }
0x78: {  	s4 =	sld [smem:$0x7F5]  }
0x79: {  	[spmem:s31] =	stream.linear.scatter [tilespmem:s7], [sflag:$0x7], $0xC80, $0x38;
	[tilespmem:$0x1A6D0] =	vst v63  }
0x7a: {  	s5 =	sld [smem:$0x7F6]  }
0x7b: {  	[spmem:s4] =	stream.linear.scatter [tilespmem:s7], [sflag:$0x7], $0xC80, $0x38;
	[tilespmem:$0x1A6D0] =	vst v63  }
0x7c: {  	s11 =	sld [smem:$0x7F7]  }
0x7d: {  	[spmem:s5] =	stream.linear.scatter [tilespmem:s7], [sflag:$0x7], $0xC80, $0x38;
	[tilespmem:$0x1A6D0] =	vst v63  }
0x7e: {  	s31 =	sld [smem:$0x7F8]  }
0x7f: {  	[spmem:s11] =	stream.linear.scatter [tilespmem:s7], [sflag:$0x7], $0xC80, $0x38;
	[tilespmem:$0x1A6D0] =	vst v63  }
0x80: {  	s4 =	simm.s32 $0x19F00;
	s5 =	sld [smem:$0x7F9]  }
0x81: {  	[spmem:s31] =	stream.linear.scatter [tilespmem:s4], [sflag:$0x7], $0x7D0, $0x38;
	[tilespmem:$0x1A6D0] =	vst v63  }
0x82: {  	s11 =	sld [smem:$0x7FA]  }
0x83: {  	[spmem:s5] =	stream.linear.scatter [tilespmem:s4], [sflag:$0x7], $0x7D0, $0x38;
	[tilespmem:$0x1A6D0] =	vst v63  }
0x84: {  	s31 =	sld [smem:$0x7FB]  }
0x85: {  	[spmem:s11] =	stream.linear.scatter [tilespmem:s4], [sflag:$0x7], $0x7D0, $0x38;
	[tilespmem:$0x1A6D0] =	vst v63  }
0x86: {  	_ = 	snop  }
0x87: {  	[spmem:s31] =	stream.linear.scatter [tilespmem:s4], [sflag:$0x7], $0x7D0, $0x38;
	[tilespmem:$0x1A6D0] =	vst v63  }
0x88: {  	_ = 	snop  }
0x89: {  	[spmem:s8] =	stream.linear.scatter [tilespmem:s4], [sflag:$0x7], $0x7D0, $0x38;
	[tilespmem:$0x1A6D0] =	vst v63  }
0x8a: {  	_ =	swait.ge [sflag:s9], $0xC80  }
0x8b: {  	[sflag:s9] =	ssyncset.done $0x0  }
0x8c: {  	[sflag:s9] =	ssyncadd.s32 $0xFFFFF380  }
0x8d: {  	_ =	swait.ge [sflag:s9], $0xC80  }
0x8e: {  	[sflag:s9] =	ssyncset.done $0x0  }
0x8f: {  	[sflag:s9] =	ssyncadd.s32 $0xFFFFF380  }
0x90: {  	_ =	swait.ge [sflag:s9], $0xC80  }
0x91: {  	[sflag:s9] =	ssyncset.done $0x0  }
0x92: {  	[sflag:s9] =	ssyncadd.s32 $0xFFFFF380  }
0x93: {  	_ =	swait.ge [sflag:s9], $0xC80  }
0x94: {  	[sflag:s9] =	ssyncset.done $0x0  }
0x95: {  	[sflag:s9] =	ssyncadd.s32 $0xFFFFF380  }
0x96: {  	_ =	swait.ge [sflag:s9], $0xC80  }
0x97: {  	[sflag:s9] =	ssyncset.done $0x0  }
0x98: {  	[sflag:s9] =	ssyncadd.s32 $0xFFFFF380  }
0x99: {  	_ =	swait.ge [sflag:s9], $0xC80  }
0x9a: {  	[sflag:s9] =	ssyncset.done $0x0  }
0x9b: {  	[sflag:s9] =	ssyncadd.s32 $0xFFFFF380  }
0x9c: {  	_ =	swait.ge [sflag:s9], $0xC80  }
0x9d: {  	[sflag:s9] =	ssyncset.done $0x0  }
0x9e: {  	[sflag:s9] =	ssyncadd.s32 $0xFFFFF380  }
0x9f: {  	_ =	swait.ge [sflag:s9], $0xC80  }
0xa0: {  	[sflag:s9] =	ssyncset.done $0x0  }
0xa1: {  	[sflag:s9] =	ssyncadd.s32 $0xFFFFF380  }
0xa2: {  	_ =	swait.ge [sflag:s9], $0xC80  }
0xa3: {  	[sflag:s9] =	ssyncset.done $0x0  }
0xa4: {  	[sflag:s9] =	ssyncadd.s32 $0xFFFFF380  }
0xa5: {  	_ =	swait.ge [sflag:s9], $0xC80  }
0xa6: {  	[sflag:s9] =	ssyncset.done $0x0  }
0xa7: {  	[sflag:s9] =	ssyncadd.s32 $0xFFFFF380  }
0xa8: {  	_ =	swait.ge [sflag:s9], $0xC80  }
0xa9: {  	[sflag:s9] =	ssyncset.done $0x0  }
0xaa: {  	[sflag:s9] =	ssyncadd.s32 $0xFFFFF380  }
0xab: {  	_ =	swait.ge [sflag:s9], $0xC80  }
0xac: {  	[sflag:s9] =	ssyncset.done $0x0  }
0xad: {  	[sflag:s9] =	ssyncadd.s32 $0xFFFFF380  }
0xae: {  	_ =	swait.ge [sflag:s9], $0xC80  }
0xaf: {  	[sflag:s9] =	ssyncset.done $0x0  }
0xb0: {  	[sflag:s9] =	ssyncadd.s32 $0xFFFFF380  }
0xb1: {  	_ =	swait.ge [sflag:s9], $0xC80  }
0xb2: {  	[sflag:s9] =	ssyncset.done $0x0  }
0xb3: {  	[sflag:s9] =	ssyncadd.s32 $0xFFFFF380  }
0xb4: {  	_ =	swait.ge [sflag:s9], $0xC80  }
0xb5: {  	[sflag:s9] =	ssyncset.done $0x0  }
0xb6: {  	[sflag:s9] =	ssyncadd.s32 $0xFFFFF380  }
0xb7: {  	_ =	swait.ge [sflag:s9], $0xC80  }
0xb8: {  	[sflag:s9] =	ssyncset.done $0x0  }
0xb9: {  	[sflag:s9] =	ssyncadd.s32 $0xFFFFF380  }
0xba: {  	_ =	swait.ge [sflag:s9], $0xC80  }
0xbb: {  	[sflag:s9] =	ssyncset.done $0x0  }
0xbc: {  	[sflag:s9] =	ssyncadd.s32 $0xFFFFF380  }
0xbd: {  	_ =	swait.ge [sflag:s9], $0xC80  }
0xbe: {  	[sflag:s9] =	ssyncset.done $0x0  }
0xbf: {  	[sflag:s9] =	ssyncadd.s32 $0xFFFFF380  }
0xc0: {  	_ =	swait.ge [sflag:s9], $0xC80  }
0xc1: {  	[sflag:s9] =	ssyncset.done $0x0  }
0xc2: {  	[sflag:s9] =	ssyncadd.s32 $0xFFFFF380  }
0xc3: {  	_ =	swait.ge [sflag:s9], $0xC80  }
0xc4: {  	[sflag:s9] =	ssyncset.done $0x0  }
0xc5: {  	[sflag:s9] =	ssyncadd.s32 $0xFFFFF380  }
0xc6: {  	_ =	swait.ge [sflag:s9], $0xC80  }
0xc7: {  	[sflag:s9] =	ssyncset.done $0x0  }
0xc8: {  	[sflag:s9] =	ssyncadd.s32 $0xFFFFF380  }
0xc9: {  	_ =	swait.ge [sflag:s9], $0xC80  }
0xca: {  	[sflag:s9] =	ssyncset.done $0x0  }
0xcb: {  	[sflag:s9] =	ssyncadd.s32 $0xFFFFF380  }
0xcc: {  	_ =	swait.ge [sflag:s9], $0xC80  }
0xcd: {  	[sflag:s9] =	ssyncset.done $0x0  }
0xce: {  	[sflag:s9] =	ssyncadd.s32 $0xFFFFF380  }
0xcf: {  	_ =	swait.ge [sflag:s9], $0xC80  }
0xd0: {  	[sflag:s9] =	ssyncset.done $0x0  }
0xd1: {  	[sflag:s9] =	ssyncadd.s32 $0xFFFFF380  }
0xd2: {  	_ =	swait.ge [sflag:s9], $0xC80  }
0xd3: {  	[sflag:s9] =	ssyncset.done $0x0  }
0xd4: {  	[sflag:s9] =	ssyncadd.s32 $0xFFFFF380  }
0xd5: {  	_ =	swait.ge [sflag:s9], $0x7D0  }
0xd6: {  	[sflag:s9] =	ssyncset.done $0x0  }
0xd7: {  	[sflag:s9] =	ssyncadd.s32 $0xFFFFF830  }
0xd8: {  	_ =	swait.ge [sflag:s9], $0x7D0  }
0xd9: {  	[sflag:s9] =	ssyncset.done $0x0  }
0xda: {  	[sflag:s9] =	ssyncadd.s32 $0xFFFFF830  }
0xdb: {  	_ =	swait.ge [sflag:s9], $0x7D0  }
0xdc: {  	[sflag:s9] =	ssyncset.done $0x0  }
0xdd: {  	[sflag:s9] =	ssyncadd.s32 $0xFFFFF830  }
0xde: {  	_ =	swait.ge [sflag:s9], $0x7D0  }
0xdf: {  	[sflag:s9] =	ssyncset.done $0x0  }
0xe0: {  	[sflag:s9] =	ssyncadd.s32 $0xFFFFF830  }
0xe1: {  	_ =	swait.ge [sflag:s9], $0x7D0  }
0xe2: {  	[sflag:s9] =	ssyncset.done $0x0  }
0xe3: {  	[sflag:s9] =	ssyncadd.s32 $0xFFFFF830  }
0xe4: {  	s11 =	simm.s32 $0x0;
	[bflag:$0x0] =	sbarrier.arrive $0xFFFF  }
.LBB2_4:
0xe5: {  	s3 =	sshll.u32 s11, $0x5  }
0xe6: {  	s3 =	sor.u32 s3, s20  }
0xe7: {  	s3 =	sor.u32 s0, s3  }
0xe8: {  	s3 =	smul.u32 $0xA, s3;
	_ =	sdelay $0x1  }
0xe9: {  	s4 =	sadd.s32 s18, s3  }
0xea: {  	[tilespmem:s10], [sflag:$0x1] =	stream.linear.gather [hbm4b:s4+s2], $0x50, $0x38;
	[tilespmem:$0x1A6D0] =	vst v63  }
0xeb: {  	s3 =	sadd.s32 s19, s3  }
0xec: {  	[tilespmem:s14], [sflag:$0x1] =	stream.linear.gather [hbm4b:s3+s2], $0x50, $0x38;
	[tilespmem:$0x1A6D0] =	vst v63  }
0xed: {  	_ =	swait.ge [sflag:s15], $0x50  }
0xee: {  	[sflag:s15] =	ssyncset.done $0x0  }
0xef: {  	[sflag:s15] =	ssyncadd.s32 $0xFFFFFFB0  }
0xf0: {  	_ =	swait.ge [sflag:s15], $0x50  }
0xf1: {  	[sflag:s15] =	ssyncset.done $0x0  }
0xf2: {  	[sflag:s15] =	ssyncadd.s32 $0xFFFFFFB0  }
0xf3: {  	[tilespmem:s28], [sflag:$0x2] =	stream.indirect.gather [hbm4b:s1+s26], $0x80, s10, s26, $0xb8;
	[tilespmem:$0x1A6D0] =	vst v63  }
0xf4: {  	_ = 	snop  }
0xf5: {  	[tilespmem:s29], [sflag:$0x3] =	stream.indirect.gather [hbm4b:s16+s26], $0x10, s10, s26, $0xb8;
	[tilespmem:$0x1A6D0] =	vst v63  }
0xf6: {  	_ = 	snop  }
0xf7: {  	[tilespmem:s30], [sflag:$0x4] =	stream.indirect.gather [hbm4b:s17+s26], $0x10, s14, s26, $0xb8;
	[tilespmem:$0x1A6D0] =	vst v63  }
0xf8: {  	_ =	swait.ge [sflag:s6], $0x500  }
0xf9: {  	[sflag:s6] =	ssyncset.done $0x0  }
0xfa: {  	[sflag:s6] =	ssyncadd.s32 $0xFFFFFB00  }
0xfb: {  	_ =	swait.ge [sflag:s21], $0x500  }
0xfc: {  	[sflag:s21] =	ssyncset.done $0x0  }
0xfd: {  	[sflag:s21] =	ssyncadd.s32 $0xFFFFFB00  }
0xfe: {  	v1 =	vld [tilespmem:$0x15FE0]  }
0xff: {  	v2 =	vld [tilespmem:$0x15FF0]  }
0x100: {  	v3 =	vld [tilespmem:$0x16000]  }
0x101: {  	v4 =	vld [tilespmem:$0x16010]  }
0x102: {  	v5 =	vld [tilespmem:$0x16020]  }
0x103: {  	[tilespmem:$0x16030] =	vst v1  }
0x104: {  	[tilespmem:$0x16040] =	vst v2  }
0x105: {  	[tilespmem:$0x16050] =	vst v3  }
0x106: {  	[tilespmem:$0x16060] =	vst v4  }
0x107: {  	s3 =	simm.s32 $0x18DA0;
	[tilespmem:$0x16070] =	vst v5  }
0x108: {  	s4 =	simm.s32 $0x188A0;
	v1 =	vld [tilespmem:s3+$0xFFFFFFE0]  }
0x109: {  	v2 =	vld [tilespmem:s4+$0xFFFFFFE0];
	_ =	sdelay $0x4  }
0x10a: {  	v1 =	vadd.f32 v1, v2;
	_ =	sdelay $0x1  }
0x10b: {  	v2 =	vmul.f32 $2.000000030e-01, v1  }
0x10c: {  	vm0 =	vgt.f32 v1, $0.0e+00  }
0x10d: {  	v1 =	vsel vm0, v1, v2  }
0x10e: {  	v1 =	vmul.f32 $1.442695020e+00, v1;
	_ =	sdelay $0x1  }
0x10f: {  	(erf) = vpow2.f32 v1;
	_ =	sdelay $0x8  }
0x110: {  	v1 =	vpop (erf)  }
0x111: {  	[tilespmem:s3+$0xFFFFFFE0] =	vst v1;
	v1 =	vld [tilespmem:s3+$0xFFFFFFF0]  }
0x112: {  	v2 =	vld [tilespmem:s4+$0xFFFFFFF0];
	_ =	sdelay $0x4  }
0x113: {  	v1 =	vadd.f32 v1, v2;
	_ =	sdelay $0x1  }
0x114: {  	v2 =	vmul.f32 $2.000000030e-01, v1  }
0x115: {  	vm13 =	vgt.f32 v1, $0.0e+00  }
0x116: {  	v1 =	vsel vm13, v1, v2  }
0x117: {  	v1 =	vmul.f32 $1.442695020e+00, v1;
	_ =	sdelay $0x1  }
0x118: {  	(erf) = vpow2.f32 v1;
	_ =	sdelay $0x8  }
0x119: {  	v1 =	vpop (erf)  }
0x11a: {  	[tilespmem:s3+$0xFFFFFFF0] =	vst v1;
	v1 =	vld [tilespmem:s3+$0x0]  }
0x11b: {  	v2 =	vld [tilespmem:s4+$0x0];
	_ =	sdelay $0x4  }
0x11c: {  	v1 =	vadd.f32 v1, v2;
	_ =	sdelay $0x1  }
0x11d: {  	v2 =	vmul.f32 $2.000000030e-01, v1  }
0x11e: {  	vm14 =	vgt.f32 v1, $0.0e+00  }
0x11f: {  	v1 =	vsel vm14, v1, v2  }
0x120: {  	v1 =	vmul.f32 $1.442695020e+00, v1;
	_ =	sdelay $0x1  }
0x121: {  	(erf) = vpow2.f32 v1;
	_ =	sdelay $0x8  }
0x122: {  	v1 =	vpop (erf)  }
0x123: {  	[tilespmem:s3+$0x0] =	vst v1;
	v1 =	vld [tilespmem:s3+$0x10]  }
0x124: {  	v2 =	vld [tilespmem:s4+$0x10];
	_ =	sdelay $0x4  }
0x125: {  	v1 =	vadd.f32 v1, v2;
	_ =	sdelay $0x1  }
0x126: {  	v2 =	vmul.f32 $2.000000030e-01, v1  }
0x127: {  	vm15 =	vgt.f32 v1, $0.0e+00  }
0x128: {  	v1 =	vsel vm15, v1, v2  }
0x129: {  	v1 =	vmul.f32 $1.442695020e+00, v1;
	_ =	sdelay $0x1  }
0x12a: {  	(erf) = vpow2.f32 v1;
	_ =	sdelay $0x8  }
0x12b: {  	s5 =	simm.s32 $0x0;
	s8 =	simm.s32 $0x18DE0;
	v1 =	vpop (erf)  }
.LBB2_5:
0x12c: {  	v2 =	vld [tilespmem:s8+$0xFFFFFFE0];
	[tilespmem:s3+$0x10] =	vst v1;
	s4 =	sadd.s32 $0x40, s4;
	s3 =	smov.u32 s8  }
0x12d: {  	s5 =	sadd.s32 $0x4, s5;
	v1 =	vld [tilespmem:s4+$0xFFFFFFE0]  }
0x12e: {  	p0 =	slt.u32 s5, $0x4C;
	_ =	sdelay $0x3  }
0x12f: {  	v1 =	vadd.f32 v2, v1;
	_ =	sdelay $0x1  }
0x130: {  	v2 =	vmul.f32 $2.000000030e-01, v1  }
0x131: {  	vm0 =	vgt.f32 v1, $0.0e+00  }
0x132: {  	v1 =	vsel vm0, v1, v2  }
0x133: {  	v1 =	vmul.f32 $1.442695020e+00, v1;
	_ =	sdelay $0x1  }
0x134: {  	(erf) = vpow2.f32 v1;
	_ =	sdelay $0x8  }
0x135: {  	v1 =	vpop (erf)  }
0x136: {  	[tilespmem:s8+$0xFFFFFFE0] =	vst v1;
	v1 =	vld [tilespmem:s8+$0xFFFFFFF0]  }
0x137: {  	v2 =	vld [tilespmem:s4+$0xFFFFFFF0];
	_ =	sdelay $0x4  }
0x138: {  	v1 =	vadd.f32 v1, v2;
	_ =	sdelay $0x1  }
0x139: {  	v2 =	vmul.f32 $2.000000030e-01, v1  }
0x13a: {  	vm0 =	vgt.f32 v1, $0.0e+00  }
0x13b: {  	v1 =	vsel vm0, v1, v2  }
0x13c: {  	v1 =	vmul.f32 $1.442695020e+00, v1;
	_ =	sdelay $0x1  }
0x13d: {  	(erf) = vpow2.f32 v1;
	_ =	sdelay $0x8  }
0x13e: {  	v1 =	vpop (erf)  }
0x13f: {  	[tilespmem:s8+$0xFFFFFFF0] =	vst v1;
	v1 =	vld [tilespmem:s8+$0x0]  }
0x140: {  	v2 =	vld [tilespmem:s4+$0x0];
	_ =	sdelay $0x4  }
0x141: {  	v1 =	vadd.f32 v1, v2;
	_ =	sdelay $0x1  }
0x142: {  	v2 =	vmul.f32 $2.000000030e-01, v1  }
0x143: {  	vm0 =	vgt.f32 v1, $0.0e+00  }
0x144: {  	v1 =	vsel vm0, v1, v2  }
0x145: {  	v1 =	vmul.f32 $1.442695020e+00, v1;
	_ =	sdelay $0x1  }
0x146: {  	(erf) = vpow2.f32 v1;
	_ =	sdelay $0x8  }
0x147: {  	v1 =	vpop (erf)  }
0x148: {  	[tilespmem:s8+$0x0] =	vst v1;
	v1 =	vld [tilespmem:s8+$0x10]  }
0x149: {  	v2 =	vld [tilespmem:s4+$0x10];
	_ =	sdelay $0x4  }
0x14a: {  	v1 =	vadd.f32 v1, v2;
	_ =	sdelay $0x1  }
0x14b: {  	v2 =	vmul.f32 $2.000000030e-01, v1  }
0x14c: {  	vm0 =	vgt.f32 v1, $0.0e+00  }
0x14d: {  	v1 =	vsel vm0, v1, v2  }
0x14e: {  	v1 =	vmul.f32 $1.442695020e+00, v1;
	_ =	sdelay $0x1  }
0x14f: {  	(erf) = vpow2.f32 v1;
	_ =	sdelay $0x4  }
.Ltmp1:
0x150: {  	(pc) =	sbr.rel @p0 .LBB2_5-.Ltmp1, $2  }
0x151: {  	_ =	sdelay $0x2  }
0x152: {  	s8 =	sadd.s32 $0x40, s8;
	v1 =	vpop (erf)  }
0x153: {  	[tilespmem:s3+$0x10] =	vst v1  }
0x154: {  	_ =	swait.ge [sflag:s22], $0x2800  }
0x155: {  	[sflag:s22] =	ssyncset.done $0x0  }
0x156: {  	s4 =	simm.s32 $0x18D90;
	[sflag:s22] =	ssyncadd.s32 $0xFFFFD800  }
0x157: {  	v2 =	vld [tilespmem:s4+$0xFFFFFFF0]  }
0x158: {  	s3 =	simm.s32 $0x16100  }
0x159: {  	v4 =	vld [tilespmem:s3+$0xFFFFFFC0]  }
0x15a: {  	v5 =	vld [tilespmem:s3+$0xFFFFFF90]  }
0x15b: {  	v8 =	vld [tilespmem:s3+$0xFFFFFFB0]  }
0x15c: {  	v1 =	vld [tilespmem:s3+$0xFFFFFFE0];
	v6 =	vbroadcast v2, $0x4  }
0x15d: {  	v7 =	vld [tilespmem:s3+$0xFFFFFFA0];
	v3 =	vbroadcast v2, $0x0  }
0x15e: {  	v10 =	vbroadcast v2, $0x1;
	v11 =	vmul.f32 v4, v6;
	v4 =	vld [tilespmem:s3+$0xFFFFFF80]  }
0x15f: {  	v9 =	vbroadcast v2, $0x2;
	v13 =	vbroadcast v2, $0x3;
	v6 =	vld [tilespmem:s3+$0xFFFFFFF0]  }
0x160: {  	v12 =	vmul.f32 v5, v10;
	v5 =	vbroadcast v2, $0x5  }
0x161: {  	s8 =	simm.s32 $0x0;
	s31 =	simm.s32 $0x16100;
	s5 =	simm.s32 $0x18D90;
	v10 =	vmul.f32 v8, v13;
	v8 =	vld [tilespmem:s3+$0xFFFFFFD0];
	[tilespmem:s3+$0xFFFFFFC0] =	vst v11;
	v11 =	vbroadcast v2, $0x6  }
.LBB2_7:
0x162: {  	s8 =	sadd.s32 $0x2, s8;
	[tilespmem:s3+$0xFFFFFF90] =	vst v12;
	v7 =	vmul.f32 v7, v9;
	v2 =	vbroadcast v2, $0x7;
	s4 =	sadd.s32 $0x20, s4;
	s31 =	sadd.s32 $0x100, s31  }
0x163: {  	p0 =	slt.u32 s8, $0x4E;
	v3 =	vmul.f32 v3, v4;
	[tilespmem:s3+$0xFFFFFFB0] =	vst v10;
	v1 =	vmul.f32 v1, v11  }
0x164: {  	[tilespmem:s3+$0xFFFFFFA0] =	vst v7;
	v2 =	vmul.f32 v6, v2  }
0x165: {  	[tilespmem:s3+$0xFFFFFFE0] =	vst v1  }
0x166: {  	v1 =	vmul.f32 v8, v5;
	[tilespmem:s3+$0xFFFFFFF0] =	vst v2  }
0x167: {  	[tilespmem:s3+$0xFFFFFF80] =	vst v3  }
0x168: {  	[tilespmem:s3+$0xFFFFFFD0] =	vst v1;
	v1 =	vld [tilespmem:s3+$0x10]  }
0x169: {  	v2 =	vld [tilespmem:s5+$0x0];
	s5 =	smov.u32 s4  }
0x16a: {  	v3 =	vld [tilespmem:s3+$0x70]  }
0x16b: {  	v4 =	vld [tilespmem:s3+$0x0]  }
0x16c: {  	v5 =	vld [tilespmem:s3+$0x20]  }
0x16d: {  	v6 =	vld [tilespmem:s3+$0x40]  }
0x16e: {  	v7 =	vbroadcast v2, $0x0;
	v8 =	vld [tilespmem:s3+$0x30];
	v9 =	vbroadcast v2, $0x7  }
0x16f: {  	v10 =	vbroadcast v2, $0x2;
	v12 =	vbroadcast v2, $0x6;
	v11 =	vld [tilespmem:s3+$0x60]  }
0x170: {  	v4 =	vmul.f32 v7, v4;
	v7 =	vbroadcast v2, $0x4;
	v13 =	vld [tilespmem:s3+$0x50]  }
0x171: {  	v5 =	vmul.f32 v5, v10;
	v10 =	vbroadcast v2, $0x3  }
0x172: {  	[tilespmem:s3+$0x0] =	vst v4;
	v4 =	vbroadcast v2, $0x1;
	v6 =	vmul.f32 v6, v7  }
0x173: {  	v2 =	vbroadcast v2, $0x5;
	[tilespmem:s3+$0x20] =	vst v5;
	v5 =	vmul.f32 v8, v10  }
0x174: {  	v3 =	vmul.f32 v3, v9;
	[tilespmem:s3+$0x40] =	vst v6;
	v6 =	vmul.f32 v11, v12  }
0x175: {  	v1 =	vmul.f32 v1, v4;
	[tilespmem:s3+$0x30] =	vst v5;
	v2 =	vmul.f32 v13, v2  }
0x176: {  	[tilespmem:s3+$0x70] =	vst v3  }
0x177: {  	[tilespmem:s3+$0x10] =	vst v1  }
0x178: {  	[tilespmem:s3+$0x60] =	vst v6  }
0x179: {  	[tilespmem:s3+$0x50] =	vst v2;
	s3 =	smov.u32 s31  }
0x17a: {  	v2 =	vld [tilespmem:s4+$0xFFFFFFF0]  }
0x17b: {  	v1 =	vld [tilespmem:s31+$0xFFFFFFE0]  }
0x17c: {  	v5 =	vld [tilespmem:s31+$0xFFFFFFC0]  }
0x17d: {  	v8 =	vld [tilespmem:s31+$0xFFFFFF90]  }
0x17e: {  	v10 =	vld [tilespmem:s31+$0xFFFFFFB0]  }
.Ltmp2:
0x17f: {  	v3 =	vbroadcast v2, $0x0;
	v7 =	vld [tilespmem:s31+$0xFFFFFFA0];
	v6 =	vbroadcast v2, $0x4;
	(pc) =	sbr.rel @p0 .LBB2_7-.Ltmp2, $4  }
0x180: {  	v11 =	vbroadcast v2, $0x1;
	v9 =	vbroadcast v2, $0x2;
	v4 =	vld [tilespmem:s31+$0xFFFFFF80]  }
0x181: {  	v13 =	vbroadcast v2, $0x3;
	v14 =	vmul.f32 v5, v6;
	v6 =	vld [tilespmem:s31+$0xFFFFFFF0]  }
0x182: {  	v5 =	vbroadcast v2, $0x5;
	v12 =	vmul.f32 v8, v11  }
0x183: {  	v11 =	vbroadcast v2, $0x6;
	v10 =	vmul.f32 v10, v13;
	[tilespmem:s31+$0xFFFFFFC0] =	vst v14;
	v8 =	vld [tilespmem:s31+$0xFFFFFFD0]  }
0x184: {  	[tilespmem:s3+$0xFFFFFF90] =	vst v12;
	v7 =	vmul.f32 v7, v9  }
0x185: {  	v2 =	vbroadcast v2, $0x7;
	[tilespmem:s3+$0xFFFFFFB0] =	vst v10;
	v1 =	vmul.f32 v1, v11  }
0x186: {  	v3 =	vmul.f32 v3, v4;
	[tilespmem:s3+$0xFFFFFFA0] =	vst v7  }
0x187: {  	v2 =	vmul.f32 v6, v2;
	[tilespmem:s3+$0xFFFFFFE0] =	vst v1  }
0x188: {  	[tilespmem:s3+$0xFFFFFF80] =	vst v3;
	v1 =	vmul.f32 v8, v5  }
0x189: {  	[tilespmem:s3+$0xFFFFFFF0] =	vst v2  }
0x18a: {  	[tilespmem:s3+$0xFFFFFFD0] =	vst v1  }
0x18b: {  	v1 =	vld [tilespmem:s5+$0x0];
	_ =	sdelay $0x2  }
0x18c: {  	v2 =	vld [tilespmem:s3+$0x0]  }
0x18d: {  	v3 =	vld [tilespmem:s3+$0x20]  }
0x18e: {  	v56 =	vld [tilespmem:s3+$0x10];
	v52 =	vbroadcast v1, $0x0;
	v55 =	vbroadcast v1, $0x2  }
0x18f: {  	v61 =	vld [tilespmem:s3+$0x50];
	v57 =	vbroadcast v1, $0x4;
	v59 =	vbroadcast v1, $0x3  }
0x190: {  	v51 =	vld [tilespmem:s3+$0x40];
	v60 =	vbroadcast v1, $0x7;
	v62 =	vbroadcast v1, $0x1  }
0x191: {  	v53 =	vld [tilespmem:s3+$0x30];
	v63 =	vbroadcast v1, $0x6;
	v2 =	vmul.f32 v52, v2  }
0x192: {  	v54 =	vld [tilespmem:s3+$0x70];
	v1 =	vbroadcast v1, $0x5;
	v3 =	vmul.f32 v3, v55  }
0x193: {  	v58 =	vld [tilespmem:s3+$0x60];
	v4 =	vmul.f32 v56, v62;
	[tilespmem:s3+$0x0] =	vst v2  }
0x194: {  	v1 =	vmul.f32 v61, v1;
	[tilespmem:s3+$0x20] =	vst v3  }
0x195: {  	v2 =	vmul.f32 v51, v57;
	[tilespmem:s3+$0x10] =	vst v4  }
0x196: {  	v3 =	vmul.f32 v53, v59;
	[tilespmem:s3+$0x50] =	vst v1  }
0x197: {  	[tilespmem:s3+$0x40] =	vst v2;
	v2 =	vmul.f32 v54, v60  }
0x198: {  	[tilespmem:s3+$0x30] =	vst v3;
	v3 =	vmul.f32 v58, v63  }
0x199: {  	[tilespmem:s3+$0x70] =	vst v2  }
0x19a: {  	[tilespmem:s3+$0x60] =	vst v3  }
0x19b: {  	[spmem:s12] =	stream.indirect.scatter.add.f32 [tilespmem:s28], [sflag:$0x5], $0x80, s23, s26, $0xb8;
	[tilespmem:$0x1A6D0] =	vst v63  }
0x19c: {  	s11 =	sadd.s32 $0x1, s11  }
0x19d: {  	[spmem:s13] =	stream.indirect.scatter.add.f32 [tilespmem:s30], [sflag:$0x6], $0x10, s23, s26, $0xb8;
	[tilespmem:$0x1A6D0] =	vst v63  }
0x19e: {  	p0 =	sne.s32 s11, $0x7D;
	_ =	swait.ge [sflag:s24], $0x2800  }
.Ltmp3:
0x19f: {  	[sflag:s24] =	ssyncset.done $0x0;
	(pc) =	sbr.rel @p0 .LBB2_4-.Ltmp3, $4  }
0x1a0: {  	[sflag:s24] =	ssyncadd.s32 $0xFFFFD800  }
0x1a1: {  	_ =	swait.ge [sflag:s25], $0x500  }
0x1a2: {  	[sflag:s25] =	ssyncset.done $0x0  }
0x1a3: {  	[sflag:s25] =	ssyncadd.s32 $0xFFFFFB00  }
0x1a4: {  	[bflag:$0x0] =	sbarrier.arrive $0xFFFF  }
0x1a5: {  	s3 =	sshll.u32 s0, $0x6;
	s31 =	rddreg [dreg:$0xf]  }
0x1a6: {  	s3 =	sor.u32 $0x1C07, s3;
	s5 =	rddreg [dreg:$0x5];
	s4 =	sshrl.u32 s31, $0x3  }
0x1a7: {  	[hbm:s5], [sflag:s3] =	dma.local [spmem:s4], $0x7D0  }
0x1a8: {  	s4 =	sld [smem:$0x7F8];
	_ =	sdelay $0x2  }
0x1a9: {  	s5 =	rddreg [dreg:$0xa];
	s4 =	sshrl.u32 s4, $0x3  }
0x1aa: {  	[hbm:s5], [sflag:s3] =	dma.local [spmem:s4], $0xFA  }
0x1ab: {  	s11 =	rddreg [dreg:$0x10]  }
0x1ac: {  	s5 =	rddreg [dreg:$0x6];
	s8 =	sshrl.u32 s11, $0x3  }
0x1ad: {  	[hbm:s5], [sflag:s3] =	dma.local [spmem:s8], $0x7D0  }
0x1ae: {  	s4 =	sld [smem:$0x7F9];
	_ =	sdelay $0x2  }
0x1af: {  	s5 =	rddreg [dreg:$0xb];
	s4 =	sshrl.u32 s4, $0x3  }
0x1b0: {  	[hbm:s5], [sflag:s3] =	dma.local [spmem:s4], $0xFA  }
0x1b1: {  	s4 =	rddreg [dreg:$0x11]  }
0x1b2: {  	s5 =	rddreg [dreg:$0x7];
	s4 =	sshrl.u32 s4, $0x3  }
0x1b3: {  	[hbm:s5], [sflag:s3] =	dma.local [spmem:s4], $0x7D0  }
0x1b4: {  	s4 =	sld [smem:$0x7FA];
	_ =	sdelay $0x2  }
0x1b5: {  	s5 =	rddreg [dreg:$0xc];
	s4 =	sshrl.u32 s4, $0x3  }
0x1b6: {  	[hbm:s5], [sflag:s3] =	dma.local [spmem:s4], $0xFA  }
0x1b7: {  	s4 =	rddreg [dreg:$0x12]  }
0x1b8: {  	s5 =	rddreg [dreg:$0x8];
	s4 =	sshrl.u32 s4, $0x3  }
0x1b9: {  	[hbm:s5], [sflag:s3] =	dma.local [spmem:s4], $0x7D0  }
0x1ba: {  	s4 =	sld [smem:$0x7FB];
	_ =	sdelay $0x2  }
0x1bb: {  	s5 =	rddreg [dreg:$0xd];
	s4 =	sshrl.u32 s4, $0x3  }
0x1bc: {  	[hbm:s5], [sflag:s3] =	dma.local [spmem:s4], $0xFA  }
0x1bd: {  	s4 =	rddreg [dreg:$0x13]  }
0x1be: {  	s5 =	rddreg [dreg:$0x9];
	s4 =	sshrl.u32 s4, $0x3  }
0x1bf: {  	[hbm:s5], [sflag:s3] =	dma.local [spmem:s4], $0x7D0  }
0x1c0: {  	s8 =	sld [smem:$0x7FD];
	_ =	sdelay $0x2  }
0x1c1: {  	s5 =	rddreg [dreg:$0xe];
	s4 =	sshrl.u32 s8, $0x3  }
0x1c2: {  	[hbm:s5], [sflag:s3] =	dma.local [spmem:s4], $0xFA  }
0x1c3: {  	_ =	swait.ge [sflag:s9], $0x7D0  }
0x1c4: {  	[sflag:s9] =	ssyncset.done $0x0  }
0x1c5: {  	[sflag:s9] =	ssyncadd.s32 $0xFFFFF830  }
0x1c6: {  	_ =	swait.ge [sflag:s9], $0xFA  }
0x1c7: {  	[sflag:s9] =	ssyncset.done $0x0  }
0x1c8: {  	[sflag:s9] =	ssyncadd.s32 $0xFFFFFF06  }
0x1c9: {  	_ =	swait.ge [sflag:s9], $0x7D0  }
0x1ca: {  	[sflag:s9] =	ssyncset.done $0x0  }
0x1cb: {  	[sflag:s9] =	ssyncadd.s32 $0xFFFFF830  }
0x1cc: {  	_ =	swait.ge [sflag:s9], $0xFA  }
0x1cd: {  	[sflag:s9] =	ssyncset.done $0x0  }
0x1ce: {  	[sflag:s9] =	ssyncadd.s32 $0xFFFFFF06  }
0x1cf: {  	_ =	swait.ge [sflag:s9], $0x7D0  }
0x1d0: {  	[sflag:s9] =	ssyncset.done $0x0  }
0x1d1: {  	[sflag:s9] =	ssyncadd.s32 $0xFFFFF830  }
0x1d2: {  	_ =	swait.ge [sflag:s9], $0xFA  }
0x1d3: {  	[sflag:s9] =	ssyncset.done $0x0  }
0x1d4: {  	[sflag:s9] =	ssyncadd.s32 $0xFFFFFF06  }
0x1d5: {  	_ =	swait.ge [sflag:s9], $0x7D0  }
0x1d6: {  	[sflag:s9] =	ssyncset.done $0x0  }
0x1d7: {  	[sflag:s9] =	ssyncadd.s32 $0xFFFFF830  }
0x1d8: {  	_ =	swait.ge [sflag:s9], $0xFA  }
0x1d9: {  	[sflag:s9] =	ssyncset.done $0x0  }
0x1da: {  	[sflag:s9] =	ssyncadd.s32 $0xFFFFFF06  }
0x1db: {  	_ =	swait.ge [sflag:s9], $0x7D0  }
0x1dc: {  	[sflag:s9] =	ssyncset.done $0x0  }
0x1dd: {  	[sflag:s9] =	ssyncadd.s32 $0xFFFFF830  }
0x1de: {  	_ =	swait.ge [sflag:s9], $0xFA  }
0x1df: {  	s3 =	sld [smem:$0x7EF]  }
0x1e0: {  	s5 =	sld [smem:$0x7FC];
	_ =	sdelay $0x1  }
0x1e1: {  	s4 =	sadd.s32 $0x1, s3  }
0x1e2: {  	p0 =	sne.s32 s4, s5  }
.Ltmp4:
0x1e3: {  	_ = 	snop;
	(pc) =	sbr.rel @p0 .LBB2_1-.Ltmp4, $3  }
0x1e4: {  	_ =	sdelay $0x1  }
0x1e5: {  	[sflag:s9] =	ssyncset.done $0x0  }
0x1e6: {  	[sflag:s9] =	ssyncadd.s32 $0xFFFFFF06  }
0x1e7: {  	_ =	sfence.sel $0x180000  }
0x1e8: {  	[bflag:$0x0] =	sbarrier.arrive $0xFFFF  }
0x1e9: {  	_ =	strace $0x90000047  }
0x1ea: {  	[bflag:$0x2] =	sbarrier.arrive $0xFFFF  }
0x1eb: {  	p0 =	sne.s32 s0, $0x0;
	s0 =	rddreg [dreg:$0x4]  }
0x1ec: {  	s0 =	sadd.s32 @!p0 $0x100000, s0  }
0x1ed: {  	[sflag:s0] =	ssyncadd.tile.s32 @!p0 $0x1;
	_ =	shalt  }
.Lfunc_end2:
_tile_overlayer_lowered:
.L_overlay_start_2:
0x1ee: {  	(tag) =	ssettag $0x2  }
0x1ef: {  	s0 =	rddreg [dreg:$0x0];
	s2 =	stileid.u32  }
0x1f0: {  	s1 =	rddreg [dreg:$0x1];
	p0 =	sne.s32 s2, $0x0  }
0x1f1: {  	s3 =	rddreg [dreg:$0x2];
	[bflag:$0x3] =	sbarrier.arrive $0xFFFF;
	s2 =	simm.s32 @!p0 $0x1C08  }
0x1f2: {  	[timem:s3], [sflag:s2] =	dma.local @!p0 [hbm:s0], s1  }
0x1f3: {  	s0 =	simm.s32 @!p0 $0x8  }
0x1f4: {  	_ =	swait.ge @!p0 [sflag:s0], s1  }
0x1f5: {  	s1 =	ssub.s32 @!p0 $0x0, s1;
	[sflag:s0] =	ssyncset.done @!p0 $0x0  }
0x1f6: {  	[sflag:s0] =	ssyncadd.s32 @!p0 s1  }
0x1f7: {  	[bflag:$0x3] =	sbarrier.arrive $0xFFFF  }
0x1f8: {  	_ =	shalt  }

</sc_bundles>
